<compile_context>
chip_gen: v7x
topology: tpu7x:2x2x1
jax: 0.10.2.dev20260603
libtpu: 0.0.44.dev20260713+nightly
codegen_flags: <defaults>
</compile_context>

<pallas_src>
import functools

import jax
import jax.numpy as jnp
from jax import lax
from jax.experimental import pallas as pl
from jax.experimental.pallas import tpu as pltpu
from jax.experimental.pallas import tpu_sc as plsc

N = 10000
E = 320000
P = 128

NC = 2
NS = 16
HC = P // NC
EW = E // NS
K = 16
NCHUNK = EW // K
ZR = 80
RPT = 640


NB = 10
LA = 9


def _sc_kernel(ei, wflat, mu_lo, mu_hi, zeros_hbm, agg_out,
               wparts_out, src_v, dst_v, w_v, rows3, sp_acc, sm_acc, acc,
               *sems):
  gsems = sems[:NB]
  ssems = sems[NB:]
  c = lax.axis_index("c")
  s = lax.axis_index("s")

  z16 = jnp.zeros((16,), jnp.float32)

  @pl.when(c == 0)
  def _():
    def zero_scalar(i, _):
      idx = pl.multiple_of(i * 16, 16)
      sp_acc[pl.ds(idx, 16)] = z16
      sm_acc[pl.ds(idx, 16)] = z16
      return 0
    lax.fori_loop(0, N // 16, zero_scalar, 0)

  for t in range(RPT // ZR):
    @pl.when((s < NS - 1) | (t < 5))
    def _():
      r0 = s * RPT + t * ZR
      pltpu.sync_copy(zeros_hbm.at[pl.ds(r0, ZR)],
                      acc.at[pl.ds(r0, ZR)])
  plsc.subcore_barrier()

  pltpu.sync_copy(ei.at[0, pl.ds(s * EW, EW)], src_v)
  pltpu.sync_copy(ei.at[1, pl.ds(s * EW, EW)], dst_v)

  @pl.when(c == 0)
  def _():
    pltpu.sync_copy(wflat.at[pl.ds(s * EW, EW)], w_v)

  def eix(j):
    return pl.ds(pl.multiple_of(j * K, 16), K)

  def gstart(j, b):
    @pl.when(c == 0)
    def _():
      pltpu.async_copy(mu_lo.at[src_v.at[eix(j)]], rows3.at[b], gsems[b])

    @pl.when(c == 1)
    def _():
      pltpu.async_copy(mu_hi.at[src_v.at[eix(j)]], rows3.at[b], gsems[b])

  def gwait(j, b):
    pltpu.make_async_copy(mu_lo.at[src_v.at[eix(j)]], rows3.at[b],
                          gsems[b]).wait()

  def sstart(j, b):
    pltpu.async_copy(rows3.at[b], acc.at[dst_v.at[eix(j)]], ssems[b],
                     add=True)

  def swait(j, b):
    pltpu.make_async_copy(rows3.at[b], acc.at[dst_v.at[eix(j)]],
                          ssems[b]).wait()

  def scalar_adds(j):
    @pl.when(c == 0)
    def _():
      for m in range(K // 16):
        d16 = dst_v[pl.ds(pl.multiple_of(j * K + m * 16, 16), 16)]
        w16 = w_v[pl.ds(pl.multiple_of(j * K + m * 16, 16), 16)]
        plsc.addupdate_scatter(sp_acc, [d16], jnp.maximum(w16, 0.0))
        plsc.addupdate_scatter(sm_acc, [d16], jnp.maximum(-w16, 0.0))

  for u in range(LA):
    gstart(u, u)

  def body(jj, _):
    for u in range(NB):
      j = jj * NB + u
      bn = (u + LA) % NB
      gwait(j, u)
      sstart(j, u)

      @pl.when(j + LA < NCHUNK)
      def _():
        @pl.when(j + LA >= NB)
        def _():
          swait(j, bn)
        gstart(j + LA, bn)

      scalar_adds(j)
    return 0

  lax.fori_loop(0, NCHUNK // NB, body, 0)

  for u in range(NB):
    swait(NCHUNK - NB + u, u)

  plsc.subcore_barrier()
  for t in range(RPT // ZR):
    @pl.when((s < NS - 1) | (t < 5))
    def _():
      r0 = s * RPT + t * ZR
      pltpu.sync_copy(acc.at[pl.ds(r0, ZR)], agg_out.at[c, pl.ds(r0, ZR)])

  @pl.when(c == 0)
  def _():
    pltpu.sync_copy(sp_acc, wparts_out.at[pl.ds((2 * s) * N, N)])
    pltpu.sync_copy(sm_acc, wparts_out.at[pl.ds((2 * s + 1) * N, N)])


_sc_call = functools.partial(
    pl.kernel,
    out_type=(
        jax.ShapeDtypeStruct((NC, N, HC), jnp.float32),
        jax.ShapeDtypeStruct((NS * 2 * N,), jnp.float32),
    ),
    mesh=plsc.VectorSubcoreMesh(core_axis_name="c", subcore_axis_name="s"),
    compiler_params=pltpu.CompilerParams(
        needs_layout_passes=False, use_tc_tiling_on_sc=False),
    scratch_types=[
        pltpu.VMEM((EW,), jnp.int32),
        pltpu.VMEM((EW,), jnp.int32),
        pltpu.VMEM((EW,), jnp.float32),
        pltpu.VMEM((NB, K, HC), jnp.float32),
        pltpu.VMEM((N,), jnp.float32),
        pltpu.VMEM((N,), jnp.float32),
        pltpu.VMEM_SHARED((N, HC), jnp.float32),
    ] + [pltpu.SemaphoreType.DMA] * (2 * NB),
)(_sc_kernel)


def _tc_kernel(agg_ref, wp_ref, x_ref, m2_ref, selv_ref, a1_ref, c2_ref,
               out_ref):
  pre = jnp.dot(agg_ref[0], m2_ref[:HC], preferred_element_type=jnp.float32)
  pre = pre + jnp.dot(agg_ref[1], m2_ref[HC:],
                      preferred_element_type=jnp.float32)
  pre = pre + jnp.dot(wp_ref[...], selv_ref[...],
                      preferred_element_type=jnp.float32)
  pre = pre + x_ref[...] * a1_ref[...]
  h = jnp.dot(jnp.maximum(pre, 0.0), c2_ref[...],
              preferred_element_type=jnp.float32)
  out_ref[...] = jnp.maximum(h, 0.0)


_BN = 1000
_NP = 2 * NS


def _tc_call(agg, wp, x, m2, selv, a1, c2):
  return pl.pallas_call(
      _tc_kernel,
      grid=(N // _BN,),
      in_specs=[
          pl.BlockSpec((NC, _BN, HC), lambda i: (0, i, 0)),
          pl.BlockSpec((_BN, _NP), lambda i: (i, 0)),
          pl.BlockSpec((_BN, 1), lambda i: (i, 0)),
          pl.BlockSpec((P, P), lambda i: (0, 0)),
          pl.BlockSpec((_NP, P), lambda i: (0, 0)),
          pl.BlockSpec((1, P), lambda i: (0, 0)),
          pl.BlockSpec((P, P), lambda i: (0, 0)),
      ],
      out_specs=pl.BlockSpec((_BN, P), lambda i: (i, 0)),
      out_shape=jax.ShapeDtypeStruct((N, P), jnp.float32),
  )(agg, wp, x, m2, selv, a1, c2)


@jax.jit
def kernel(x, mu, weight, edge_index, theta1_w, theta2_w, theta3_w,
           theta4_w, cat1_w, cat2_w):
  ei = edge_index.astype(jnp.int32)
  wflat = weight.reshape(E)
  mu_lo = mu[:, :HC]
  mu_hi = mu[:, HC:]

  zeros_hbm = jnp.zeros((N, HC), jnp.float32)
  agg_parts, wparts_flat = _sc_call(ei, wflat, mu_lo, mu_hi, zeros_hbm)
  wp = wparts_flat.reshape(2 * NS, N).T

  a_blk = cat1_w[:P]
  b_blk = cat1_w[P:2 * P]
  c_blk = cat1_w[2 * P:]
  m2 = theta2_w @ b_blk
  a1 = theta1_w @ a_blk
  v3p = jnp.maximum(theta4_w, 0.0) @ theta3_w @ c_blk
  v3m = jnp.maximum(-theta4_w, 0.0) @ theta3_w @ c_blk
  selv = jnp.tile(jnp.concatenate([v3p, v3m], axis=0), (NS, 1))

  return _tc_call(agg_parts, wp, x, m2, selv, a1, cat2_w)

# --- scband reference (transcript-rebuilt; emitter-appended) ---
"""Pipeline reference for scband-s2v-13597866459920 (READ-ONLY COPY).

The authoritative reference and input builder live on the scoring server;
editing this copy changes nothing except your own understanding.
"""

import jax, jax.numpy as jnp
import numpy as np

N = 10000
E = 320000
P = 128

def setup_inputs(seed: int = 0) -> dict:
    key = jax.random.key(seed)
    ks = jax.random.split(key, 10)
    x = jax.random.uniform(ks[0], (N, 1), dtype=jnp.float32)
    mu = jax.random.normal(ks[1], (N, P), dtype=jnp.float32)
    weight = jax.random.uniform(ks[2], (E, 1), dtype=jnp.float32)
    edge_index = jax.random.randint(ks[3], (2, E), 0, N, dtype=jnp.int64)
    # learned params (stored as [in, out] so y = x @ W)
    def lin(k, fan_in, fan_out):
        bound = 1.0 / np.sqrt(fan_in)
        return jax.random.uniform(k, (fan_in, fan_out), minval=-bound, maxval=bound, dtype=jnp.float32)
    theta1_w = lin(ks[4], 1, P)
    theta2_w = lin(ks[5], P, P)
    theta3_w = lin(ks[6], P, P)
    theta4_w = lin(ks[7], 1, P)
    cat1_w = lin(ks[8], 3 * P, P)
    cat2_w = lin(ks[9], P, P)
    return {"x": x, "mu": mu, "weight": weight, "edge_index": edge_index,
            "theta1_w": theta1_w, "theta2_w": theta2_w, "theta3_w": theta3_w,
            "theta4_w": theta4_w, "cat1_w": cat1_w, "cat2_w": cat2_w}

def reference(x, mu, weight, edge_index, theta1_w, theta2_w, theta3_w, theta4_w, cat1_w, cat2_w):
    src = edge_index[0]
    dst = edge_index[1]
    part1 = x @ theta1_w
    # gather source node embeddings along edges, scatter-add into destination nodes
    agg_mu = jax.ops.segment_sum(mu[src], dst, num_segments=N)
    part2 = agg_mu @ theta2_w
    w = jax.nn.relu(weight @ theta4_w)
    agg_w = jax.ops.segment_sum(w, dst, num_segments=N)
    part3 = agg_w @ theta3_w
    cat = jnp.concatenate((part1, part2, part3), axis=1)
    h = jax.nn.relu(cat @ cat1_w) @ cat2_w
    mu_update = jax.nn.relu(h)
    return mu_update

if __name__ == "__main__":
    import jax
    _d = setup_inputs()
    print(jax.jit(kernel)(*tuple(_d.values())))

</pallas_src>

<mosaic_0001>
#map = affine_map<(d0, d1) -> (0, 0)>
#map1 = affine_map<(d0, d1) -> (0)>
#map2 = affine_map<(d0, d1) -> (0, 0, 0)>
module attributes {stable_mosaic.version = 14 : i64} {
  func.func @_sc_kernel(%arg0: i32, %arg1: i32, %arg2: memref<2x320000xi32, #tpu.memory_space<hbm>>, %arg3: memref<320000xf32, #tpu.memory_space<hbm>>, %arg4: memref<10000x64xf32, #tpu.memory_space<hbm>>, %arg5: memref<10000x64xf32, #tpu.memory_space<hbm>>, %arg6: memref<10000x64xf32, #tpu.memory_space<hbm>>, %arg7: memref<2x10000x64xf32, #tpu.memory_space<hbm>>, %arg8: memref<320000xf32, #tpu.memory_space<hbm>>, %arg9: memref<20000xi32, #tpu.memory_space<vmem>>, %arg10: memref<20000xi32, #tpu.memory_space<vmem>>, %arg11: memref<20000xf32, #tpu.memory_space<vmem>>, %arg12: memref<10x16x64xf32, #tpu.memory_space<vmem>>, %arg13: memref<10000xf32, #tpu.memory_space<vmem>>, %arg14: memref<10000xf32, #tpu.memory_space<vmem>>, %arg15: memref<10000x64xf32, #tpu.memory_space<vmem_shared>>, %arg16: memref<!tpu.dma_semaphore, #tpu.memory_space<semaphore_mem>>, %arg17: memref<!tpu.dma_semaphore, #tpu.memory_space<semaphore_mem>>, %arg18: memref<!tpu.dma_semaphore, #tpu.memory_space<semaphore_mem>>, %arg19: memref<!tpu.dma_semaphore, #tpu.memory_space<semaphore_mem>>, %arg20: memref<!tpu.dma_semaphore, #tpu.memory_space<semaphore_mem>>, %arg21: memref<!tpu.dma_semaphore, #tpu.memory_space<semaphore_mem>>, %arg22: memref<!tpu.dma_semaphore, #tpu.memory_space<semaphore_mem>>, %arg23: memref<!tpu.dma_semaphore, #tpu.memory_space<semaphore_mem>>, %arg24: memref<!tpu.dma_semaphore, #tpu.memory_space<semaphore_mem>>, %arg25: memref<!tpu.dma_semaphore, #tpu.memory_space<semaphore_mem>>, %arg26: memref<!tpu.dma_semaphore, #tpu.memory_space<semaphore_mem>>, %arg27: memref<!tpu.dma_semaphore, #tpu.memory_space<semaphore_mem>>, %arg28: memref<!tpu.dma_semaphore, #tpu.memory_space<semaphore_mem>>, %arg29: memref<!tpu.dma_semaphore, #tpu.memory_space<semaphore_mem>>, %arg30: memref<!tpu.dma_semaphore, #tpu.memory_space<semaphore_mem>>, %arg31: memref<!tpu.dma_semaphore, #tpu.memory_space<semaphore_mem>>, %arg32: memref<!tpu.dma_semaphore, #tpu.memory_space<semaphore_mem>>, %arg33: memref<!tpu.dma_semaphore, #tpu.memory_space<semaphore_mem>>, %arg34: memref<!tpu.dma_semaphore, #tpu.memory_space<semaphore_mem>>, %arg35: memref<!tpu.dma_semaphore, #tpu.memory_space<semaphore_mem>>) attributes {dimension_semantics = [#tpu.dimension_semantics<core_parallel>, #tpu.dimension_semantics<subcore_parallel>], iteration_bounds = array<i64: 2, 16>, scalar_prefetch = 0 : i64, scratch_operands = 27 : i64, tpu.core_type = #tpu.core_type<sc_vector_subcore>, window_params = [{transform_indices = #map}, {transform_indices = #map1}, {transform_indices = #map}, {transform_indices = #map}, {transform_indices = #map}, {transform_indices = #map2}, {transform_indices = #map1}]} {
    %broadcast_in_dim3A = arith.constant 0.000000e+00 : f32
    %broadcast_in_dim3A_0 = vector.broadcast %broadcast_in_dim3A : f32 to vector<16xf32>
    %eq3A = arith.constant 0 : i32
    %eq3A_1 = arith.cmpi eq, %arg0, %eq3A : i32
    %convert_element_type3A = arith.extui %eq3A_1 : i1 to i32
    %cond3A = arith.constant 0 : i32
    %cond3A_2 = arith.cmpi ne, %convert_element_type3A, %cond3A : i32
    scf.if %cond3A_2 {
      %scan3A_332 = arith.constant 0 : i32
      %scan3A_333 = arith.constant 0 : i32
      %scan3A_334 = arith.constant 625 : i32
      %scan3A_335 = arith.addi %scan3A_333, %scan3A_334 : i32
      %scan3A_336 = arith.constant 1 : i32
      %scan3A_337 = scf.for %scan3A_339 = %scan3A_333 to %scan3A_335 step %scan3A_336 iter_args(%scan3A_340 = %scan3A_332) -> (i32)  : i32 {
        %mul3A_341 = arith.constant 16 : i32
        %mul3A_342 = arith.muli %scan3A_339, %mul3A_341 : i32
        %multiple_of3A_343 = tpu.assume_multiple %mul3A_342, 16 : i32
        %swap3A = arith.index_cast %multiple_of3A_343 : i32 to index
        %swap3A_344 = tpu.vector_load %arg13[%swap3A] {strides = array<i32>} : memref<10000xf32, #tpu.memory_space<vmem>>, vector<16xf32>,
        tpu.vector_store %arg13[%swap3A], %broadcast_in_dim3A_0 {strides = array<i32>} : memref<10000xf32, #tpu.memory_space<vmem>>, vector<16xf32>,
        %swap3A_345 = arith.index_cast %multiple_of3A_343 : i32 to index
        %swap3A_346 = tpu.vector_load %arg14[%swap3A_345] {strides = array<i32>} : memref<10000xf32, #tpu.memory_space<vmem>>, vector<16xf32>,
        tpu.vector_store %arg14[%swap3A_345], %broadcast_in_dim3A_0 {strides = array<i32>} : memref<10000xf32, #tpu.memory_space<vmem>>, vector<16xf32>,
        %scan3A_347 = arith.constant 0 : i32
        scf.yield %scan3A_347 : i32
      }
      %scan3A_338 = arith.constant 625 : i32
    } else {
    }
    %lt3A = arith.constant 15 : i32
    %lt3A_3 = arith.cmpi slt, %arg1, %lt3A : i32
    %or3A = arith.constant true
    %or3A_4 = arith.ori %lt3A_3, %or3A : i1
    %convert_element_type3A_5 = arith.extui %or3A_4 : i1 to i32
    %cond3A_6 = arith.constant 0 : i32
    %cond3A_7 = arith.cmpi ne, %convert_element_type3A_5, %cond3A_6 : i32
    scf.if %cond3A_7 {
      %mul3A_332 = arith.constant 640 : i32
      %mul3A_333 = arith.muli %arg1, %mul3A_332 : i32
      %add3A = arith.constant 0 : i32
      %add3A_334 = arith.addi %mul3A_333, %add3A : i32
      "tpu.region"() ({
        %run_scoped3A_335 = tpu.sem_alloc : memref<!tpu.dma_semaphore, #tpu.memory_space<semaphore_mem>>
        %dma_start3A = arith.constant 0 : i32
        %dma_start3A_336 = tpu.memref_slice %arg15[%add3A_334, %dma_start3A] : memref<10000x64xf32, #tpu.memory_space<vmem_shared>> -> memref<80x64xf32, #tpu.memory_space<vmem_shared>>
        %dma_start3A_337 = arith.constant 0 : i32
        %dma_start3A_338 = tpu.memref_slice %arg6[%add3A_334, %dma_start3A_337] : memref<10000x64xf32, #tpu.memory_space<hbm>> -> memref<80x64xf32, #tpu.memory_space<hbm>>
        tpu.enqueue_dma source(%dma_start3A_338 : memref<80x64xf32, #tpu.memory_space<hbm>>) target(%dma_start3A_336 : memref<80x64xf32, #tpu.memory_space<vmem_shared>>) target_semaphore(%run_scoped3A_335 : memref<!tpu.dma_semaphore, #tpu.memory_space<semaphore_mem>>)
        %dma_wait3A_339 = arith.constant 0 : i32
        %dma_wait3A_340 = tpu.memref_slice %arg15[%add3A_334, %dma_wait3A_339] : memref<10000x64xf32, #tpu.memory_space<vmem_shared>> -> memref<80x64xf32, #tpu.memory_space<vmem_shared>>
        %dma_wait3A_341 = arith.constant 0 : i32
        %dma_wait3A_342 = tpu.memref_slice %arg6[%add3A_334, %dma_wait3A_341] : memref<10000x64xf32, #tpu.memory_space<hbm>> -> memref<80x64xf32, #tpu.memory_space<hbm>>
        tpu.wait_dma2 semaphore(%run_scoped3A_335 : memref<!tpu.dma_semaphore, #tpu.memory_space<semaphore_mem>>) src(%dma_wait3A_342 : memref<80x64xf32, #tpu.memory_space<hbm>>) dst(%dma_wait3A_340 : memref<80x64xf32, #tpu.memory_space<vmem_shared>>)
        tpu.yield
      }) : () -> ()
    } else {
    }
    %lt3A_8 = arith.constant 15 : i32
    %lt3A_9 = arith.cmpi slt, %arg1, %lt3A_8 : i32
    %or3A_10 = arith.constant true
    %or3A_11 = arith.ori %lt3A_9, %or3A_10 : i1
    %convert_element_type3A_12 = arith.extui %or3A_11 : i1 to i32
    %cond3A_13 = arith.constant 0 : i32
    %cond3A_14 = arith.cmpi ne, %convert_element_type3A_12, %cond3A_13 : i32
    scf.if %cond3A_14 {
      %mul3A_332 = arith.constant 640 : i32
      %mul3A_333 = arith.muli %arg1, %mul3A_332 : i32
      %add3A = arith.constant 80 : i32
      %add3A_334 = arith.addi %mul3A_333, %add3A : i32
      "tpu.region"() ({
        %run_scoped3A_335 = tpu.sem_alloc : memref<!tpu.dma_semaphore, #tpu.memory_space<semaphore_mem>>
        %dma_start3A = arith.constant 0 : i32
        %dma_start3A_336 = tpu.memref_slice %arg15[%add3A_334, %dma_start3A] : memref<10000x64xf32, #tpu.memory_space<vmem_shared>> -> memref<80x64xf32, #tpu.memory_space<vmem_shared>>
        %dma_start3A_337 = arith.constant 0 : i32
        %dma_start3A_338 = tpu.memref_slice %arg6[%add3A_334, %dma_start3A_337] : memref<10000x64xf32, #tpu.memory_space<hbm>> -> memref<80x64xf32, #tpu.memory_space<hbm>>
        tpu.enqueue_dma source(%dma_start3A_338 : memref<80x64xf32, #tpu.memory_space<hbm>>) target(%dma_start3A_336 : memref<80x64xf32, #tpu.memory_space<vmem_shared>>) target_semaphore(%run_scoped3A_335 : memref<!tpu.dma_semaphore, #tpu.memory_space<semaphore_mem>>)
        %dma_wait3A_339 = arith.constant 0 : i32
        %dma_wait3A_340 = tpu.memref_slice %arg15[%add3A_334, %dma_wait3A_339] : memref<10000x64xf32, #tpu.memory_space<vmem_shared>> -> memref<80x64xf32, #tpu.memory_space<vmem_shared>>
        %dma_wait3A_341 = arith.constant 0 : i32
        %dma_wait3A_342 = tpu.memref_slice %arg6[%add3A_334, %dma_wait3A_341] : memref<10000x64xf32, #tpu.memory_space<hbm>> -> memref<80x64xf32, #tpu.memory_space<hbm>>
        tpu.wait_dma2 semaphore(%run_scoped3A_335 : memref<!tpu.dma_semaphore, #tpu.memory_space<semaphore_mem>>) src(%dma_wait3A_342 : memref<80x64xf32, #tpu.memory_space<hbm>>) dst(%dma_wait3A_340 : memref<80x64xf32, #tpu.memory_space<vmem_shared>>)
        tpu.yield
      }) : () -> ()
    } else {
    }
    %lt3A_15 = arith.constant 15 : i32
    %lt3A_16 = arith.cmpi slt, %arg1, %lt3A_15 : i32
    %or3A_17 = arith.constant true
    %or3A_18 = arith.ori %lt3A_16, %or3A_17 : i1
    %convert_element_type3A_19 = arith.extui %or3A_18 : i1 to i32
    %cond3A_20 = arith.constant 0 : i32
    %cond3A_21 = arith.cmpi ne, %convert_element_type3A_19, %cond3A_20 : i32
    scf.if %cond3A_21 {
      %mul3A_332 = arith.constant 640 : i32
      %mul3A_333 = arith.muli %arg1, %mul3A_332 : i32
      %add3A = arith.constant 160 : i32
      %add3A_334 = arith.addi %mul3A_333, %add3A : i32
      "tpu.region"() ({
        %run_scoped3A_335 = tpu.sem_alloc : memref<!tpu.dma_semaphore, #tpu.memory_space<semaphore_mem>>
        %dma_start3A = arith.constant 0 : i32
        %dma_start3A_336 = tpu.memref_slice %arg15[%add3A_334, %dma_start3A] : memref<10000x64xf32, #tpu.memory_space<vmem_shared>> -> memref<80x64xf32, #tpu.memory_space<vmem_shared>>
        %dma_start3A_337 = arith.constant 0 : i32
        %dma_start3A_338 = tpu.memref_slice %arg6[%add3A_334, %dma_start3A_337] : memref<10000x64xf32, #tpu.memory_space<hbm>> -> memref<80x64xf32, #tpu.memory_space<hbm>>
        tpu.enqueue_dma source(%dma_start3A_338 : memref<80x64xf32, #tpu.memory_space<hbm>>) target(%dma_start3A_336 : memref<80x64xf32, #tpu.memory_space<vmem_shared>>) target_semaphore(%run_scoped3A_335 : memref<!tpu.dma_semaphore, #tpu.memory_space<semaphore_mem>>)
        %dma_wait3A_339 = arith.constant 0 : i32
        %dma_wait3A_340 = tpu.memref_slice %arg15[%add3A_334, %dma_wait3A_339] : memref<10000x64xf32, #tpu.memory_space<vmem_shared>> -> memref<80x64xf32, #tpu.memory_space<vmem_shared>>
        %dma_wait3A_341 = arith.constant 0 : i32
        %dma_wait3A_342 = tpu.memref_slice %arg6[%add3A_334, %dma_wait3A_341] : memref<10000x64xf32, #tpu.memory_space<hbm>> -> memref<80x64xf32, #tpu.memory_space<hbm>>
        tpu.wait_dma2 semaphore(%run_scoped3A_335 : memref<!tpu.dma_semaphore, #tpu.memory_space<semaphore_mem>>) src(%dma_wait3A_342 : memref<80x64xf32, #tpu.memory_space<hbm>>) dst(%dma_wait3A_340 : memref<80x64xf32, #tpu.memory_space<vmem_shared>>)
        tpu.yield
      }) : () -> ()
    } else {
    }
    %lt3A_22 = arith.constant 15 : i32
    %lt3A_23 = arith.cmpi slt, %arg1, %lt3A_22 : i32
    %or3A_24 = arith.constant true
    %or3A_25 = arith.ori %lt3A_23, %or3A_24 : i1
    %convert_element_type3A_26 = arith.extui %or3A_25 : i1 to i32
    %cond3A_27 = arith.constant 0 : i32
    %cond3A_28 = arith.cmpi ne, %convert_element_type3A_26, %cond3A_27 : i32
    scf.if %cond3A_28 {
      %mul3A_332 = arith.constant 640 : i32
      %mul3A_333 = arith.muli %arg1, %mul3A_332 : i32
      %add3A = arith.constant 240 : i32
      %add3A_334 = arith.addi %mul3A_333, %add3A : i32
      "tpu.region"() ({
        %run_scoped3A_335 = tpu.sem_alloc : memref<!tpu.dma_semaphore, #tpu.memory_space<semaphore_mem>>
        %dma_start3A = arith.constant 0 : i32
        %dma_start3A_336 = tpu.memref_slice %arg15[%add3A_334, %dma_start3A] : memref<10000x64xf32, #tpu.memory_space<vmem_shared>> -> memref<80x64xf32, #tpu.memory_space<vmem_shared>>
        %dma_start3A_337 = arith.constant 0 : i32
        %dma_start3A_338 = tpu.memref_slice %arg6[%add3A_334, %dma_start3A_337] : memref<10000x64xf32, #tpu.memory_space<hbm>> -> memref<80x64xf32, #tpu.memory_space<hbm>>
        tpu.enqueue_dma source(%dma_start3A_338 : memref<80x64xf32, #tpu.memory_space<hbm>>) target(%dma_start3A_336 : memref<80x64xf32, #tpu.memory_space<vmem_shared>>) target_semaphore(%run_scoped3A_335 : memref<!tpu.dma_semaphore, #tpu.memory_space<semaphore_mem>>)
        %dma_wait3A_339 = arith.constant 0 : i32
        %dma_wait3A_340 = tpu.memref_slice %arg15[%add3A_334, %dma_wait3A_339] : memref<10000x64xf32, #tpu.memory_space<vmem_shared>> -> memref<80x64xf32, #tpu.memory_space<vmem_shared>>
        %dma_wait3A_341 = arith.constant 0 : i32
        %dma_wait3A_342 = tpu.memref_slice %arg6[%add3A_334, %dma_wait3A_341] : memref<10000x64xf32, #tpu.memory_space<hbm>> -> memref<80x64xf32, #tpu.memory_space<hbm>>
        tpu.wait_dma2 semaphore(%run_scoped3A_335 : memref<!tpu.dma_semaphore, #tpu.memory_space<semaphore_mem>>) src(%dma_wait3A_342 : memref<80x64xf32, #tpu.memory_space<hbm>>) dst(%dma_wait3A_340 : memref<80x64xf32, #tpu.memory_space<vmem_shared>>)
        tpu.yield
      }) : () -> ()
    } else {
    }
    %lt3A_29 = arith.constant 15 : i32
    %lt3A_30 = arith.cmpi slt, %arg1, %lt3A_29 : i32
    %or3A_31 = arith.constant true
    %or3A_32 = arith.ori %lt3A_30, %or3A_31 : i1
    %convert_element_type3A_33 = arith.extui %or3A_32 : i1 to i32
    %cond3A_34 = arith.constant 0 : i32
    %cond3A_35 = arith.cmpi ne, %convert_element_type3A_33, %cond3A_34 : i32
    scf.if %cond3A_35 {
      %mul3A_332 = arith.constant 640 : i32
      %mul3A_333 = arith.muli %arg1, %mul3A_332 : i32
      %add3A = arith.constant 320 : i32
      %add3A_334 = arith.addi %mul3A_333, %add3A : i32
      "tpu.region"() ({
        %run_scoped3A_335 = tpu.sem_alloc : memref<!tpu.dma_semaphore, #tpu.memory_space<semaphore_mem>>
        %dma_start3A = arith.constant 0 : i32
        %dma_start3A_336 = tpu.memref_slice %arg15[%add3A_334, %dma_start3A] : memref<10000x64xf32, #tpu.memory_space<vmem_shared>> -> memref<80x64xf32, #tpu.memory_space<vmem_shared>>
        %dma_start3A_337 = arith.constant 0 : i32
        %dma_start3A_338 = tpu.memref_slice %arg6[%add3A_334, %dma_start3A_337] : memref<10000x64xf32, #tpu.memory_space<hbm>> -> memref<80x64xf32, #tpu.memory_space<hbm>>
        tpu.enqueue_dma source(%dma_start3A_338 : memref<80x64xf32, #tpu.memory_space<hbm>>) target(%dma_start3A_336 : memref<80x64xf32, #tpu.memory_space<vmem_shared>>) target_semaphore(%run_scoped3A_335 : memref<!tpu.dma_semaphore, #tpu.memory_space<semaphore_mem>>)
        %dma_wait3A_339 = arith.constant 0 : i32
        %dma_wait3A_340 = tpu.memref_slice %arg15[%add3A_334, %dma_wait3A_339] : memref<10000x64xf32, #tpu.memory_space<vmem_shared>> -> memref<80x64xf32, #tpu.memory_space<vmem_shared>>
        %dma_wait3A_341 = arith.constant 0 : i32
        %dma_wait3A_342 = tpu.memref_slice %arg6[%add3A_334, %dma_wait3A_341] : memref<10000x64xf32, #tpu.memory_space<hbm>> -> memref<80x64xf32, #tpu.memory_space<hbm>>
        tpu.wait_dma2 semaphore(%run_scoped3A_335 : memref<!tpu.dma_semaphore, #tpu.memory_space<semaphore_mem>>) src(%dma_wait3A_342 : memref<80x64xf32, #tpu.memory_space<hbm>>) dst(%dma_wait3A_340 : memref<80x64xf32, #tpu.memory_space<vmem_shared>>)
        tpu.yield
      }) : () -> ()
    } else {
    }
    %lt3A_36 = arith.constant 15 : i32
    %lt3A_37 = arith.cmpi slt, %arg1, %lt3A_36 : i32
    %or3A_38 = arith.constant false
    %or3A_39 = arith.ori %lt3A_37, %or3A_38 : i1
    %convert_element_type3A_40 = arith.extui %or3A_39 : i1 to i32
    %cond3A_41 = arith.constant 0 : i32
    %cond3A_42 = arith.cmpi ne, %convert_element_type3A_40, %cond3A_41 : i32
    scf.if %cond3A_42 {
      %mul3A_332 = arith.constant 640 : i32
      %mul3A_333 = arith.muli %arg1, %mul3A_332 : i32
      %add3A = arith.constant 400 : i32
      %add3A_334 = arith.addi %mul3A_333, %add3A : i32
      "tpu.region"() ({
        %run_scoped3A_335 = tpu.sem_alloc : memref<!tpu.dma_semaphore, #tpu.memory_space<semaphore_mem>>
        %dma_start3A = arith.constant 0 : i32
        %dma_start3A_336 = tpu.memref_slice %arg15[%add3A_334, %dma_start3A] : memref<10000x64xf32, #tpu.memory_space<vmem_shared>> -> memref<80x64xf32, #tpu.memory_space<vmem_shared>>
        %dma_start3A_337 = arith.constant 0 : i32
        %dma_start3A_338 = tpu.memref_slice %arg6[%add3A_334, %dma_start3A_337] : memref<10000x64xf32, #tpu.memory_space<hbm>> -> memref<80x64xf32, #tpu.memory_space<hbm>>
        tpu.enqueue_dma source(%dma_start3A_338 : memref<80x64xf32, #tpu.memory_space<hbm>>) target(%dma_start3A_336 : memref<80x64xf32, #tpu.memory_space<vmem_shared>>) target_semaphore(%run_scoped3A_335 : memref<!tpu.dma_semaphore, #tpu.memory_space<semaphore_mem>>)
        %dma_wait3A_339 = arith.constant 0 : i32
        %dma_wait3A_340 = tpu.memref_slice %arg15[%add3A_334, %dma_wait3A_339] : memref<10000x64xf32, #tpu.memory_space<vmem_shared>> -> memref<80x64xf32, #tpu.memory_space<vmem_shared>>
        %dma_wait3A_341 = arith.constant 0 : i32
        %dma_wait3A_342 = tpu.memref_slice %arg6[%add3A_334, %dma_wait3A_341] : memref<10000x64xf32, #tpu.memory_space<hbm>> -> memref<80x64xf32, #tpu.memory_space<hbm>>
        tpu.wait_dma2 semaphore(%run_scoped3A_335 : memref<!tpu.dma_semaphore, #tpu.memory_space<semaphore_mem>>) src(%dma_wait3A_342 : memref<80x64xf32, #tpu.memory_space<hbm>>) dst(%dma_wait3A_340 : memref<80x64xf32, #tpu.memory_space<vmem_shared>>)
        tpu.yield
      }) : () -> ()
    } else {
    }
    %lt3A_43 = arith.constant 15 : i32
    %lt3A_44 = arith.cmpi slt, %arg1, %lt3A_43 : i32
    %or3A_45 = arith.constant false
    %or3A_46 = arith.ori %lt3A_44, %or3A_45 : i1
    %convert_element_type3A_47 = arith.extui %or3A_46 : i1 to i32
    %cond3A_48 = arith.constant 0 : i32
    %cond3A_49 = arith.cmpi ne, %convert_element_type3A_47, %cond3A_48 : i32
    scf.if %cond3A_49 {
      %mul3A_332 = arith.constant 640 : i32
      %mul3A_333 = arith.muli %arg1, %mul3A_332 : i32
      %add3A = arith.constant 480 : i32
      %add3A_334 = arith.addi %mul3A_333, %add3A : i32
      "tpu.region"() ({
        %run_scoped3A_335 = tpu.sem_alloc : memref<!tpu.dma_semaphore, #tpu.memory_space<semaphore_mem>>
        %dma_start3A = arith.constant 0 : i32
        %dma_start3A_336 = tpu.memref_slice %arg15[%add3A_334, %dma_start3A] : memref<10000x64xf32, #tpu.memory_space<vmem_shared>> -> memref<80x64xf32, #tpu.memory_space<vmem_shared>>
        %dma_start3A_337 = arith.constant 0 : i32
        %dma_start3A_338 = tpu.memref_slice %arg6[%add3A_334, %dma_start3A_337] : memref<10000x64xf32, #tpu.memory_space<hbm>> -> memref<80x64xf32, #tpu.memory_space<hbm>>
        tpu.enqueue_dma source(%dma_start3A_338 : memref<80x64xf32, #tpu.memory_space<hbm>>) target(%dma_start3A_336 : memref<80x64xf32, #tpu.memory_space<vmem_shared>>) target_semaphore(%run_scoped3A_335 : memref<!tpu.dma_semaphore, #tpu.memory_space<semaphore_mem>>)
        %dma_wait3A_339 = arith.constant 0 : i32
        %dma_wait3A_340 = tpu.memref_slice %arg15[%add3A_334, %dma_wait3A_339] : memref<10000x64xf32, #tpu.memory_space<vmem_shared>> -> memref<80x64xf32, #tpu.memory_space<vmem_shared>>
        %dma_wait3A_341 = arith.constant 0 : i32
        %dma_wait3A_342 = tpu.memref_slice %arg6[%add3A_334, %dma_wait3A_341] : memref<10000x64xf32, #tpu.memory_space<hbm>> -> memref<80x64xf32, #tpu.memory_space<hbm>>
        tpu.wait_dma2 semaphore(%run_scoped3A_335 : memref<!tpu.dma_semaphore, #tpu.memory_space<semaphore_mem>>) src(%dma_wait3A_342 : memref<80x64xf32, #tpu.memory_space<hbm>>) dst(%dma_wait3A_340 : memref<80x64xf32, #tpu.memory_space<vmem_shared>>)
        tpu.yield
      }) : () -> ()
    } else {
    }
    %lt3A_50 = arith.constant 15 : i32
    %lt3A_51 = arith.cmpi slt, %arg1, %lt3A_50 : i32
    %or3A_52 = arith.constant false
    %or3A_53 = arith.ori %lt3A_51, %or3A_52 : i1
    %convert_element_type3A_54 = arith.extui %or3A_53 : i1 to i32
    %cond3A_55 = arith.constant 0 : i32
    %cond3A_56 = arith.cmpi ne, %convert_element_type3A_54, %cond3A_55 : i32
    scf.if %cond3A_56 {
      %mul3A_332 = arith.constant 640 : i32
      %mul3A_333 = arith.muli %arg1, %mul3A_332 : i32
      %add3A = arith.constant 560 : i32
      %add3A_334 = arith.addi %mul3A_333, %add3A : i32
      "tpu.region"() ({
        %run_scoped3A_335 = tpu.sem_alloc : memref<!tpu.dma_semaphore, #tpu.memory_space<semaphore_mem>>
        %dma_start3A = arith.constant 0 : i32
        %dma_start3A_336 = tpu.memref_slice %arg15[%add3A_334, %dma_start3A] : memref<10000x64xf32, #tpu.memory_space<vmem_shared>> -> memref<80x64xf32, #tpu.memory_space<vmem_shared>>
        %dma_start3A_337 = arith.constant 0 : i32
        %dma_start3A_338 = tpu.memref_slice %arg6[%add3A_334, %dma_start3A_337] : memref<10000x64xf32, #tpu.memory_space<hbm>> -> memref<80x64xf32, #tpu.memory_space<hbm>>
        tpu.enqueue_dma source(%dma_start3A_338 : memref<80x64xf32, #tpu.memory_space<hbm>>) target(%dma_start3A_336 : memref<80x64xf32, #tpu.memory_space<vmem_shared>>) target_semaphore(%run_scoped3A_335 : memref<!tpu.dma_semaphore, #tpu.memory_space<semaphore_mem>>)
        %dma_wait3A_339 = arith.constant 0 : i32
        %dma_wait3A_340 = tpu.memref_slice %arg15[%add3A_334, %dma_wait3A_339] : memref<10000x64xf32, #tpu.memory_space<vmem_shared>> -> memref<80x64xf32, #tpu.memory_space<vmem_shared>>
        %dma_wait3A_341 = arith.constant 0 : i32
        %dma_wait3A_342 = tpu.memref_slice %arg6[%add3A_334, %dma_wait3A_341] : memref<10000x64xf32, #tpu.memory_space<hbm>> -> memref<80x64xf32, #tpu.memory_space<hbm>>
        tpu.wait_dma2 semaphore(%run_scoped3A_335 : memref<!tpu.dma_semaphore, #tpu.memory_space<semaphore_mem>>) src(%dma_wait3A_342 : memref<80x64xf32, #tpu.memory_space<hbm>>) dst(%dma_wait3A_340 : memref<80x64xf32, #tpu.memory_space<vmem_shared>>)
        tpu.yield
      }) : () -> ()
    } else {
    }
    %barrier3A = arith.constant 0 : index
    tpu.barrier barrier_id(%barrier3A)
    %mul3A = arith.constant 20000 : i32
    %mul3A_57 = arith.muli %arg1, %mul3A : i32
    %run_scoped3A = arith.constant 0 : i32
    "tpu.region"() ({
      %run_scoped3A_332 = tpu.sem_alloc : memref<!tpu.dma_semaphore, #tpu.memory_space<semaphore_mem>>
      %dma_start3A = tpu.memref_slice %arg2[%run_scoped3A, %mul3A_57] : memref<2x320000xi32, #tpu.memory_space<hbm>> -> memref<1x20000xi32, #tpu.memory_space<hbm>>
      %dma_start3A_333 = tpu.memref_squeeze %dma_start3A : memref<1x20000xi32, #tpu.memory_space<hbm>> -> memref<20000xi32, #tpu.memory_space<hbm>>
      %dma_start3A_334 = tpu.memref_slice %arg2[%run_scoped3A, %mul3A_57] : memref<2x320000xi32, #tpu.memory_space<hbm>> -> memref<1x20000xi32, #tpu.memory_space<hbm>>
      %dma_start3A_335 = tpu.memref_squeeze %dma_start3A_334 : memref<1x20000xi32, #tpu.memory_space<hbm>> -> memref<20000xi32, #tpu.memory_space<hbm>>
      tpu.enqueue_dma source(%dma_start3A_335 : memref<20000xi32, #tpu.memory_space<hbm>>) target(%arg9 : memref<20000xi32, #tpu.memory_space<vmem>>) target_semaphore(%run_scoped3A_332 : memref<!tpu.dma_semaphore, #tpu.memory_space<semaphore_mem>>)
      %dma_wait3A_336 = tpu.memref_slice %arg2[%run_scoped3A, %mul3A_57] : memref<2x320000xi32, #tpu.memory_space<hbm>> -> memref<1x20000xi32, #tpu.memory_space<hbm>>
      %dma_wait3A_337 = tpu.memref_squeeze %dma_wait3A_336 : memref<1x20000xi32, #tpu.memory_space<hbm>> -> memref<20000xi32, #tpu.memory_space<hbm>>
      %dma_wait3A_338 = tpu.memref_slice %arg2[%run_scoped3A, %mul3A_57] : memref<2x320000xi32, #tpu.memory_space<hbm>> -> memref<1x20000xi32, #tpu.memory_space<hbm>>
      %dma_wait3A_339 = tpu.memref_squeeze %dma_wait3A_338 : memref<1x20000xi32, #tpu.memory_space<hbm>> -> memref<20000xi32, #tpu.memory_space<hbm>>
      tpu.wait_dma2 semaphore(%run_scoped3A_332 : memref<!tpu.dma_semaphore, #tpu.memory_space<semaphore_mem>>) src(%dma_wait3A_339 : memref<20000xi32, #tpu.memory_space<hbm>>) dst(%arg9 : memref<20000xi32, #tpu.memory_space<vmem>>)
      tpu.yield
    }) : () -> ()
    %mul3A_58 = arith.constant 20000 : i32
    %mul3A_59 = arith.muli %arg1, %mul3A_58 : i32
    %run_scoped3A_60 = arith.constant 1 : i32
    "tpu.region"() ({
      %run_scoped3A_332 = tpu.sem_alloc : memref<!tpu.dma_semaphore, #tpu.memory_space<semaphore_mem>>
      %dma_start3A = tpu.memref_slice %arg2[%run_scoped3A_60, %mul3A_59] : memref<2x320000xi32, #tpu.memory_space<hbm>> -> memref<1x20000xi32, #tpu.memory_space<hbm>>
      %dma_start3A_333 = tpu.memref_squeeze %dma_start3A : memref<1x20000xi32, #tpu.memory_space<hbm>> -> memref<20000xi32, #tpu.memory_space<hbm>>
      %dma_start3A_334 = tpu.memref_slice %arg2[%run_scoped3A_60, %mul3A_59] : memref<2x320000xi32, #tpu.memory_space<hbm>> -> memref<1x20000xi32, #tpu.memory_space<hbm>>
      %dma_start3A_335 = tpu.memref_squeeze %dma_start3A_334 : memref<1x20000xi32, #tpu.memory_space<hbm>> -> memref<20000xi32, #tpu.memory_space<hbm>>
      tpu.enqueue_dma source(%dma_start3A_335 : memref<20000xi32, #tpu.memory_space<hbm>>) target(%arg10 : memref<20000xi32, #tpu.memory_space<vmem>>) target_semaphore(%run_scoped3A_332 : memref<!tpu.dma_semaphore, #tpu.memory_space<semaphore_mem>>)
      %dma_wait3A_336 = tpu.memref_slice %arg2[%run_scoped3A_60, %mul3A_59] : memref<2x320000xi32, #tpu.memory_space<hbm>> -> memref<1x20000xi32, #tpu.memory_space<hbm>>
      %dma_wait3A_337 = tpu.memref_squeeze %dma_wait3A_336 : memref<1x20000xi32, #tpu.memory_space<hbm>> -> memref<20000xi32, #tpu.memory_space<hbm>>
      %dma_wait3A_338 = tpu.memref_slice %arg2[%run_scoped3A_60, %mul3A_59] : memref<2x320000xi32, #tpu.memory_space<hbm>> -> memref<1x20000xi32, #tpu.memory_space<hbm>>
      %dma_wait3A_339 = tpu.memref_squeeze %dma_wait3A_338 : memref<1x20000xi32, #tpu.memory_space<hbm>> -> memref<20000xi32, #tpu.memory_space<hbm>>
      tpu.wait_dma2 semaphore(%run_scoped3A_332 : memref<!tpu.dma_semaphore, #tpu.memory_space<semaphore_mem>>) src(%dma_wait3A_339 : memref<20000xi32, #tpu.memory_space<hbm>>) dst(%arg10 : memref<20000xi32, #tpu.memory_space<vmem>>)
      tpu.yield
    }) : () -> ()
    %eq3A_61 = arith.constant 0 : i32
    %eq3A_62 = arith.cmpi eq, %arg0, %eq3A_61 : i32
    %convert_element_type3A_63 = arith.extui %eq3A_62 : i1 to i32
    %cond3A_64 = arith.constant 0 : i32
    %cond3A_65 = arith.cmpi ne, %convert_element_type3A_63, %cond3A_64 : i32
    scf.if %cond3A_65 {
      %mul3A_332 = arith.constant 20000 : i32
      %mul3A_333 = arith.muli %arg1, %mul3A_332 : i32
      "tpu.region"() ({
        %run_scoped3A_334 = tpu.sem_alloc : memref<!tpu.dma_semaphore, #tpu.memory_space<semaphore_mem>>
        %dma_start3A = tpu.memref_slice %arg3[%mul3A_333] : memref<320000xf32, #tpu.memory_space<hbm>> -> memref<20000xf32, #tpu.memory_space<hbm>>
        %dma_start3A_335 = tpu.memref_slice %arg3[%mul3A_333] : memref<320000xf32, #tpu.memory_space<hbm>> -> memref<20000xf32, #tpu.memory_space<hbm>>
        tpu.enqueue_dma source(%dma_start3A_335 : memref<20000xf32, #tpu.memory_space<hbm>>) target(%arg11 : memref<20000xf32, #tpu.memory_space<vmem>>) target_semaphore(%run_scoped3A_334 : memref<!tpu.dma_semaphore, #tpu.memory_space<semaphore_mem>>)
        %dma_wait3A_336 = tpu.memref_slice %arg3[%mul3A_333] : memref<320000xf32, #tpu.memory_space<hbm>> -> memref<20000xf32, #tpu.memory_space<hbm>>
        %dma_wait3A_337 = tpu.memref_slice %arg3[%mul3A_333] : memref<320000xf32, #tpu.memory_space<hbm>> -> memref<20000xf32, #tpu.memory_space<hbm>>
        tpu.wait_dma2 semaphore(%run_scoped3A_334 : memref<!tpu.dma_semaphore, #tpu.memory_space<semaphore_mem>>) src(%dma_wait3A_337 : memref<20000xf32, #tpu.memory_space<hbm>>) dst(%arg11 : memref<20000xf32, #tpu.memory_space<vmem>>)
        tpu.yield
      }) : () -> ()
    } else {
    }
    %eq3A_66 = arith.constant 0 : i32
    %eq3A_67 = arith.cmpi eq, %arg0, %eq3A_66 : i32
    %convert_element_type3A_68 = arith.extui %eq3A_67 : i1 to i32
    %cond3A_69 = arith.constant 0 : i32
    %cond3A_70 = arith.cmpi ne, %convert_element_type3A_68, %cond3A_69 : i32
    scf.if %cond3A_70 {
      %multiple_of3A_332 = arith.constant 0 : i32
      %multiple_of3A_333 = tpu.assume_multiple %multiple_of3A_332, 16 : i32
      %dma_start3A = arith.constant 0 : i32
      %dma_start3A_334 = arith.constant 0 : i32
      %dma_start3A_335 = arith.constant 0 : i32
      %dma_start3A_336 = tpu.memref_slice %arg12[%dma_start3A, %dma_start3A_334, %dma_start3A_335] : memref<10x16x64xf32, #tpu.memory_space<vmem>> -> memref<1x16x64xf32, #tpu.memory_space<vmem>>
      %dma_start3A_337 = tpu.memref_squeeze %dma_start3A_336 : memref<1x16x64xf32, #tpu.memory_space<vmem>> -> memref<16x64xf32, #tpu.memory_space<vmem>>
      %dma_start3A_338 = tpu.memref_slice %arg9[%multiple_of3A_333] : memref<20000xi32, #tpu.memory_space<vmem>> -> memref<16xi32, #tpu.memory_space<vmem>>
      %dma_start3A_339 = arith.constant 0 : i32
      %dma_start3A_340 = arith.constant 0 : i32
      %dma_start3A_341 = tpu.memref_slice %arg4[%dma_start3A_339, %dma_start3A_340] : memref<10000x64xf32, #tpu.memory_space<hbm>> -> memref<10000x64xf32, #tpu.memory_space<hbm>>
      tpu.enqueue_indirect_dma source(%dma_start3A_341 : memref<10000x64xf32, #tpu.memory_space<hbm>>) target(%dma_start3A_337 : memref<16x64xf32, #tpu.memory_space<vmem>>) offsets(%dma_start3A_338 : memref<16xi32, #tpu.memory_space<vmem>>) semaphore(%arg16 : memref<!tpu.dma_semaphore, #tpu.memory_space<semaphore_mem>>)
    } else {
    }
    %eq3A_71 = arith.constant 1 : i32
    %eq3A_72 = arith.cmpi eq, %arg0, %eq3A_71 : i32
    %convert_element_type3A_73 = arith.extui %eq3A_72 : i1 to i32
    %cond3A_74 = arith.constant 0 : i32
    %cond3A_75 = arith.cmpi ne, %convert_element_type3A_73, %cond3A_74 : i32
    scf.if %cond3A_75 {
      %multiple_of3A_332 = arith.constant 0 : i32
      %multiple_of3A_333 = tpu.assume_multiple %multiple_of3A_332, 16 : i32
      %dma_start3A = arith.constant 0 : i32
      %dma_start3A_334 = arith.constant 0 : i32
      %dma_start3A_335 = arith.constant 0 : i32
      %dma_start3A_336 = tpu.memref_slice %arg12[%dma_start3A, %dma_start3A_334, %dma_start3A_335] : memref<10x16x64xf32, #tpu.memory_space<vmem>> -> memref<1x16x64xf32, #tpu.memory_space<vmem>>
      %dma_start3A_337 = tpu.memref_squeeze %dma_start3A_336 : memref<1x16x64xf32, #tpu.memory_space<vmem>> -> memref<16x64xf32, #tpu.memory_space<vmem>>
      %dma_start3A_338 = tpu.memref_slice %arg9[%multiple_of3A_333] : memref<20000xi32, #tpu.memory_space<vmem>> -> memref<16xi32, #tpu.memory_space<vmem>>
      %dma_start3A_339 = arith.constant 0 : i32
      %dma_start3A_340 = arith.constant 0 : i32
      %dma_start3A_341 = tpu.memref_slice %arg5[%dma_start3A_339, %dma_start3A_340] : memref<10000x64xf32, #tpu.memory_space<hbm>> -> memref<10000x64xf32, #tpu.memory_space<hbm>>
      tpu.enqueue_indirect_dma source(%dma_start3A_341 : memref<10000x64xf32, #tpu.memory_space<hbm>>) target(%dma_start3A_337 : memref<16x64xf32, #tpu.memory_space<vmem>>) offsets(%dma_start3A_338 : memref<16xi32, #tpu.memory_space<vmem>>) semaphore(%arg16 : memref<!tpu.dma_semaphore, #tpu.memory_space<semaphore_mem>>)
    } else {
    }
    %eq3A_76 = arith.constant 0 : i32
    %eq3A_77 = arith.cmpi eq, %arg0, %eq3A_76 : i32
    %convert_element_type3A_78 = arith.extui %eq3A_77 : i1 to i32
    %cond3A_79 = arith.constant 0 : i32
    %cond3A_80 = arith.cmpi ne, %convert_element_type3A_78, %cond3A_79 : i32
    scf.if %cond3A_80 {
      %multiple_of3A_332 = arith.constant 16 : i32
      %multiple_of3A_333 = tpu.assume_multiple %multiple_of3A_332, 16 : i32
      %dma_start3A = arith.constant 1 : i32
      %dma_start3A_334 = arith.constant 0 : i32
      %dma_start3A_335 = arith.constant 0 : i32
      %dma_start3A_336 = tpu.memref_slice %arg12[%dma_start3A, %dma_start3A_334, %dma_start3A_335] : memref<10x16x64xf32, #tpu.memory_space<vmem>> -> memref<1x16x64xf32, #tpu.memory_space<vmem>>
      %dma_start3A_337 = tpu.memref_squeeze %dma_start3A_336 : memref<1x16x64xf32, #tpu.memory_space<vmem>> -> memref<16x64xf32, #tpu.memory_space<vmem>>
      %dma_start3A_338 = tpu.memref_slice %arg9[%multiple_of3A_333] : memref<20000xi32, #tpu.memory_space<vmem>> -> memref<16xi32, #tpu.memory_space<vmem>>
      %dma_start3A_339 = arith.constant 0 : i32
      %dma_start3A_340 = arith.constant 0 : i32
      %dma_start3A_341 = tpu.memref_slice %arg4[%dma_start3A_339, %dma_start3A_340] : memref<10000x64xf32, #tpu.memory_space<hbm>> -> memref<10000x64xf32, #tpu.memory_space<hbm>>
      tpu.enqueue_indirect_dma source(%dma_start3A_341 : memref<10000x64xf32, #tpu.memory_space<hbm>>) target(%dma_start3A_337 : memref<16x64xf32, #tpu.memory_space<vmem>>) offsets(%dma_start3A_338 : memref<16xi32, #tpu.memory_space<vmem>>) semaphore(%arg17 : memref<!tpu.dma_semaphore, #tpu.memory_space<semaphore_mem>>)
    } else {
    }
    %eq3A_81 = arith.constant 1 : i32
    %eq3A_82 = arith.cmpi eq, %arg0, %eq3A_81 : i32
    %convert_element_type3A_83 = arith.extui %eq3A_82 : i1 to i32
    %cond3A_84 = arith.constant 0 : i32
    %cond3A_85 = arith.cmpi ne, %convert_element_type3A_83, %cond3A_84 : i32
    scf.if %cond3A_85 {
      %multiple_of3A_332 = arith.constant 16 : i32
      %multiple_of3A_333 = tpu.assume_multiple %multiple_of3A_332, 16 : i32
      %dma_start3A = arith.constant 1 : i32
      %dma_start3A_334 = arith.constant 0 : i32
      %dma_start3A_335 = arith.constant 0 : i32
      %dma_start3A_336 = tpu.memref_slice %arg12[%dma_start3A, %dma_start3A_334, %dma_start3A_335] : memref<10x16x64xf32, #tpu.memory_space<vmem>> -> memref<1x16x64xf32, #tpu.memory_space<vmem>>
      %dma_start3A_337 = tpu.memref_squeeze %dma_start3A_336 : memref<1x16x64xf32, #tpu.memory_space<vmem>> -> memref<16x64xf32, #tpu.memory_space<vmem>>
      %dma_start3A_338 = tpu.memref_slice %arg9[%multiple_of3A_333] : memref<20000xi32, #tpu.memory_space<vmem>> -> memref<16xi32, #tpu.memory_space<vmem>>
      %dma_start3A_339 = arith.constant 0 : i32
      %dma_start3A_340 = arith.constant 0 : i32
      %dma_start3A_341 = tpu.memref_slice %arg5[%dma_start3A_339, %dma_start3A_340] : memref<10000x64xf32, #tpu.memory_space<hbm>> -> memref<10000x64xf32, #tpu.memory_space<hbm>>
      tpu.enqueue_indirect_dma source(%dma_start3A_341 : memref<10000x64xf32, #tpu.memory_space<hbm>>) target(%dma_start3A_337 : memref<16x64xf32, #tpu.memory_space<vmem>>) offsets(%dma_start3A_338 : memref<16xi32, #tpu.memory_space<vmem>>) semaphore(%arg17 : memref<!tpu.dma_semaphore, #tpu.memory_space<semaphore_mem>>)
    } else {
    }
    %eq3A_86 = arith.constant 0 : i32
    %eq3A_87 = arith.cmpi eq, %arg0, %eq3A_86 : i32
    %convert_element_type3A_88 = arith.extui %eq3A_87 : i1 to i32
    %cond3A_89 = arith.constant 0 : i32
    %cond3A_90 = arith.cmpi ne, %convert_element_type3A_88, %cond3A_89 : i32
    scf.if %cond3A_90 {
      %multiple_of3A_332 = arith.constant 32 : i32
      %multiple_of3A_333 = tpu.assume_multiple %multiple_of3A_332, 16 : i32
      %dma_start3A = arith.constant 2 : i32
      %dma_start3A_334 = arith.constant 0 : i32
      %dma_start3A_335 = arith.constant 0 : i32
      %dma_start3A_336 = tpu.memref_slice %arg12[%dma_start3A, %dma_start3A_334, %dma_start3A_335] : memref<10x16x64xf32, #tpu.memory_space<vmem>> -> memref<1x16x64xf32, #tpu.memory_space<vmem>>
      %dma_start3A_337 = tpu.memref_squeeze %dma_start3A_336 : memref<1x16x64xf32, #tpu.memory_space<vmem>> -> memref<16x64xf32, #tpu.memory_space<vmem>>
      %dma_start3A_338 = tpu.memref_slice %arg9[%multiple_of3A_333] : memref<20000xi32, #tpu.memory_space<vmem>> -> memref<16xi32, #tpu.memory_space<vmem>>
      %dma_start3A_339 = arith.constant 0 : i32
      %dma_start3A_340 = arith.constant 0 : i32
      %dma_start3A_341 = tpu.memref_slice %arg4[%dma_start3A_339, %dma_start3A_340] : memref<10000x64xf32, #tpu.memory_space<hbm>> -> memref<10000x64xf32, #tpu.memory_space<hbm>>
      tpu.enqueue_indirect_dma source(%dma_start3A_341 : memref<10000x64xf32, #tpu.memory_space<hbm>>) target(%dma_start3A_337 : memref<16x64xf32, #tpu.memory_space<vmem>>) offsets(%dma_start3A_338 : memref<16xi32, #tpu.memory_space<vmem>>) semaphore(%arg18 : memref<!tpu.dma_semaphore, #tpu.memory_space<semaphore_mem>>)
    } else {
    }
    %eq3A_91 = arith.constant 1 : i32
    %eq3A_92 = arith.cmpi eq, %arg0, %eq3A_91 : i32
    %convert_element_type3A_93 = arith.extui %eq3A_92 : i1 to i32
    %cond3A_94 = arith.constant 0 : i32
    %cond3A_95 = arith.cmpi ne, %convert_element_type3A_93, %cond3A_94 : i32
    scf.if %cond3A_95 {
      %multiple_of3A_332 = arith.constant 32 : i32
      %multiple_of3A_333 = tpu.assume_multiple %multiple_of3A_332, 16 : i32
      %dma_start3A = arith.constant 2 : i32
      %dma_start3A_334 = arith.constant 0 : i32
      %dma_start3A_335 = arith.constant 0 : i32
      %dma_start3A_336 = tpu.memref_slice %arg12[%dma_start3A, %dma_start3A_334, %dma_start3A_335] : memref<10x16x64xf32, #tpu.memory_space<vmem>> -> memref<1x16x64xf32, #tpu.memory_space<vmem>>
      %dma_start3A_337 = tpu.memref_squeeze %dma_start3A_336 : memref<1x16x64xf32, #tpu.memory_space<vmem>> -> memref<16x64xf32, #tpu.memory_space<vmem>>
      %dma_start3A_338 = tpu.memref_slice %arg9[%multiple_of3A_333] : memref<20000xi32, #tpu.memory_space<vmem>> -> memref<16xi32, #tpu.memory_space<vmem>>
      %dma_start3A_339 = arith.constant 0 : i32
      %dma_start3A_340 = arith.constant 0 : i32
      %dma_start3A_341 = tpu.memref_slice %arg5[%dma_start3A_339, %dma_start3A_340] : memref<10000x64xf32, #tpu.memory_space<hbm>> -> memref<10000x64xf32, #tpu.memory_space<hbm>>
      tpu.enqueue_indirect_dma source(%dma_start3A_341 : memref<10000x64xf32, #tpu.memory_space<hbm>>) target(%dma_start3A_337 : memref<16x64xf32, #tpu.memory_space<vmem>>) offsets(%dma_start3A_338 : memref<16xi32, #tpu.memory_space<vmem>>) semaphore(%arg18 : memref<!tpu.dma_semaphore, #tpu.memory_space<semaphore_mem>>)
    } else {
    }
    %eq3A_96 = arith.constant 0 : i32
    %eq3A_97 = arith.cmpi eq, %arg0, %eq3A_96 : i32
    %convert_element_type3A_98 = arith.extui %eq3A_97 : i1 to i32
    %cond3A_99 = arith.constant 0 : i32
    %cond3A_100 = arith.cmpi ne, %convert_element_type3A_98, %cond3A_99 : i32
    scf.if %cond3A_100 {
      %multiple_of3A_332 = arith.constant 48 : i32
      %multiple_of3A_333 = tpu.assume_multiple %multiple_of3A_332, 16 : i32
      %dma_start3A = arith.constant 3 : i32
      %dma_start3A_334 = arith.constant 0 : i32
      %dma_start3A_335 = arith.constant 0 : i32
      %dma_start3A_336 = tpu.memref_slice %arg12[%dma_start3A, %dma_start3A_334, %dma_start3A_335] : memref<10x16x64xf32, #tpu.memory_space<vmem>> -> memref<1x16x64xf32, #tpu.memory_space<vmem>>
      %dma_start3A_337 = tpu.memref_squeeze %dma_start3A_336 : memref<1x16x64xf32, #tpu.memory_space<vmem>> -> memref<16x64xf32, #tpu.memory_space<vmem>>
      %dma_start3A_338 = tpu.memref_slice %arg9[%multiple_of3A_333] : memref<20000xi32, #tpu.memory_space<vmem>> -> memref<16xi32, #tpu.memory_space<vmem>>
      %dma_start3A_339 = arith.constant 0 : i32
      %dma_start3A_340 = arith.constant 0 : i32
      %dma_start3A_341 = tpu.memref_slice %arg4[%dma_start3A_339, %dma_start3A_340] : memref<10000x64xf32, #tpu.memory_space<hbm>> -> memref<10000x64xf32, #tpu.memory_space<hbm>>
      tpu.enqueue_indirect_dma source(%dma_start3A_341 : memref<10000x64xf32, #tpu.memory_space<hbm>>) target(%dma_start3A_337 : memref<16x64xf32, #tpu.memory_space<vmem>>) offsets(%dma_start3A_338 : memref<16xi32, #tpu.memory_space<vmem>>) semaphore(%arg19 : memref<!tpu.dma_semaphore, #tpu.memory_space<semaphore_mem>>)
    } else {
    }
    %eq3A_101 = arith.constant 1 : i32
    %eq3A_102 = arith.cmpi eq, %arg0, %eq3A_101 : i32
    %convert_element_type3A_103 = arith.extui %eq3A_102 : i1 to i32
    %cond3A_104 = arith.constant 0 : i32
    %cond3A_105 = arith.cmpi ne, %convert_element_type3A_103, %cond3A_104 : i32
    scf.if %cond3A_105 {
      %multiple_of3A_332 = arith.constant 48 : i32
      %multiple_of3A_333 = tpu.assume_multiple %multiple_of3A_332, 16 : i32
      %dma_start3A = arith.constant 3 : i32
      %dma_start3A_334 = arith.constant 0 : i32
      %dma_start3A_335 = arith.constant 0 : i32
      %dma_start3A_336 = tpu.memref_slice %arg12[%dma_start3A, %dma_start3A_334, %dma_start3A_335] : memref<10x16x64xf32, #tpu.memory_space<vmem>> -> memref<1x16x64xf32, #tpu.memory_space<vmem>>
      %dma_start3A_337 = tpu.memref_squeeze %dma_start3A_336 : memref<1x16x64xf32, #tpu.memory_space<vmem>> -> memref<16x64xf32, #tpu.memory_space<vmem>>
      %dma_start3A_338 = tpu.memref_slice %arg9[%multiple_of3A_333] : memref<20000xi32, #tpu.memory_space<vmem>> -> memref<16xi32, #tpu.memory_space<vmem>>
      %dma_start3A_339 = arith.constant 0 : i32
      %dma_start3A_340 = arith.constant 0 : i32
      %dma_start3A_341 = tpu.memref_slice %arg5[%dma_start3A_339, %dma_start3A_340] : memref<10000x64xf32, #tpu.memory_space<hbm>> -> memref<10000x64xf32, #tpu.memory_space<hbm>>
      tpu.enqueue_indirect_dma source(%dma_start3A_341 : memref<10000x64xf32, #tpu.memory_space<hbm>>) target(%dma_start3A_337 : memref<16x64xf32, #tpu.memory_space<vmem>>) offsets(%dma_start3A_338 : memref<16xi32, #tpu.memory_space<vmem>>) semaphore(%arg19 : memref<!tpu.dma_semaphore, #tpu.memory_space<semaphore_mem>>)
    } else {
    }
    %eq3A_106 = arith.constant 0 : i32
    %eq3A_107 = arith.cmpi eq, %arg0, %eq3A_106 : i32
    %convert_element_type3A_108 = arith.extui %eq3A_107 : i1 to i32
    %cond3A_109 = arith.constant 0 : i32
    %cond3A_110 = arith.cmpi ne, %convert_element_type3A_108, %cond3A_109 : i32
    scf.if %cond3A_110 {
      %multiple_of3A_332 = arith.constant 64 : i32
      %multiple_of3A_333 = tpu.assume_multiple %multiple_of3A_332, 16 : i32
      %dma_start3A = arith.constant 4 : i32
      %dma_start3A_334 = arith.constant 0 : i32
      %dma_start3A_335 = arith.constant 0 : i32
      %dma_start3A_336 = tpu.memref_slice %arg12[%dma_start3A, %dma_start3A_334, %dma_start3A_335] : memref<10x16x64xf32, #tpu.memory_space<vmem>> -> memref<1x16x64xf32, #tpu.memory_space<vmem>>
      %dma_start3A_337 = tpu.memref_squeeze %dma_start3A_336 : memref<1x16x64xf32, #tpu.memory_space<vmem>> -> memref<16x64xf32, #tpu.memory_space<vmem>>
      %dma_start3A_338 = tpu.memref_slice %arg9[%multiple_of3A_333] : memref<20000xi32, #tpu.memory_space<vmem>> -> memref<16xi32, #tpu.memory_space<vmem>>
      %dma_start3A_339 = arith.constant 0 : i32
      %dma_start3A_340 = arith.constant 0 : i32
      %dma_start3A_341 = tpu.memref_slice %arg4[%dma_start3A_339, %dma_start3A_340] : memref<10000x64xf32, #tpu.memory_space<hbm>> -> memref<10000x64xf32, #tpu.memory_space<hbm>>
      tpu.enqueue_indirect_dma source(%dma_start3A_341 : memref<10000x64xf32, #tpu.memory_space<hbm>>) target(%dma_start3A_337 : memref<16x64xf32, #tpu.memory_space<vmem>>) offsets(%dma_start3A_338 : memref<16xi32, #tpu.memory_space<vmem>>) semaphore(%arg20 : memref<!tpu.dma_semaphore, #tpu.memory_space<semaphore_mem>>)
    } else {
    }
    %eq3A_111 = arith.constant 1 : i32
    %eq3A_112 = arith.cmpi eq, %arg0, %eq3A_111 : i32
    %convert_element_type3A_113 = arith.extui %eq3A_112 : i1 to i32
    %cond3A_114 = arith.constant 0 : i32
    %cond3A_115 = arith.cmpi ne, %convert_element_type3A_113, %cond3A_114 : i32
    scf.if %cond3A_115 {
      %multiple_of3A_332 = arith.constant 64 : i32
      %multiple_of3A_333 = tpu.assume_multiple %multiple_of3A_332, 16 : i32
      %dma_start3A = arith.constant 4 : i32
      %dma_start3A_334 = arith.constant 0 : i32
      %dma_start3A_335 = arith.constant 0 : i32
      %dma_start3A_336 = tpu.memref_slice %arg12[%dma_start3A, %dma_start3A_334, %dma_start3A_335] : memref<10x16x64xf32, #tpu.memory_space<vmem>> -> memref<1x16x64xf32, #tpu.memory_space<vmem>>
      %dma_start3A_337 = tpu.memref_squeeze %dma_start3A_336 : memref<1x16x64xf32, #tpu.memory_space<vmem>> -> memref<16x64xf32, #tpu.memory_space<vmem>>
      %dma_start3A_338 = tpu.memref_slice %arg9[%multiple_of3A_333] : memref<20000xi32, #tpu.memory_space<vmem>> -> memref<16xi32, #tpu.memory_space<vmem>>
      %dma_start3A_339 = arith.constant 0 : i32
      %dma_start3A_340 = arith.constant 0 : i32
      %dma_start3A_341 = tpu.memref_slice %arg5[%dma_start3A_339, %dma_start3A_340] : memref<10000x64xf32, #tpu.memory_space<hbm>> -> memref<10000x64xf32, #tpu.memory_space<hbm>>
      tpu.enqueue_indirect_dma source(%dma_start3A_341 : memref<10000x64xf32, #tpu.memory_space<hbm>>) target(%dma_start3A_337 : memref<16x64xf32, #tpu.memory_space<vmem>>) offsets(%dma_start3A_338 : memref<16xi32, #tpu.memory_space<vmem>>) semaphore(%arg20 : memref<!tpu.dma_semaphore, #tpu.memory_space<semaphore_mem>>)
    } else {
    }
    %eq3A_116 = arith.constant 0 : i32
    %eq3A_117 = arith.cmpi eq, %arg0, %eq3A_116 : i32
    %convert_element_type3A_118 = arith.extui %eq3A_117 : i1 to i32
    %cond3A_119 = arith.constant 0 : i32
    %cond3A_120 = arith.cmpi ne, %convert_element_type3A_118, %cond3A_119 : i32
    scf.if %cond3A_120 {
      %multiple_of3A_332 = arith.constant 80 : i32
      %multiple_of3A_333 = tpu.assume_multiple %multiple_of3A_332, 16 : i32
      %dma_start3A = arith.constant 5 : i32
      %dma_start3A_334 = arith.constant 0 : i32
      %dma_start3A_335 = arith.constant 0 : i32
      %dma_start3A_336 = tpu.memref_slice %arg12[%dma_start3A, %dma_start3A_334, %dma_start3A_335] : memref<10x16x64xf32, #tpu.memory_space<vmem>> -> memref<1x16x64xf32, #tpu.memory_space<vmem>>
      %dma_start3A_337 = tpu.memref_squeeze %dma_start3A_336 : memref<1x16x64xf32, #tpu.memory_space<vmem>> -> memref<16x64xf32, #tpu.memory_space<vmem>>
      %dma_start3A_338 = tpu.memref_slice %arg9[%multiple_of3A_333] : memref<20000xi32, #tpu.memory_space<vmem>> -> memref<16xi32, #tpu.memory_space<vmem>>
      %dma_start3A_339 = arith.constant 0 : i32
      %dma_start3A_340 = arith.constant 0 : i32
      %dma_start3A_341 = tpu.memref_slice %arg4[%dma_start3A_339, %dma_start3A_340] : memref<10000x64xf32, #tpu.memory_space<hbm>> -> memref<10000x64xf32, #tpu.memory_space<hbm>>
      tpu.enqueue_indirect_dma source(%dma_start3A_341 : memref<10000x64xf32, #tpu.memory_space<hbm>>) target(%dma_start3A_337 : memref<16x64xf32, #tpu.memory_space<vmem>>) offsets(%dma_start3A_338 : memref<16xi32, #tpu.memory_space<vmem>>) semaphore(%arg21 : memref<!tpu.dma_semaphore, #tpu.memory_space<semaphore_mem>>)
    } else {
    }
    %eq3A_121 = arith.constant 1 : i32
    %eq3A_122 = arith.cmpi eq, %arg0, %eq3A_121 : i32
    %convert_element_type3A_123 = arith.extui %eq3A_122 : i1 to i32
    %cond3A_124 = arith.constant 0 : i32
    %cond3A_125 = arith.cmpi ne, %convert_element_type3A_123, %cond3A_124 : i32
    scf.if %cond3A_125 {
      %multiple_of3A_332 = arith.constant 80 : i32
      %multiple_of3A_333 = tpu.assume_multiple %multiple_of3A_332, 16 : i32
      %dma_start3A = arith.constant 5 : i32
      %dma_start3A_334 = arith.constant 0 : i32
      %dma_start3A_335 = arith.constant 0 : i32
      %dma_start3A_336 = tpu.memref_slice %arg12[%dma_start3A, %dma_start3A_334, %dma_start3A_335] : memref<10x16x64xf32, #tpu.memory_space<vmem>> -> memref<1x16x64xf32, #tpu.memory_space<vmem>>
      %dma_start3A_337 = tpu.memref_squeeze %dma_start3A_336 : memref<1x16x64xf32, #tpu.memory_space<vmem>> -> memref<16x64xf32, #tpu.memory_space<vmem>>
      %dma_start3A_338 = tpu.memref_slice %arg9[%multiple_of3A_333] : memref<20000xi32, #tpu.memory_space<vmem>> -> memref<16xi32, #tpu.memory_space<vmem>>
      %dma_start3A_339 = arith.constant 0 : i32
      %dma_start3A_340 = arith.constant 0 : i32
      %dma_start3A_341 = tpu.memref_slice %arg5[%dma_start3A_339, %dma_start3A_340] : memref<10000x64xf32, #tpu.memory_space<hbm>> -> memref<10000x64xf32, #tpu.memory_space<hbm>>
      tpu.enqueue_indirect_dma source(%dma_start3A_341 : memref<10000x64xf32, #tpu.memory_space<hbm>>) target(%dma_start3A_337 : memref<16x64xf32, #tpu.memory_space<vmem>>) offsets(%dma_start3A_338 : memref<16xi32, #tpu.memory_space<vmem>>) semaphore(%arg21 : memref<!tpu.dma_semaphore, #tpu.memory_space<semaphore_mem>>)
    } else {
    }
    %eq3A_126 = arith.constant 0 : i32
    %eq3A_127 = arith.cmpi eq, %arg0, %eq3A_126 : i32
    %convert_element_type3A_128 = arith.extui %eq3A_127 : i1 to i32
    %cond3A_129 = arith.constant 0 : i32
    %cond3A_130 = arith.cmpi ne, %convert_element_type3A_128, %cond3A_129 : i32
    scf.if %cond3A_130 {
      %multiple_of3A_332 = arith.constant 96 : i32
      %multiple_of3A_333 = tpu.assume_multiple %multiple_of3A_332, 16 : i32
      %dma_start3A = arith.constant 6 : i32
      %dma_start3A_334 = arith.constant 0 : i32
      %dma_start3A_335 = arith.constant 0 : i32
      %dma_start3A_336 = tpu.memref_slice %arg12[%dma_start3A, %dma_start3A_334, %dma_start3A_335] : memref<10x16x64xf32, #tpu.memory_space<vmem>> -> memref<1x16x64xf32, #tpu.memory_space<vmem>>
      %dma_start3A_337 = tpu.memref_squeeze %dma_start3A_336 : memref<1x16x64xf32, #tpu.memory_space<vmem>> -> memref<16x64xf32, #tpu.memory_space<vmem>>
      %dma_start3A_338 = tpu.memref_slice %arg9[%multiple_of3A_333] : memref<20000xi32, #tpu.memory_space<vmem>> -> memref<16xi32, #tpu.memory_space<vmem>>
      %dma_start3A_339 = arith.constant 0 : i32
      %dma_start3A_340 = arith.constant 0 : i32
      %dma_start3A_341 = tpu.memref_slice %arg4[%dma_start3A_339, %dma_start3A_340] : memref<10000x64xf32, #tpu.memory_space<hbm>> -> memref<10000x64xf32, #tpu.memory_space<hbm>>
      tpu.enqueue_indirect_dma source(%dma_start3A_341 : memref<10000x64xf32, #tpu.memory_space<hbm>>) target(%dma_start3A_337 : memref<16x64xf32, #tpu.memory_space<vmem>>) offsets(%dma_start3A_338 : memref<16xi32, #tpu.memory_space<vmem>>) semaphore(%arg22 : memref<!tpu.dma_semaphore, #tpu.memory_space<semaphore_mem>>)
    } else {
    }
    %eq3A_131 = arith.constant 1 : i32
    %eq3A_132 = arith.cmpi eq, %arg0, %eq3A_131 : i32
    %convert_element_type3A_133 = arith.extui %eq3A_132 : i1 to i32
    %cond3A_134 = arith.constant 0 : i32
    %cond3A_135 = arith.cmpi ne, %convert_element_type3A_133, %cond3A_134 : i32
    scf.if %cond3A_135 {
      %multiple_of3A_332 = arith.constant 96 : i32
      %multiple_of3A_333 = tpu.assume_multiple %multiple_of3A_332, 16 : i32
      %dma_start3A = arith.constant 6 : i32
      %dma_start3A_334 = arith.constant 0 : i32
      %dma_start3A_335 = arith.constant 0 : i32
      %dma_start3A_336 = tpu.memref_slice %arg12[%dma_start3A, %dma_start3A_334, %dma_start3A_335] : memref<10x16x64xf32, #tpu.memory_space<vmem>> -> memref<1x16x64xf32, #tpu.memory_space<vmem>>
      %dma_start3A_337 = tpu.memref_squeeze %dma_start3A_336 : memref<1x16x64xf32, #tpu.memory_space<vmem>> -> memref<16x64xf32, #tpu.memory_space<vmem>>
      %dma_start3A_338 = tpu.memref_slice %arg9[%multiple_of3A_333] : memref<20000xi32, #tpu.memory_space<vmem>> -> memref<16xi32, #tpu.memory_space<vmem>>
      %dma_start3A_339 = arith.constant 0 : i32
      %dma_start3A_340 = arith.constant 0 : i32
      %dma_start3A_341 = tpu.memref_slice %arg5[%dma_start3A_339, %dma_start3A_340] : memref<10000x64xf32, #tpu.memory_space<hbm>> -> memref<10000x64xf32, #tpu.memory_space<hbm>>
      tpu.enqueue_indirect_dma source(%dma_start3A_341 : memref<10000x64xf32, #tpu.memory_space<hbm>>) target(%dma_start3A_337 : memref<16x64xf32, #tpu.memory_space<vmem>>) offsets(%dma_start3A_338 : memref<16xi32, #tpu.memory_space<vmem>>) semaphore(%arg22 : memref<!tpu.dma_semaphore, #tpu.memory_space<semaphore_mem>>)
    } else {
    }
    %eq3A_136 = arith.constant 0 : i32
    %eq3A_137 = arith.cmpi eq, %arg0, %eq3A_136 : i32
    %convert_element_type3A_138 = arith.extui %eq3A_137 : i1 to i32
    %cond3A_139 = arith.constant 0 : i32
    %cond3A_140 = arith.cmpi ne, %convert_element_type3A_138, %cond3A_139 : i32
    scf.if %cond3A_140 {
      %multiple_of3A_332 = arith.constant 112 : i32
      %multiple_of3A_333 = tpu.assume_multiple %multiple_of3A_332, 16 : i32
      %dma_start3A = arith.constant 7 : i32
      %dma_start3A_334 = arith.constant 0 : i32
      %dma_start3A_335 = arith.constant 0 : i32
      %dma_start3A_336 = tpu.memref_slice %arg12[%dma_start3A, %dma_start3A_334, %dma_start3A_335] : memref<10x16x64xf32, #tpu.memory_space<vmem>> -> memref<1x16x64xf32, #tpu.memory_space<vmem>>
      %dma_start3A_337 = tpu.memref_squeeze %dma_start3A_336 : memref<1x16x64xf32, #tpu.memory_space<vmem>> -> memref<16x64xf32, #tpu.memory_space<vmem>>
      %dma_start3A_338 = tpu.memref_slice %arg9[%multiple_of3A_333] : memref<20000xi32, #tpu.memory_space<vmem>> -> memref<16xi32, #tpu.memory_space<vmem>>
      %dma_start3A_339 = arith.constant 0 : i32
      %dma_start3A_340 = arith.constant 0 : i32
      %dma_start3A_341 = tpu.memref_slice %arg4[%dma_start3A_339, %dma_start3A_340] : memref<10000x64xf32, #tpu.memory_space<hbm>> -> memref<10000x64xf32, #tpu.memory_space<hbm>>
      tpu.enqueue_indirect_dma source(%dma_start3A_341 : memref<10000x64xf32, #tpu.memory_space<hbm>>) target(%dma_start3A_337 : memref<16x64xf32, #tpu.memory_space<vmem>>) offsets(%dma_start3A_338 : memref<16xi32, #tpu.memory_space<vmem>>) semaphore(%arg23 : memref<!tpu.dma_semaphore, #tpu.memory_space<semaphore_mem>>)
    } else {
    }
    %eq3A_141 = arith.constant 1 : i32
    %eq3A_142 = arith.cmpi eq, %arg0, %eq3A_141 : i32
    %convert_element_type3A_143 = arith.extui %eq3A_142 : i1 to i32
    %cond3A_144 = arith.constant 0 : i32
    %cond3A_145 = arith.cmpi ne, %convert_element_type3A_143, %cond3A_144 : i32
    scf.if %cond3A_145 {
      %multiple_of3A_332 = arith.constant 112 : i32
      %multiple_of3A_333 = tpu.assume_multiple %multiple_of3A_332, 16 : i32
      %dma_start3A = arith.constant 7 : i32
      %dma_start3A_334 = arith.constant 0 : i32
      %dma_start3A_335 = arith.constant 0 : i32
      %dma_start3A_336 = tpu.memref_slice %arg12[%dma_start3A, %dma_start3A_334, %dma_start3A_335] : memref<10x16x64xf32, #tpu.memory_space<vmem>> -> memref<1x16x64xf32, #tpu.memory_space<vmem>>
      %dma_start3A_337 = tpu.memref_squeeze %dma_start3A_336 : memref<1x16x64xf32, #tpu.memory_space<vmem>> -> memref<16x64xf32, #tpu.memory_space<vmem>>
      %dma_start3A_338 = tpu.memref_slice %arg9[%multiple_of3A_333] : memref<20000xi32, #tpu.memory_space<vmem>> -> memref<16xi32, #tpu.memory_space<vmem>>
      %dma_start3A_339 = arith.constant 0 : i32
      %dma_start3A_340 = arith.constant 0 : i32
      %dma_start3A_341 = tpu.memref_slice %arg5[%dma_start3A_339, %dma_start3A_340] : memref<10000x64xf32, #tpu.memory_space<hbm>> -> memref<10000x64xf32, #tpu.memory_space<hbm>>
      tpu.enqueue_indirect_dma source(%dma_start3A_341 : memref<10000x64xf32, #tpu.memory_space<hbm>>) target(%dma_start3A_337 : memref<16x64xf32, #tpu.memory_space<vmem>>) offsets(%dma_start3A_338 : memref<16xi32, #tpu.memory_space<vmem>>) semaphore(%arg23 : memref<!tpu.dma_semaphore, #tpu.memory_space<semaphore_mem>>)
    } else {
    }
    %eq3A_146 = arith.constant 0 : i32
    %eq3A_147 = arith.cmpi eq, %arg0, %eq3A_146 : i32
    %convert_element_type3A_148 = arith.extui %eq3A_147 : i1 to i32
    %cond3A_149 = arith.constant 0 : i32
    %cond3A_150 = arith.cmpi ne, %convert_element_type3A_148, %cond3A_149 : i32
    scf.if %cond3A_150 {
      %multiple_of3A_332 = arith.constant 128 : i32
      %multiple_of3A_333 = tpu.assume_multiple %multiple_of3A_332, 16 : i32
      %dma_start3A = arith.constant 8 : i32
      %dma_start3A_334 = arith.constant 0 : i32
      %dma_start3A_335 = arith.constant 0 : i32
      %dma_start3A_336 = tpu.memref_slice %arg12[%dma_start3A, %dma_start3A_334, %dma_start3A_335] : memref<10x16x64xf32, #tpu.memory_space<vmem>> -> memref<1x16x64xf32, #tpu.memory_space<vmem>>
      %dma_start3A_337 = tpu.memref_squeeze %dma_start3A_336 : memref<1x16x64xf32, #tpu.memory_space<vmem>> -> memref<16x64xf32, #tpu.memory_space<vmem>>
      %dma_start3A_338 = tpu.memref_slice %arg9[%multiple_of3A_333] : memref<20000xi32, #tpu.memory_space<vmem>> -> memref<16xi32, #tpu.memory_space<vmem>>
      %dma_start3A_339 = arith.constant 0 : i32
      %dma_start3A_340 = arith.constant 0 : i32
      %dma_start3A_341 = tpu.memref_slice %arg4[%dma_start3A_339, %dma_start3A_340] : memref<10000x64xf32, #tpu.memory_space<hbm>> -> memref<10000x64xf32, #tpu.memory_space<hbm>>
      tpu.enqueue_indirect_dma source(%dma_start3A_341 : memref<10000x64xf32, #tpu.memory_space<hbm>>) target(%dma_start3A_337 : memref<16x64xf32, #tpu.memory_space<vmem>>) offsets(%dma_start3A_338 : memref<16xi32, #tpu.memory_space<vmem>>) semaphore(%arg24 : memref<!tpu.dma_semaphore, #tpu.memory_space<semaphore_mem>>)
    } else {
    }
    %eq3A_151 = arith.constant 1 : i32
    %eq3A_152 = arith.cmpi eq, %arg0, %eq3A_151 : i32
    %convert_element_type3A_153 = arith.extui %eq3A_152 : i1 to i32
    %cond3A_154 = arith.constant 0 : i32
    %cond3A_155 = arith.cmpi ne, %convert_element_type3A_153, %cond3A_154 : i32
    scf.if %cond3A_155 {
      %multiple_of3A_332 = arith.constant 128 : i32
      %multiple_of3A_333 = tpu.assume_multiple %multiple_of3A_332, 16 : i32
      %dma_start3A = arith.constant 8 : i32
      %dma_start3A_334 = arith.constant 0 : i32
      %dma_start3A_335 = arith.constant 0 : i32
      %dma_start3A_336 = tpu.memref_slice %arg12[%dma_start3A, %dma_start3A_334, %dma_start3A_335] : memref<10x16x64xf32, #tpu.memory_space<vmem>> -> memref<1x16x64xf32, #tpu.memory_space<vmem>>
      %dma_start3A_337 = tpu.memref_squeeze %dma_start3A_336 : memref<1x16x64xf32, #tpu.memory_space<vmem>> -> memref<16x64xf32, #tpu.memory_space<vmem>>
      %dma_start3A_338 = tpu.memref_slice %arg9[%multiple_of3A_333] : memref<20000xi32, #tpu.memory_space<vmem>> -> memref<16xi32, #tpu.memory_space<vmem>>
      %dma_start3A_339 = arith.constant 0 : i32
      %dma_start3A_340 = arith.constant 0 : i32
      %dma_start3A_341 = tpu.memref_slice %arg5[%dma_start3A_339, %dma_start3A_340] : memref<10000x64xf32, #tpu.memory_space<hbm>> -> memref<10000x64xf32, #tpu.memory_space<hbm>>
      tpu.enqueue_indirect_dma source(%dma_start3A_341 : memref<10000x64xf32, #tpu.memory_space<hbm>>) target(%dma_start3A_337 : memref<16x64xf32, #tpu.memory_space<vmem>>) offsets(%dma_start3A_338 : memref<16xi32, #tpu.memory_space<vmem>>) semaphore(%arg24 : memref<!tpu.dma_semaphore, #tpu.memory_space<semaphore_mem>>)
    } else {
    }
    %scan3A = arith.constant 0 : i32
    %scan3A_156 = arith.constant 0 : i32
    %scan3A_157 = arith.constant 125 : i32
    %scan3A_158 = arith.addi %scan3A_156, %scan3A_157 : i32
    %scan3A_159 = arith.constant 1 : i32
    %scan3A_160 = scf.for %scan3A_332 = %scan3A_156 to %scan3A_158 step %scan3A_159 iter_args(%scan3A_333 = %scan3A) -> (i32)  : i32 {
      %mul3A_334 = arith.constant 10 : i32
      %mul3A_335 = arith.muli %scan3A_332, %mul3A_334 : i32
      %add3A = arith.constant 0 : i32
      %add3A_336 = arith.addi %mul3A_335, %add3A : i32
      %mul3A_337 = arith.constant 16 : i32
      %mul3A_338 = arith.muli %add3A_336, %mul3A_337 : i32
      %multiple_of3A_339 = tpu.assume_multiple %mul3A_338, 16 : i32
      %dma_wait3A_340 = arith.constant 0 : i32
      %dma_wait3A_341 = arith.constant 0 : i32
      %dma_wait3A_342 = arith.constant 0 : i32
      %dma_wait3A_343 = tpu.memref_slice %arg12[%dma_wait3A_340, %dma_wait3A_341, %dma_wait3A_342] : memref<10x16x64xf32, #tpu.memory_space<vmem>> -> memref<1x16x64xf32, #tpu.memory_space<vmem>>
      %dma_wait3A_344 = tpu.memref_squeeze %dma_wait3A_343 : memref<1x16x64xf32, #tpu.memory_space<vmem>> -> memref<16x64xf32, #tpu.memory_space<vmem>>
      %dma_wait3A_345 = tpu.memref_slice %arg9[%multiple_of3A_339] : memref<20000xi32, #tpu.memory_space<vmem>> -> memref<16xi32, #tpu.memory_space<vmem>>
      %dma_wait3A_346 = arith.constant 0 : i32
      %dma_wait3A_347 = arith.constant 0 : i32
      %dma_wait3A_348 = tpu.memref_slice %arg4[%dma_wait3A_346, %dma_wait3A_347] : memref<10000x64xf32, #tpu.memory_space<hbm>> -> memref<10000x64xf32, #tpu.memory_space<hbm>>
      tpu.wait_indirect_dma semaphore(%arg16 : memref<!tpu.dma_semaphore, #tpu.memory_space<semaphore_mem>>) src(%dma_wait3A_348 : memref<10000x64xf32, #tpu.memory_space<hbm>>) dst(%dma_wait3A_344 : memref<16x64xf32, #tpu.memory_space<vmem>>)
      %mul3A_349 = arith.constant 16 : i32
      %mul3A_350 = arith.muli %add3A_336, %mul3A_349 : i32
      %multiple_of3A_351 = tpu.assume_multiple %mul3A_350, 16 : i32
      %dma_start3A = arith.constant 0 : i32
      %dma_start3A_352 = arith.constant 0 : i32
      %dma_start3A_353 = arith.constant 0 : i32
      %dma_start3A_354 = tpu.memref_slice %arg12[%dma_start3A, %dma_start3A_352, %dma_start3A_353] : memref<10x16x64xf32, #tpu.memory_space<vmem>> -> memref<1x16x64xf32, #tpu.memory_space<vmem>>
      %dma_start3A_355 = tpu.memref_squeeze %dma_start3A_354 : memref<1x16x64xf32, #tpu.memory_space<vmem>> -> memref<16x64xf32, #tpu.memory_space<vmem>>
      %dma_start3A_356 = tpu.memref_slice %arg10[%multiple_of3A_351] : memref<20000xi32, #tpu.memory_space<vmem>> -> memref<16xi32, #tpu.memory_space<vmem>>
      %dma_start3A_357 = arith.constant 0 : i32
      %dma_start3A_358 = arith.constant 0 : i32
      %dma_start3A_359 = tpu.memref_slice %arg15[%dma_start3A_357, %dma_start3A_358] : memref<10000x64xf32, #tpu.memory_space<vmem_shared>> -> memref<10000x64xf32, #tpu.memory_space<vmem_shared>>
      tpu.enqueue_indirect_dma source(%dma_start3A_355 : memref<16x64xf32, #tpu.memory_space<vmem>>) target(%dma_start3A_359 : memref<10000x64xf32, #tpu.memory_space<vmem_shared>>) offsets(%dma_start3A_356 : memref<16xi32, #tpu.memory_space<vmem>>) semaphore(%arg26 : memref<!tpu.dma_semaphore, #tpu.memory_space<semaphore_mem>>) {add = true}
      %add3A_360 = arith.constant 9 : i32
      %add3A_361 = arith.addi %add3A_336, %add3A_360 : i32
      %lt3A_362 = arith.constant 1250 : i32
      %lt3A_363 = arith.cmpi slt, %add3A_361, %lt3A_362 : i32
      %convert_element_type3A_364 = arith.extui %lt3A_363 : i1 to i32
      %cond3A_365 = arith.constant 0 : i32
      %cond3A_366 = arith.cmpi ne, %convert_element_type3A_364, %cond3A_365 : i32
      scf.if %cond3A_366 {
        %add3A_733 = arith.constant 9 : i32
        %add3A_734 = arith.addi %add3A_336, %add3A_733 : i32
        %ge3A = arith.constant 10 : i32
        %ge3A_735 = arith.cmpi sge, %add3A_734, %ge3A : i32
        %convert_element_type3A_736 = arith.extui %ge3A_735 : i1 to i32
        %cond3A_737 = arith.constant 0 : i32
        %cond3A_738 = arith.cmpi ne, %convert_element_type3A_736, %cond3A_737 : i32
        scf.if %cond3A_738 {
          %mul3A_751 = arith.constant 16 : i32
          %mul3A_752 = arith.muli %add3A_336, %mul3A_751 : i32
          %multiple_of3A_753 = tpu.assume_multiple %mul3A_752, 16 : i32
          %dma_wait3A_754 = arith.constant 9 : i32
          %dma_wait3A_755 = arith.constant 0 : i32
          %dma_wait3A_756 = arith.constant 0 : i32
          %dma_wait3A_757 = tpu.memref_slice %arg12[%dma_wait3A_754, %dma_wait3A_755, %dma_wait3A_756] : memref<10x16x64xf32, #tpu.memory_space<vmem>> -> memref<1x16x64xf32, #tpu.memory_space<vmem>>
          %dma_wait3A_758 = tpu.memref_squeeze %dma_wait3A_757 : memref<1x16x64xf32, #tpu.memory_space<vmem>> -> memref<16x64xf32, #tpu.memory_space<vmem>>
          %dma_wait3A_759 = tpu.memref_slice %arg10[%multiple_of3A_753] : memref<20000xi32, #tpu.memory_space<vmem>> -> memref<16xi32, #tpu.memory_space<vmem>>
          %dma_wait3A_760 = arith.constant 0 : i32
          %dma_wait3A_761 = arith.constant 0 : i32
          %dma_wait3A_762 = tpu.memref_slice %arg15[%dma_wait3A_760, %dma_wait3A_761] : memref<10000x64xf32, #tpu.memory_space<vmem_shared>> -> memref<10000x64xf32, #tpu.memory_space<vmem_shared>>
          tpu.wait_indirect_dma semaphore(%arg35 : memref<!tpu.dma_semaphore, #tpu.memory_space<semaphore_mem>>) src(%dma_wait3A_758 : memref<16x64xf32, #tpu.memory_space<vmem>>) dst(%dma_wait3A_762 : memref<10000x64xf32, #tpu.memory_space<vmem_shared>>)
        } else {
        }
        %add3A_739 = arith.constant 9 : i32
        %add3A_740 = arith.addi %add3A_336, %add3A_739 : i32
        %eq3A_741 = arith.constant 0 : i32
        %eq3A_742 = arith.cmpi eq, %arg0, %eq3A_741 : i32
        %convert_element_type3A_743 = arith.extui %eq3A_742 : i1 to i32
        %cond3A_744 = arith.constant 0 : i32
        %cond3A_745 = arith.cmpi ne, %convert_element_type3A_743, %cond3A_744 : i32
        scf.if %cond3A_745 {
          %mul3A_751 = arith.constant 16 : i32
          %mul3A_752 = arith.muli %add3A_740, %mul3A_751 : i32
          %multiple_of3A_753 = tpu.assume_multiple %mul3A_752, 16 : i32
          %dma_start3A_754 = arith.constant 9 : i32
          %dma_start3A_755 = arith.constant 0 : i32
          %dma_start3A_756 = arith.constant 0 : i32
          %dma_start3A_757 = tpu.memref_slice %arg12[%dma_start3A_754, %dma_start3A_755, %dma_start3A_756] : memref<10x16x64xf32, #tpu.memory_space<vmem>> -> memref<1x16x64xf32, #tpu.memory_space<vmem>>
          %dma_start3A_758 = tpu.memref_squeeze %dma_start3A_757 : memref<1x16x64xf32, #tpu.memory_space<vmem>> -> memref<16x64xf32, #tpu.memory_space<vmem>>
          %dma_start3A_759 = tpu.memref_slice %arg9[%multiple_of3A_753] : memref<20000xi32, #tpu.memory_space<vmem>> -> memref<16xi32, #tpu.memory_space<vmem>>
          %dma_start3A_760 = arith.constant 0 : i32
          %dma_start3A_761 = arith.constant 0 : i32
          %dma_start3A_762 = tpu.memref_slice %arg4[%dma_start3A_760, %dma_start3A_761] : memref<10000x64xf32, #tpu.memory_space<hbm>> -> memref<10000x64xf32, #tpu.memory_space<hbm>>
          tpu.enqueue_indirect_dma source(%dma_start3A_762 : memref<10000x64xf32, #tpu.memory_space<hbm>>) target(%dma_start3A_758 : memref<16x64xf32, #tpu.memory_space<vmem>>) offsets(%dma_start3A_759 : memref<16xi32, #tpu.memory_space<vmem>>) semaphore(%arg25 : memref<!tpu.dma_semaphore, #tpu.memory_space<semaphore_mem>>)
        } else {
        }
        %eq3A_746 = arith.constant 1 : i32
        %eq3A_747 = arith.cmpi eq, %arg0, %eq3A_746 : i32
        %convert_element_type3A_748 = arith.extui %eq3A_747 : i1 to i32
        %cond3A_749 = arith.constant 0 : i32
        %cond3A_750 = arith.cmpi ne, %convert_element_type3A_748, %cond3A_749 : i32
        scf.if %cond3A_750 {
          %mul3A_751 = arith.constant 16 : i32
          %mul3A_752 = arith.muli %add3A_740, %mul3A_751 : i32
          %multiple_of3A_753 = tpu.assume_multiple %mul3A_752, 16 : i32
          %dma_start3A_754 = arith.constant 9 : i32
          %dma_start3A_755 = arith.constant 0 : i32
          %dma_start3A_756 = arith.constant 0 : i32
          %dma_start3A_757 = tpu.memref_slice %arg12[%dma_start3A_754, %dma_start3A_755, %dma_start3A_756] : memref<10x16x64xf32, #tpu.memory_space<vmem>> -> memref<1x16x64xf32, #tpu.memory_space<vmem>>
          %dma_start3A_758 = tpu.memref_squeeze %dma_start3A_757 : memref<1x16x64xf32, #tpu.memory_space<vmem>> -> memref<16x64xf32, #tpu.memory_space<vmem>>
          %dma_start3A_759 = tpu.memref_slice %arg9[%multiple_of3A_753] : memref<20000xi32, #tpu.memory_space<vmem>> -> memref<16xi32, #tpu.memory_space<vmem>>
          %dma_start3A_760 = arith.constant 0 : i32
          %dma_start3A_761 = arith.constant 0 : i32
          %dma_start3A_762 = tpu.memref_slice %arg5[%dma_start3A_760, %dma_start3A_761] : memref<10000x64xf32, #tpu.memory_space<hbm>> -> memref<10000x64xf32, #tpu.memory_space<hbm>>
          tpu.enqueue_indirect_dma source(%dma_start3A_762 : memref<10000x64xf32, #tpu.memory_space<hbm>>) target(%dma_start3A_758 : memref<16x64xf32, #tpu.memory_space<vmem>>) offsets(%dma_start3A_759 : memref<16xi32, #tpu.memory_space<vmem>>) semaphore(%arg25 : memref<!tpu.dma_semaphore, #tpu.memory_space<semaphore_mem>>)
        } else {
        }
      } else {
      }
      %eq3A_367 = arith.constant 0 : i32
      %eq3A_368 = arith.cmpi eq, %arg0, %eq3A_367 : i32
      %convert_element_type3A_369 = arith.extui %eq3A_368 : i1 to i32
      %cond3A_370 = arith.constant 0 : i32
      %cond3A_371 = arith.cmpi ne, %convert_element_type3A_369, %cond3A_370 : i32
      scf.if %cond3A_371 {
        %mul3A_733 = arith.constant 16 : i32
        %mul3A_734 = arith.muli %add3A_336, %mul3A_733 : i32
        %add3A_735 = arith.constant 0 : i32
        %add3A_736 = arith.addi %mul3A_734, %add3A_735 : i32
        %multiple_of3A_737 = tpu.assume_multiple %add3A_736, 16 : i32
        %get3A = arith.index_cast %multiple_of3A_737 : i32 to index
        %get3A_738 = tpu.vector_load %arg10[%get3A] {strides = array<i32>} : memref<20000xi32, #tpu.memory_space<vmem>>, vector<16xi32>,
        %mul3A_739 = arith.constant 16 : i32
        %mul3A_740 = arith.muli %add3A_336, %mul3A_739 : i32
        %add3A_741 = arith.constant 0 : i32
        %add3A_742 = arith.addi %mul3A_740, %add3A_741 : i32
        %multiple_of3A_743 = tpu.assume_multiple %add3A_742, 16 : i32
        %get3A_744 = arith.index_cast %multiple_of3A_743 : i32 to index
        %get3A_745 = tpu.vector_load %arg11[%get3A_744] {strides = array<i32>} : memref<20000xf32, #tpu.memory_space<vmem>>, vector<16xf32>,
        %max3A = arith.constant 0.000000e+00 : f32
        %max3A_746 = vector.broadcast %max3A : f32 to vector<16xf32>
        %max3A_747 = arith.maximumf %get3A_745, %max3A_746 : vector<16xf32>
        tpu.vector_store_idx %arg13[%get3A_738], %max3A_747 {add = true} : memref<10000xf32, #tpu.memory_space<vmem>>[vector<16xi32>], vector<16xf32>,
        %neg3A = arith.constant 0.000000e+00 : f32
        %neg3A_748 = vector.broadcast %neg3A : f32 to vector<16xf32>
        %neg3A_749 = arith.subf %neg3A_748, %get3A_745 : vector<16xf32>
        %max3A_750 = arith.constant 0.000000e+00 : f32
        %max3A_751 = vector.broadcast %max3A_750 : f32 to vector<16xf32>
        %max3A_752 = arith.maximumf %neg3A_749, %max3A_751 : vector<16xf32>
        tpu.vector_store_idx %arg14[%get3A_738], %max3A_752 {add = true} : memref<10000xf32, #tpu.memory_space<vmem>>[vector<16xi32>], vector<16xf32>,
      } else {
      }
      %mul3A_372 = arith.constant 10 : i32
      %mul3A_373 = arith.muli %scan3A_332, %mul3A_372 : i32
      %add3A_374 = arith.constant 1 : i32
      %add3A_375 = arith.addi %mul3A_373, %add3A_374 : i32
      %mul3A_376 = arith.constant 16 : i32
      %mul3A_377 = arith.muli %add3A_375, %mul3A_376 : i32
      %multiple_of3A_378 = tpu.assume_multiple %mul3A_377, 16 : i32
      %dma_wait3A_379 = arith.constant 1 : i32
      %dma_wait3A_380 = arith.constant 0 : i32
      %dma_wait3A_381 = arith.constant 0 : i32
      %dma_wait3A_382 = tpu.memref_slice %arg12[%dma_wait3A_379, %dma_wait3A_380, %dma_wait3A_381] : memref<10x16x64xf32, #tpu.memory_space<vmem>> -> memref<1x16x64xf32, #tpu.memory_space<vmem>>
      %dma_wait3A_383 = tpu.memref_squeeze %dma_wait3A_382 : memref<1x16x64xf32, #tpu.memory_space<vmem>> -> memref<16x64xf32, #tpu.memory_space<vmem>>
      %dma_wait3A_384 = tpu.memref_slice %arg9[%multiple_of3A_378] : memref<20000xi32, #tpu.memory_space<vmem>> -> memref<16xi32, #tpu.memory_space<vmem>>
      %dma_wait3A_385 = arith.constant 0 : i32
      %dma_wait3A_386 = arith.constant 0 : i32
      %dma_wait3A_387 = tpu.memref_slice %arg4[%dma_wait3A_385, %dma_wait3A_386] : memref<10000x64xf32, #tpu.memory_space<hbm>> -> memref<10000x64xf32, #tpu.memory_space<hbm>>
      tpu.wait_indirect_dma semaphore(%arg17 : memref<!tpu.dma_semaphore, #tpu.memory_space<semaphore_mem>>) src(%dma_wait3A_387 : memref<10000x64xf32, #tpu.memory_space<hbm>>) dst(%dma_wait3A_383 : memref<16x64xf32, #tpu.memory_space<vmem>>)
      %mul3A_388 = arith.constant 16 : i32
      %mul3A_389 = arith.muli %add3A_375, %mul3A_388 : i32
      %multiple_of3A_390 = tpu.assume_multiple %mul3A_389, 16 : i32
      %dma_start3A_391 = arith.constant 1 : i32
      %dma_start3A_392 = arith.constant 0 : i32
      %dma_start3A_393 = arith.constant 0 : i32
      %dma_start3A_394 = tpu.memref_slice %arg12[%dma_start3A_391, %dma_start3A_392, %dma_start3A_393] : memref<10x16x64xf32, #tpu.memory_space<vmem>> -> memref<1x16x64xf32, #tpu.memory_space<vmem>>
      %dma_start3A_395 = tpu.memref_squeeze %dma_start3A_394 : memref<1x16x64xf32, #tpu.memory_space<vmem>> -> memref<16x64xf32, #tpu.memory_space<vmem>>
      %dma_start3A_396 = tpu.memref_slice %arg10[%multiple_of3A_390] : memref<20000xi32, #tpu.memory_space<vmem>> -> memref<16xi32, #tpu.memory_space<vmem>>
      %dma_start3A_397 = arith.constant 0 : i32
      %dma_start3A_398 = arith.constant 0 : i32
      %dma_start3A_399 = tpu.memref_slice %arg15[%dma_start3A_397, %dma_start3A_398] : memref<10000x64xf32, #tpu.memory_space<vmem_shared>> -> memref<10000x64xf32, #tpu.memory_space<vmem_shared>>
      tpu.enqueue_indirect_dma source(%dma_start3A_395 : memref<16x64xf32, #tpu.memory_space<vmem>>) target(%dma_start3A_399 : memref<10000x64xf32, #tpu.memory_space<vmem_shared>>) offsets(%dma_start3A_396 : memref<16xi32, #tpu.memory_space<vmem>>) semaphore(%arg27 : memref<!tpu.dma_semaphore, #tpu.memory_space<semaphore_mem>>) {add = true}
      %add3A_400 = arith.constant 9 : i32
      %add3A_401 = arith.addi %add3A_375, %add3A_400 : i32
      %lt3A_402 = arith.constant 1250 : i32
      %lt3A_403 = arith.cmpi slt, %add3A_401, %lt3A_402 : i32
      %convert_element_type3A_404 = arith.extui %lt3A_403 : i1 to i32
      %cond3A_405 = arith.constant 0 : i32
      %cond3A_406 = arith.cmpi ne, %convert_element_type3A_404, %cond3A_405 : i32
      scf.if %cond3A_406 {
        %add3A_733 = arith.constant 9 : i32
        %add3A_734 = arith.addi %add3A_375, %add3A_733 : i32
        %ge3A = arith.constant 10 : i32
        %ge3A_735 = arith.cmpi sge, %add3A_734, %ge3A : i32
        %convert_element_type3A_736 = arith.extui %ge3A_735 : i1 to i32
        %cond3A_737 = arith.constant 0 : i32
        %cond3A_738 = arith.cmpi ne, %convert_element_type3A_736, %cond3A_737 : i32
        scf.if %cond3A_738 {
          %mul3A_751 = arith.constant 16 : i32
          %mul3A_752 = arith.muli %add3A_375, %mul3A_751 : i32
          %multiple_of3A_753 = tpu.assume_multiple %mul3A_752, 16 : i32
          %dma_wait3A_754 = arith.constant 0 : i32
          %dma_wait3A_755 = arith.constant 0 : i32
          %dma_wait3A_756 = arith.constant 0 : i32
          %dma_wait3A_757 = tpu.memref_slice %arg12[%dma_wait3A_754, %dma_wait3A_755, %dma_wait3A_756] : memref<10x16x64xf32, #tpu.memory_space<vmem>> -> memref<1x16x64xf32, #tpu.memory_space<vmem>>
          %dma_wait3A_758 = tpu.memref_squeeze %dma_wait3A_757 : memref<1x16x64xf32, #tpu.memory_space<vmem>> -> memref<16x64xf32, #tpu.memory_space<vmem>>
          %dma_wait3A_759 = tpu.memref_slice %arg10[%multiple_of3A_753] : memref<20000xi32, #tpu.memory_space<vmem>> -> memref<16xi32, #tpu.memory_space<vmem>>
          %dma_wait3A_760 = arith.constant 0 : i32
          %dma_wait3A_761 = arith.constant 0 : i32
          %dma_wait3A_762 = tpu.memref_slice %arg15[%dma_wait3A_760, %dma_wait3A_761] : memref<10000x64xf32, #tpu.memory_space<vmem_shared>> -> memref<10000x64xf32, #tpu.memory_space<vmem_shared>>
          tpu.wait_indirect_dma semaphore(%arg26 : memref<!tpu.dma_semaphore, #tpu.memory_space<semaphore_mem>>) src(%dma_wait3A_758 : memref<16x64xf32, #tpu.memory_space<vmem>>) dst(%dma_wait3A_762 : memref<10000x64xf32, #tpu.memory_space<vmem_shared>>)
        } else {
        }
        %add3A_739 = arith.constant 9 : i32
        %add3A_740 = arith.addi %add3A_375, %add3A_739 : i32
        %eq3A_741 = arith.constant 0 : i32
        %eq3A_742 = arith.cmpi eq, %arg0, %eq3A_741 : i32
        %convert_element_type3A_743 = arith.extui %eq3A_742 : i1 to i32
        %cond3A_744 = arith.constant 0 : i32
        %cond3A_745 = arith.cmpi ne, %convert_element_type3A_743, %cond3A_744 : i32
        scf.if %cond3A_745 {
          %mul3A_751 = arith.constant 16 : i32
          %mul3A_752 = arith.muli %add3A_740, %mul3A_751 : i32
          %multiple_of3A_753 = tpu.assume_multiple %mul3A_752, 16 : i32
          %dma_start3A_754 = arith.constant 0 : i32
          %dma_start3A_755 = arith.constant 0 : i32
          %dma_start3A_756 = arith.constant 0 : i32
          %dma_start3A_757 = tpu.memref_slice %arg12[%dma_start3A_754, %dma_start3A_755, %dma_start3A_756] : memref<10x16x64xf32, #tpu.memory_space<vmem>> -> memref<1x16x64xf32, #tpu.memory_space<vmem>>
          %dma_start3A_758 = tpu.memref_squeeze %dma_start3A_757 : memref<1x16x64xf32, #tpu.memory_space<vmem>> -> memref<16x64xf32, #tpu.memory_space<vmem>>
          %dma_start3A_759 = tpu.memref_slice %arg9[%multiple_of3A_753] : memref<20000xi32, #tpu.memory_space<vmem>> -> memref<16xi32, #tpu.memory_space<vmem>>
          %dma_start3A_760 = arith.constant 0 : i32
          %dma_start3A_761 = arith.constant 0 : i32
          %dma_start3A_762 = tpu.memref_slice %arg4[%dma_start3A_760, %dma_start3A_761] : memref<10000x64xf32, #tpu.memory_space<hbm>> -> memref<10000x64xf32, #tpu.memory_space<hbm>>
          tpu.enqueue_indirect_dma source(%dma_start3A_762 : memref<10000x64xf32, #tpu.memory_space<hbm>>) target(%dma_start3A_758 : memref<16x64xf32, #tpu.memory_space<vmem>>) offsets(%dma_start3A_759 : memref<16xi32, #tpu.memory_space<vmem>>) semaphore(%arg16 : memref<!tpu.dma_semaphore, #tpu.memory_space<semaphore_mem>>)
        } else {
        }
        %eq3A_746 = arith.constant 1 : i32
        %eq3A_747 = arith.cmpi eq, %arg0, %eq3A_746 : i32
        %convert_element_type3A_748 = arith.extui %eq3A_747 : i1 to i32
        %cond3A_749 = arith.constant 0 : i32
        %cond3A_750 = arith.cmpi ne, %convert_element_type3A_748, %cond3A_749 : i32
        scf.if %cond3A_750 {
          %mul3A_751 = arith.constant 16 : i32
          %mul3A_752 = arith.muli %add3A_740, %mul3A_751 : i32
          %multiple_of3A_753 = tpu.assume_multiple %mul3A_752, 16 : i32
          %dma_start3A_754 = arith.constant 0 : i32
          %dma_start3A_755 = arith.constant 0 : i32
          %dma_start3A_756 = arith.constant 0 : i32
          %dma_start3A_757 = tpu.memref_slice %arg12[%dma_start3A_754, %dma_start3A_755, %dma_start3A_756] : memref<10x16x64xf32, #tpu.memory_space<vmem>> -> memref<1x16x64xf32, #tpu.memory_space<vmem>>
          %dma_start3A_758 = tpu.memref_squeeze %dma_start3A_757 : memref<1x16x64xf32, #tpu.memory_space<vmem>> -> memref<16x64xf32, #tpu.memory_space<vmem>>
          %dma_start3A_759 = tpu.memref_slice %arg9[%multiple_of3A_753] : memref<20000xi32, #tpu.memory_space<vmem>> -> memref<16xi32, #tpu.memory_space<vmem>>
          %dma_start3A_760 = arith.constant 0 : i32
          %dma_start3A_761 = arith.constant 0 : i32
          %dma_start3A_762 = tpu.memref_slice %arg5[%dma_start3A_760, %dma_start3A_761] : memref<10000x64xf32, #tpu.memory_space<hbm>> -> memref<10000x64xf32, #tpu.memory_space<hbm>>
          tpu.enqueue_indirect_dma source(%dma_start3A_762 : memref<10000x64xf32, #tpu.memory_space<hbm>>) target(%dma_start3A_758 : memref<16x64xf32, #tpu.memory_space<vmem>>) offsets(%dma_start3A_759 : memref<16xi32, #tpu.memory_space<vmem>>) semaphore(%arg16 : memref<!tpu.dma_semaphore, #tpu.memory_space<semaphore_mem>>)
        } else {
        }
      } else {
      }
      %eq3A_407 = arith.constant 0 : i32
      %eq3A_408 = arith.cmpi eq, %arg0, %eq3A_407 : i32
      %convert_element_type3A_409 = arith.extui %eq3A_408 : i1 to i32
      %cond3A_410 = arith.constant 0 : i32
      %cond3A_411 = arith.cmpi ne, %convert_element_type3A_409, %cond3A_410 : i32
      scf.if %cond3A_411 {
        %mul3A_733 = arith.constant 16 : i32
        %mul3A_734 = arith.muli %add3A_375, %mul3A_733 : i32
        %add3A_735 = arith.constant 0 : i32
        %add3A_736 = arith.addi %mul3A_734, %add3A_735 : i32
        %multiple_of3A_737 = tpu.assume_multiple %add3A_736, 16 : i32
        %get3A = arith.index_cast %multiple_of3A_737 : i32 to index
        %get3A_738 = tpu.vector_load %arg10[%get3A] {strides = array<i32>} : memref<20000xi32, #tpu.memory_space<vmem>>, vector<16xi32>,
        %mul3A_739 = arith.constant 16 : i32
        %mul3A_740 = arith.muli %add3A_375, %mul3A_739 : i32
        %add3A_741 = arith.constant 0 : i32
        %add3A_742 = arith.addi %mul3A_740, %add3A_741 : i32
        %multiple_of3A_743 = tpu.assume_multiple %add3A_742, 16 : i32
        %get3A_744 = arith.index_cast %multiple_of3A_743 : i32 to index
        %get3A_745 = tpu.vector_load %arg11[%get3A_744] {strides = array<i32>} : memref<20000xf32, #tpu.memory_space<vmem>>, vector<16xf32>,
        %max3A = arith.constant 0.000000e+00 : f32
        %max3A_746 = vector.broadcast %max3A : f32 to vector<16xf32>
        %max3A_747 = arith.maximumf %get3A_745, %max3A_746 : vector<16xf32>
        tpu.vector_store_idx %arg13[%get3A_738], %max3A_747 {add = true} : memref<10000xf32, #tpu.memory_space<vmem>>[vector<16xi32>], vector<16xf32>,
        %neg3A = arith.constant 0.000000e+00 : f32
        %neg3A_748 = vector.broadcast %neg3A : f32 to vector<16xf32>
        %neg3A_749 = arith.subf %neg3A_748, %get3A_745 : vector<16xf32>
        %max3A_750 = arith.constant 0.000000e+00 : f32
        %max3A_751 = vector.broadcast %max3A_750 : f32 to vector<16xf32>
        %max3A_752 = arith.maximumf %neg3A_749, %max3A_751 : vector<16xf32>
        tpu.vector_store_idx %arg14[%get3A_738], %max3A_752 {add = true} : memref<10000xf32, #tpu.memory_space<vmem>>[vector<16xi32>], vector<16xf32>,
      } else {
      }
      %mul3A_412 = arith.constant 10 : i32
      %mul3A_413 = arith.muli %scan3A_332, %mul3A_412 : i32
      %add3A_414 = arith.constant 2 : i32
      %add3A_415 = arith.addi %mul3A_413, %add3A_414 : i32
      %mul3A_416 = arith.constant 16 : i32
      %mul3A_417 = arith.muli %add3A_415, %mul3A_416 : i32
      %multiple_of3A_418 = tpu.assume_multiple %mul3A_417, 16 : i32
      %dma_wait3A_419 = arith.constant 2 : i32
      %dma_wait3A_420 = arith.constant 0 : i32
      %dma_wait3A_421 = arith.constant 0 : i32
      %dma_wait3A_422 = tpu.memref_slice %arg12[%dma_wait3A_419, %dma_wait3A_420, %dma_wait3A_421] : memref<10x16x64xf32, #tpu.memory_space<vmem>> -> memref<1x16x64xf32, #tpu.memory_space<vmem>>
      %dma_wait3A_423 = tpu.memref_squeeze %dma_wait3A_422 : memref<1x16x64xf32, #tpu.memory_space<vmem>> -> memref<16x64xf32, #tpu.memory_space<vmem>>
      %dma_wait3A_424 = tpu.memref_slice %arg9[%multiple_of3A_418] : memref<20000xi32, #tpu.memory_space<vmem>> -> memref<16xi32, #tpu.memory_space<vmem>>
      %dma_wait3A_425 = arith.constant 0 : i32
      %dma_wait3A_426 = arith.constant 0 : i32
      %dma_wait3A_427 = tpu.memref_slice %arg4[%dma_wait3A_425, %dma_wait3A_426] : memref<10000x64xf32, #tpu.memory_space<hbm>> -> memref<10000x64xf32, #tpu.memory_space<hbm>>
      tpu.wait_indirect_dma semaphore(%arg18 : memref<!tpu.dma_semaphore, #tpu.memory_space<semaphore_mem>>) src(%dma_wait3A_427 : memref<10000x64xf32, #tpu.memory_space<hbm>>) dst(%dma_wait3A_423 : memref<16x64xf32, #tpu.memory_space<vmem>>)
      %mul3A_428 = arith.constant 16 : i32
      %mul3A_429 = arith.muli %add3A_415, %mul3A_428 : i32
      %multiple_of3A_430 = tpu.assume_multiple %mul3A_429, 16 : i32
      %dma_start3A_431 = arith.constant 2 : i32
      %dma_start3A_432 = arith.constant 0 : i32
      %dma_start3A_433 = arith.constant 0 : i32
      %dma_start3A_434 = tpu.memref_slice %arg12[%dma_start3A_431, %dma_start3A_432, %dma_start3A_433] : memref<10x16x64xf32, #tpu.memory_space<vmem>> -> memref<1x16x64xf32, #tpu.memory_space<vmem>>
      %dma_start3A_435 = tpu.memref_squeeze %dma_start3A_434 : memref<1x16x64xf32, #tpu.memory_space<vmem>> -> memref<16x64xf32, #tpu.memory_space<vmem>>
      %dma_start3A_436 = tpu.memref_slice %arg10[%multiple_of3A_430] : memref<20000xi32, #tpu.memory_space<vmem>> -> memref<16xi32, #tpu.memory_space<vmem>>
      %dma_start3A_437 = arith.constant 0 : i32
      %dma_start3A_438 = arith.constant 0 : i32
      %dma_start3A_439 = tpu.memref_slice %arg15[%dma_start3A_437, %dma_start3A_438] : memref<10000x64xf32, #tpu.memory_space<vmem_shared>> -> memref<10000x64xf32, #tpu.memory_space<vmem_shared>>
      tpu.enqueue_indirect_dma source(%dma_start3A_435 : memref<16x64xf32, #tpu.memory_space<vmem>>) target(%dma_start3A_439 : memref<10000x64xf32, #tpu.memory_space<vmem_shared>>) offsets(%dma_start3A_436 : memref<16xi32, #tpu.memory_space<vmem>>) semaphore(%arg28 : memref<!tpu.dma_semaphore, #tpu.memory_space<semaphore_mem>>) {add = true}
      %add3A_440 = arith.constant 9 : i32
      %add3A_441 = arith.addi %add3A_415, %add3A_440 : i32
      %lt3A_442 = arith.constant 1250 : i32
      %lt3A_443 = arith.cmpi slt, %add3A_441, %lt3A_442 : i32
      %convert_element_type3A_444 = arith.extui %lt3A_443 : i1 to i32
      %cond3A_445 = arith.constant 0 : i32
      %cond3A_446 = arith.cmpi ne, %convert_element_type3A_444, %cond3A_445 : i32
      scf.if %cond3A_446 {
        %add3A_733 = arith.constant 9 : i32
        %add3A_734 = arith.addi %add3A_415, %add3A_733 : i32
        %ge3A = arith.constant 10 : i32
        %ge3A_735 = arith.cmpi sge, %add3A_734, %ge3A : i32
        %convert_element_type3A_736 = arith.extui %ge3A_735 : i1 to i32
        %cond3A_737 = arith.constant 0 : i32
        %cond3A_738 = arith.cmpi ne, %convert_element_type3A_736, %cond3A_737 : i32
        scf.if %cond3A_738 {
          %mul3A_751 = arith.constant 16 : i32
          %mul3A_752 = arith.muli %add3A_415, %mul3A_751 : i32
          %multiple_of3A_753 = tpu.assume_multiple %mul3A_752, 16 : i32
          %dma_wait3A_754 = arith.constant 1 : i32
          %dma_wait3A_755 = arith.constant 0 : i32
          %dma_wait3A_756 = arith.constant 0 : i32
          %dma_wait3A_757 = tpu.memref_slice %arg12[%dma_wait3A_754, %dma_wait3A_755, %dma_wait3A_756] : memref<10x16x64xf32, #tpu.memory_space<vmem>> -> memref<1x16x64xf32, #tpu.memory_space<vmem>>
          %dma_wait3A_758 = tpu.memref_squeeze %dma_wait3A_757 : memref<1x16x64xf32, #tpu.memory_space<vmem>> -> memref<16x64xf32, #tpu.memory_space<vmem>>
          %dma_wait3A_759 = tpu.memref_slice %arg10[%multiple_of3A_753] : memref<20000xi32, #tpu.memory_space<vmem>> -> memref<16xi32, #tpu.memory_space<vmem>>
          %dma_wait3A_760 = arith.constant 0 : i32
          %dma_wait3A_761 = arith.constant 0 : i32
          %dma_wait3A_762 = tpu.memref_slice %arg15[%dma_wait3A_760, %dma_wait3A_761] : memref<10000x64xf32, #tpu.memory_space<vmem_shared>> -> memref<10000x64xf32, #tpu.memory_space<vmem_shared>>
          tpu.wait_indirect_dma semaphore(%arg27 : memref<!tpu.dma_semaphore, #tpu.memory_space<semaphore_mem>>) src(%dma_wait3A_758 : memref<16x64xf32, #tpu.memory_space<vmem>>) dst(%dma_wait3A_762 : memref<10000x64xf32, #tpu.memory_space<vmem_shared>>)
        } else {
        }
        %add3A_739 = arith.constant 9 : i32
        %add3A_740 = arith.addi %add3A_415, %add3A_739 : i32
        %eq3A_741 = arith.constant 0 : i32
        %eq3A_742 = arith.cmpi eq, %arg0, %eq3A_741 : i32
        %convert_element_type3A_743 = arith.extui %eq3A_742 : i1 to i32
        %cond3A_744 = arith.constant 0 : i32
        %cond3A_745 = arith.cmpi ne, %convert_element_type3A_743, %cond3A_744 : i32
        scf.if %cond3A_745 {
          %mul3A_751 = arith.constant 16 : i32
          %mul3A_752 = arith.muli %add3A_740, %mul3A_751 : i32
          %multiple_of3A_753 = tpu.assume_multiple %mul3A_752, 16 : i32
          %dma_start3A_754 = arith.constant 1 : i32
          %dma_start3A_755 = arith.constant 0 : i32
          %dma_start3A_756 = arith.constant 0 : i32
          %dma_start3A_757 = tpu.memref_slice %arg12[%dma_start3A_754, %dma_start3A_755, %dma_start3A_756] : memref<10x16x64xf32, #tpu.memory_space<vmem>> -> memref<1x16x64xf32, #tpu.memory_space<vmem>>
          %dma_start3A_758 = tpu.memref_squeeze %dma_start3A_757 : memref<1x16x64xf32, #tpu.memory_space<vmem>> -> memref<16x64xf32, #tpu.memory_space<vmem>>
          %dma_start3A_759 = tpu.memref_slice %arg9[%multiple_of3A_753] : memref<20000xi32, #tpu.memory_space<vmem>> -> memref<16xi32, #tpu.memory_space<vmem>>
          %dma_start3A_760 = arith.constant 0 : i32
          %dma_start3A_761 = arith.constant 0 : i32
          %dma_start3A_762 = tpu.memref_slice %arg4[%dma_start3A_760, %dma_start3A_761] : memref<10000x64xf32, #tpu.memory_space<hbm>> -> memref<10000x64xf32, #tpu.memory_space<hbm>>
          tpu.enqueue_indirect_dma source(%dma_start3A_762 : memref<10000x64xf32, #tpu.memory_space<hbm>>) target(%dma_start3A_758 : memref<16x64xf32, #tpu.memory_space<vmem>>) offsets(%dma_start3A_759 : memref<16xi32, #tpu.memory_space<vmem>>) semaphore(%arg17 : memref<!tpu.dma_semaphore, #tpu.memory_space<semaphore_mem>>)
        } else {
        }
        %eq3A_746 = arith.constant 1 : i32
        %eq3A_747 = arith.cmpi eq, %arg0, %eq3A_746 : i32
        %convert_element_type3A_748 = arith.extui %eq3A_747 : i1 to i32
        %cond3A_749 = arith.constant 0 : i32
        %cond3A_750 = arith.cmpi ne, %convert_element_type3A_748, %cond3A_749 : i32
        scf.if %cond3A_750 {
          %mul3A_751 = arith.constant 16 : i32
          %mul3A_752 = arith.muli %add3A_740, %mul3A_751 : i32
          %multiple_of3A_753 = tpu.assume_multiple %mul3A_752, 16 : i32
          %dma_start3A_754 = arith.constant 1 : i32
          %dma_start3A_755 = arith.constant 0 : i32
          %dma_start3A_756 = arith.constant 0 : i32
          %dma_start3A_757 = tpu.memref_slice %arg12[%dma_start3A_754, %dma_start3A_755, %dma_start3A_756] : memref<10x16x64xf32, #tpu.memory_space<vmem>> -> memref<1x16x64xf32, #tpu.memory_space<vmem>>
          %dma_start3A_758 = tpu.memref_squeeze %dma_start3A_757 : memref<1x16x64xf32, #tpu.memory_space<vmem>> -> memref<16x64xf32, #tpu.memory_space<vmem>>
          %dma_start3A_759 = tpu.memref_slice %arg9[%multiple_of3A_753] : memref<20000xi32, #tpu.memory_space<vmem>> -> memref<16xi32, #tpu.memory_space<vmem>>
          %dma_start3A_760 = arith.constant 0 : i32
          %dma_start3A_761 = arith.constant 0 : i32
          %dma_start3A_762 = tpu.memref_slice %arg5[%dma_start3A_760, %dma_start3A_761] : memref<10000x64xf32, #tpu.memory_space<hbm>> -> memref<10000x64xf32, #tpu.memory_space<hbm>>
          tpu.enqueue_indirect_dma source(%dma_start3A_762 : memref<10000x64xf32, #tpu.memory_space<hbm>>) target(%dma_start3A_758 : memref<16x64xf32, #tpu.memory_space<vmem>>) offsets(%dma_start3A_759 : memref<16xi32, #tpu.memory_space<vmem>>) semaphore(%arg17 : memref<!tpu.dma_semaphore, #tpu.memory_space<semaphore_mem>>)
        } else {
        }
      } else {
      }
      %eq3A_447 = arith.constant 0 : i32
      %eq3A_448 = arith.cmpi eq, %arg0, %eq3A_447 : i32
      %convert_element_type3A_449 = arith.extui %eq3A_448 : i1 to i32
      %cond3A_450 = arith.constant 0 : i32
      %cond3A_451 = arith.cmpi ne, %convert_element_type3A_449, %cond3A_450 : i32
      scf.if %cond3A_451 {
        %mul3A_733 = arith.constant 16 : i32
        %mul3A_734 = arith.muli %add3A_415, %mul3A_733 : i32
        %add3A_735 = arith.constant 0 : i32
        %add3A_736 = arith.addi %mul3A_734, %add3A_735 : i32
        %multiple_of3A_737 = tpu.assume_multiple %add3A_736, 16 : i32
        %get3A = arith.index_cast %multiple_of3A_737 : i32 to index
        %get3A_738 = tpu.vector_load %arg10[%get3A] {strides = array<i32>} : memref<20000xi32, #tpu.memory_space<vmem>>, vector<16xi32>,
        %mul3A_739 = arith.constant 16 : i32
        %mul3A_740 = arith.muli %add3A_415, %mul3A_739 : i32
        %add3A_741 = arith.constant 0 : i32
        %add3A_742 = arith.addi %mul3A_740, %add3A_741 : i32
        %multiple_of3A_743 = tpu.assume_multiple %add3A_742, 16 : i32
        %get3A_744 = arith.index_cast %multiple_of3A_743 : i32 to index
        %get3A_745 = tpu.vector_load %arg11[%get3A_744] {strides = array<i32>} : memref<20000xf32, #tpu.memory_space<vmem>>, vector<16xf32>,
        %max3A = arith.constant 0.000000e+00 : f32
        %max3A_746 = vector.broadcast %max3A : f32 to vector<16xf32>
        %max3A_747 = arith.maximumf %get3A_745, %max3A_746 : vector<16xf32>
        tpu.vector_store_idx %arg13[%get3A_738], %max3A_747 {add = true} : memref<10000xf32, #tpu.memory_space<vmem>>[vector<16xi32>], vector<16xf32>,
        %neg3A = arith.constant 0.000000e+00 : f32
        %neg3A_748 = vector.broadcast %neg3A : f32 to vector<16xf32>
        %neg3A_749 = arith.subf %neg3A_748, %get3A_745 : vector<16xf32>
        %max3A_750 = arith.constant 0.000000e+00 : f32
        %max3A_751 = vector.broadcast %max3A_750 : f32 to vector<16xf32>
        %max3A_752 = arith.maximumf %neg3A_749, %max3A_751 : vector<16xf32>
        tpu.vector_store_idx %arg14[%get3A_738], %max3A_752 {add = true} : memref<10000xf32, #tpu.memory_space<vmem>>[vector<16xi32>], vector<16xf32>,
      } else {
      }
      %mul3A_452 = arith.constant 10 : i32
      %mul3A_453 = arith.muli %scan3A_332, %mul3A_452 : i32
      %add3A_454 = arith.constant 3 : i32
      %add3A_455 = arith.addi %mul3A_453, %add3A_454 : i32
      %mul3A_456 = arith.constant 16 : i32
      %mul3A_457 = arith.muli %add3A_455, %mul3A_456 : i32
      %multiple_of3A_458 = tpu.assume_multiple %mul3A_457, 16 : i32
      %dma_wait3A_459 = arith.constant 3 : i32
      %dma_wait3A_460 = arith.constant 0 : i32
      %dma_wait3A_461 = arith.constant 0 : i32
      %dma_wait3A_462 = tpu.memref_slice %arg12[%dma_wait3A_459, %dma_wait3A_460, %dma_wait3A_461] : memref<10x16x64xf32, #tpu.memory_space<vmem>> -> memref<1x16x64xf32, #tpu.memory_space<vmem>>
      %dma_wait3A_463 = tpu.memref_squeeze %dma_wait3A_462 : memref<1x16x64xf32, #tpu.memory_space<vmem>> -> memref<16x64xf32, #tpu.memory_space<vmem>>
      %dma_wait3A_464 = tpu.memref_slice %arg9[%multiple_of3A_458] : memref<20000xi32, #tpu.memory_space<vmem>> -> memref<16xi32, #tpu.memory_space<vmem>>
      %dma_wait3A_465 = arith.constant 0 : i32
      %dma_wait3A_466 = arith.constant 0 : i32
      %dma_wait3A_467 = tpu.memref_slice %arg4[%dma_wait3A_465, %dma_wait3A_466] : memref<10000x64xf32, #tpu.memory_space<hbm>> -> memref<10000x64xf32, #tpu.memory_space<hbm>>
      tpu.wait_indirect_dma semaphore(%arg19 : memref<!tpu.dma_semaphore, #tpu.memory_space<semaphore_mem>>) src(%dma_wait3A_467 : memref<10000x64xf32, #tpu.memory_space<hbm>>) dst(%dma_wait3A_463 : memref<16x64xf32, #tpu.memory_space<vmem>>)
      %mul3A_468 = arith.constant 16 : i32
      %mul3A_469 = arith.muli %add3A_455, %mul3A_468 : i32
      %multiple_of3A_470 = tpu.assume_multiple %mul3A_469, 16 : i32
      %dma_start3A_471 = arith.constant 3 : i32
      %dma_start3A_472 = arith.constant 0 : i32
      %dma_start3A_473 = arith.constant 0 : i32
      %dma_start3A_474 = tpu.memref_slice %arg12[%dma_start3A_471, %dma_start3A_472, %dma_start3A_473] : memref<10x16x64xf32, #tpu.memory_space<vmem>> -> memref<1x16x64xf32, #tpu.memory_space<vmem>>
      %dma_start3A_475 = tpu.memref_squeeze %dma_start3A_474 : memref<1x16x64xf32, #tpu.memory_space<vmem>> -> memref<16x64xf32, #tpu.memory_space<vmem>>
      %dma_start3A_476 = tpu.memref_slice %arg10[%multiple_of3A_470] : memref<20000xi32, #tpu.memory_space<vmem>> -> memref<16xi32, #tpu.memory_space<vmem>>
      %dma_start3A_477 = arith.constant 0 : i32
      %dma_start3A_478 = arith.constant 0 : i32
      %dma_start3A_479 = tpu.memref_slice %arg15[%dma_start3A_477, %dma_start3A_478] : memref<10000x64xf32, #tpu.memory_space<vmem_shared>> -> memref<10000x64xf32, #tpu.memory_space<vmem_shared>>
      tpu.enqueue_indirect_dma source(%dma_start3A_475 : memref<16x64xf32, #tpu.memory_space<vmem>>) target(%dma_start3A_479 : memref<10000x64xf32, #tpu.memory_space<vmem_shared>>) offsets(%dma_start3A_476 : memref<16xi32, #tpu.memory_space<vmem>>) semaphore(%arg29 : memref<!tpu.dma_semaphore, #tpu.memory_space<semaphore_mem>>) {add = true}
      %add3A_480 = arith.constant 9 : i32
      %add3A_481 = arith.addi %add3A_455, %add3A_480 : i32
      %lt3A_482 = arith.constant 1250 : i32
      %lt3A_483 = arith.cmpi slt, %add3A_481, %lt3A_482 : i32
      %convert_element_type3A_484 = arith.extui %lt3A_483 : i1 to i32
      %cond3A_485 = arith.constant 0 : i32
      %cond3A_486 = arith.cmpi ne, %convert_element_type3A_484, %cond3A_485 : i32
      scf.if %cond3A_486 {
        %add3A_733 = arith.constant 9 : i32
        %add3A_734 = arith.addi %add3A_455, %add3A_733 : i32
        %ge3A = arith.constant 10 : i32
        %ge3A_735 = arith.cmpi sge, %add3A_734, %ge3A : i32
        %convert_element_type3A_736 = arith.extui %ge3A_735 : i1 to i32
        %cond3A_737 = arith.constant 0 : i32
        %cond3A_738 = arith.cmpi ne, %convert_element_type3A_736, %cond3A_737 : i32
        scf.if %cond3A_738 {
          %mul3A_751 = arith.constant 16 : i32
          %mul3A_752 = arith.muli %add3A_455, %mul3A_751 : i32
          %multiple_of3A_753 = tpu.assume_multiple %mul3A_752, 16 : i32
          %dma_wait3A_754 = arith.constant 2 : i32
          %dma_wait3A_755 = arith.constant 0 : i32
          %dma_wait3A_756 = arith.constant 0 : i32
          %dma_wait3A_757 = tpu.memref_slice %arg12[%dma_wait3A_754, %dma_wait3A_755, %dma_wait3A_756] : memref<10x16x64xf32, #tpu.memory_space<vmem>> -> memref<1x16x64xf32, #tpu.memory_space<vmem>>
          %dma_wait3A_758 = tpu.memref_squeeze %dma_wait3A_757 : memref<1x16x64xf32, #tpu.memory_space<vmem>> -> memref<16x64xf32, #tpu.memory_space<vmem>>
          %dma_wait3A_759 = tpu.memref_slice %arg10[%multiple_of3A_753] : memref<20000xi32, #tpu.memory_space<vmem>> -> memref<16xi32, #tpu.memory_space<vmem>>
          %dma_wait3A_760 = arith.constant 0 : i32
          %dma_wait3A_761 = arith.constant 0 : i32
          %dma_wait3A_762 = tpu.memref_slice %arg15[%dma_wait3A_760, %dma_wait3A_761] : memref<10000x64xf32, #tpu.memory_space<vmem_shared>> -> memref<10000x64xf32, #tpu.memory_space<vmem_shared>>
          tpu.wait_indirect_dma semaphore(%arg28 : memref<!tpu.dma_semaphore, #tpu.memory_space<semaphore_mem>>) src(%dma_wait3A_758 : memref<16x64xf32, #tpu.memory_space<vmem>>) dst(%dma_wait3A_762 : memref<10000x64xf32, #tpu.memory_space<vmem_shared>>)
        } else {
        }
        %add3A_739 = arith.constant 9 : i32
        %add3A_740 = arith.addi %add3A_455, %add3A_739 : i32
        %eq3A_741 = arith.constant 0 : i32
        %eq3A_742 = arith.cmpi eq, %arg0, %eq3A_741 : i32
        %convert_element_type3A_743 = arith.extui %eq3A_742 : i1 to i32
        %cond3A_744 = arith.constant 0 : i32
        %cond3A_745 = arith.cmpi ne, %convert_element_type3A_743, %cond3A_744 : i32
        scf.if %cond3A_745 {
          %mul3A_751 = arith.constant 16 : i32
          %mul3A_752 = arith.muli %add3A_740, %mul3A_751 : i32
          %multiple_of3A_753 = tpu.assume_multiple %mul3A_752, 16 : i32
          %dma_start3A_754 = arith.constant 2 : i32
          %dma_start3A_755 = arith.constant 0 : i32
          %dma_start3A_756 = arith.constant 0 : i32
          %dma_start3A_757 = tpu.memref_slice %arg12[%dma_start3A_754, %dma_start3A_755, %dma_start3A_756] : memref<10x16x64xf32, #tpu.memory_space<vmem>> -> memref<1x16x64xf32, #tpu.memory_space<vmem>>
          %dma_start3A_758 = tpu.memref_squeeze %dma_start3A_757 : memref<1x16x64xf32, #tpu.memory_space<vmem>> -> memref<16x64xf32, #tpu.memory_space<vmem>>
          %dma_start3A_759 = tpu.memref_slice %arg9[%multiple_of3A_753] : memref<20000xi32, #tpu.memory_space<vmem>> -> memref<16xi32, #tpu.memory_space<vmem>>
          %dma_start3A_760 = arith.constant 0 : i32
          %dma_start3A_761 = arith.constant 0 : i32
          %dma_start3A_762 = tpu.memref_slice %arg4[%dma_start3A_760, %dma_start3A_761] : memref<10000x64xf32, #tpu.memory_space<hbm>> -> memref<10000x64xf32, #tpu.memory_space<hbm>>
          tpu.enqueue_indirect_dma source(%dma_start3A_762 : memref<10000x64xf32, #tpu.memory_space<hbm>>) target(%dma_start3A_758 : memref<16x64xf32, #tpu.memory_space<vmem>>) offsets(%dma_start3A_759 : memref<16xi32, #tpu.memory_space<vmem>>) semaphore(%arg18 : memref<!tpu.dma_semaphore, #tpu.memory_space<semaphore_mem>>)
        } else {
        }
        %eq3A_746 = arith.constant 1 : i32
        %eq3A_747 = arith.cmpi eq, %arg0, %eq3A_746 : i32
        %convert_element_type3A_748 = arith.extui %eq3A_747 : i1 to i32
        %cond3A_749 = arith.constant 0 : i32
        %cond3A_750 = arith.cmpi ne, %convert_element_type3A_748, %cond3A_749 : i32
        scf.if %cond3A_750 {
          %mul3A_751 = arith.constant 16 : i32
          %mul3A_752 = arith.muli %add3A_740, %mul3A_751 : i32
          %multiple_of3A_753 = tpu.assume_multiple %mul3A_752, 16 : i32
          %dma_start3A_754 = arith.constant 2 : i32
          %dma_start3A_755 = arith.constant 0 : i32
          %dma_start3A_756 = arith.constant 0 : i32
          %dma_start3A_757 = tpu.memref_slice %arg12[%dma_start3A_754, %dma_start3A_755, %dma_start3A_756] : memref<10x16x64xf32, #tpu.memory_space<vmem>> -> memref<1x16x64xf32, #tpu.memory_space<vmem>>
          %dma_start3A_758 = tpu.memref_squeeze %dma_start3A_757 : memref<1x16x64xf32, #tpu.memory_space<vmem>> -> memref<16x64xf32, #tpu.memory_space<vmem>>
          %dma_start3A_759 = tpu.memref_slice %arg9[%multiple_of3A_753] : memref<20000xi32, #tpu.memory_space<vmem>> -> memref<16xi32, #tpu.memory_space<vmem>>
          %dma_start3A_760 = arith.constant 0 : i32
          %dma_start3A_761 = arith.constant 0 : i32
          %dma_start3A_762 = tpu.memref_slice %arg5[%dma_start3A_760, %dma_start3A_761] : memref<10000x64xf32, #tpu.memory_space<hbm>> -> memref<10000x64xf32, #tpu.memory_space<hbm>>
          tpu.enqueue_indirect_dma source(%dma_start3A_762 : memref<10000x64xf32, #tpu.memory_space<hbm>>) target(%dma_start3A_758 : memref<16x64xf32, #tpu.memory_space<vmem>>) offsets(%dma_start3A_759 : memref<16xi32, #tpu.memory_space<vmem>>) semaphore(%arg18 : memref<!tpu.dma_semaphore, #tpu.memory_space<semaphore_mem>>)
        } else {
        }
      } else {
      }
      %eq3A_487 = arith.constant 0 : i32
      %eq3A_488 = arith.cmpi eq, %arg0, %eq3A_487 : i32
      %convert_element_type3A_489 = arith.extui %eq3A_488 : i1 to i32
      %cond3A_490 = arith.constant 0 : i32
      %cond3A_491 = arith.cmpi ne, %convert_element_type3A_489, %cond3A_490 : i32
      scf.if %cond3A_491 {
        %mul3A_733 = arith.constant 16 : i32
        %mul3A_734 = arith.muli %add3A_455, %mul3A_733 : i32
        %add3A_735 = arith.constant 0 : i32
        %add3A_736 = arith.addi %mul3A_734, %add3A_735 : i32
        %multiple_of3A_737 = tpu.assume_multiple %add3A_736, 16 : i32
        %get3A = arith.index_cast %multiple_of3A_737 : i32 to index
        %get3A_738 = tpu.vector_load %arg10[%get3A] {strides = array<i32>} : memref<20000xi32, #tpu.memory_space<vmem>>, vector<16xi32>,
        %mul3A_739 = arith.constant 16 : i32
        %mul3A_740 = arith.muli %add3A_455, %mul3A_739 : i32
        %add3A_741 = arith.constant 0 : i32
        %add3A_742 = arith.addi %mul3A_740, %add3A_741 : i32
        %multiple_of3A_743 = tpu.assume_multiple %add3A_742, 16 : i32
        %get3A_744 = arith.index_cast %multiple_of3A_743 : i32 to index
        %get3A_745 = tpu.vector_load %arg11[%get3A_744] {strides = array<i32>} : memref<20000xf32, #tpu.memory_space<vmem>>, vector<16xf32>,
        %max3A = arith.constant 0.000000e+00 : f32
        %max3A_746 = vector.broadcast %max3A : f32 to vector<16xf32>
        %max3A_747 = arith.maximumf %get3A_745, %max3A_746 : vector<16xf32>
        tpu.vector_store_idx %arg13[%get3A_738], %max3A_747 {add = true} : memref<10000xf32, #tpu.memory_space<vmem>>[vector<16xi32>], vector<16xf32>,
        %neg3A = arith.constant 0.000000e+00 : f32
        %neg3A_748 = vector.broadcast %neg3A : f32 to vector<16xf32>
        %neg3A_749 = arith.subf %neg3A_748, %get3A_745 : vector<16xf32>
        %max3A_750 = arith.constant 0.000000e+00 : f32
        %max3A_751 = vector.broadcast %max3A_750 : f32 to vector<16xf32>
        %max3A_752 = arith.maximumf %neg3A_749, %max3A_751 : vector<16xf32>
        tpu.vector_store_idx %arg14[%get3A_738], %max3A_752 {add = true} : memref<10000xf32, #tpu.memory_space<vmem>>[vector<16xi32>], vector<16xf32>,
      } else {
      }
      %mul3A_492 = arith.constant 10 : i32
      %mul3A_493 = arith.muli %scan3A_332, %mul3A_492 : i32
      %add3A_494 = arith.constant 4 : i32
      %add3A_495 = arith.addi %mul3A_493, %add3A_494 : i32
      %mul3A_496 = arith.constant 16 : i32
      %mul3A_497 = arith.muli %add3A_495, %mul3A_496 : i32
      %multiple_of3A_498 = tpu.assume_multiple %mul3A_497, 16 : i32
      %dma_wait3A_499 = arith.constant 4 : i32
      %dma_wait3A_500 = arith.constant 0 : i32
      %dma_wait3A_501 = arith.constant 0 : i32
      %dma_wait3A_502 = tpu.memref_slice %arg12[%dma_wait3A_499, %dma_wait3A_500, %dma_wait3A_501] : memref<10x16x64xf32, #tpu.memory_space<vmem>> -> memref<1x16x64xf32, #tpu.memory_space<vmem>>
      %dma_wait3A_503 = tpu.memref_squeeze %dma_wait3A_502 : memref<1x16x64xf32, #tpu.memory_space<vmem>> -> memref<16x64xf32, #tpu.memory_space<vmem>>
      %dma_wait3A_504 = tpu.memref_slice %arg9[%multiple_of3A_498] : memref<20000xi32, #tpu.memory_space<vmem>> -> memref<16xi32, #tpu.memory_space<vmem>>
      %dma_wait3A_505 = arith.constant 0 : i32
      %dma_wait3A_506 = arith.constant 0 : i32
      %dma_wait3A_507 = tpu.memref_slice %arg4[%dma_wait3A_505, %dma_wait3A_506] : memref<10000x64xf32, #tpu.memory_space<hbm>> -> memref<10000x64xf32, #tpu.memory_space<hbm>>
      tpu.wait_indirect_dma semaphore(%arg20 : memref<!tpu.dma_semaphore, #tpu.memory_space<semaphore_mem>>) src(%dma_wait3A_507 : memref<10000x64xf32, #tpu.memory_space<hbm>>) dst(%dma_wait3A_503 : memref<16x64xf32, #tpu.memory_space<vmem>>)
      %mul3A_508 = arith.constant 16 : i32
      %mul3A_509 = arith.muli %add3A_495, %mul3A_508 : i32
      %multiple_of3A_510 = tpu.assume_multiple %mul3A_509, 16 : i32
      %dma_start3A_511 = arith.constant 4 : i32
      %dma_start3A_512 = arith.constant 0 : i32
      %dma_start3A_513 = arith.constant 0 : i32
      %dma_start3A_514 = tpu.memref_slice %arg12[%dma_start3A_511, %dma_start3A_512, %dma_start3A_513] : memref<10x16x64xf32, #tpu.memory_space<vmem>> -> memref<1x16x64xf32, #tpu.memory_space<vmem>>
      %dma_start3A_515 = tpu.memref_squeeze %dma_start3A_514 : memref<1x16x64xf32, #tpu.memory_space<vmem>> -> memref<16x64xf32, #tpu.memory_space<vmem>>
      %dma_start3A_516 = tpu.memref_slice %arg10[%multiple_of3A_510] : memref<20000xi32, #tpu.memory_space<vmem>> -> memref<16xi32, #tpu.memory_space<vmem>>
      %dma_start3A_517 = arith.constant 0 : i32
      %dma_start3A_518 = arith.constant 0 : i32
      %dma_start3A_519 = tpu.memref_slice %arg15[%dma_start3A_517, %dma_start3A_518] : memref<10000x64xf32, #tpu.memory_space<vmem_shared>> -> memref<10000x64xf32, #tpu.memory_space<vmem_shared>>
      tpu.enqueue_indirect_dma source(%dma_start3A_515 : memref<16x64xf32, #tpu.memory_space<vmem>>) target(%dma_start3A_519 : memref<10000x64xf32, #tpu.memory_space<vmem_shared>>) offsets(%dma_start3A_516 : memref<16xi32, #tpu.memory_space<vmem>>) semaphore(%arg30 : memref<!tpu.dma_semaphore, #tpu.memory_space<semaphore_mem>>) {add = true}
      %add3A_520 = arith.constant 9 : i32
      %add3A_521 = arith.addi %add3A_495, %add3A_520 : i32
      %lt3A_522 = arith.constant 1250 : i32
      %lt3A_523 = arith.cmpi slt, %add3A_521, %lt3A_522 : i32
      %convert_element_type3A_524 = arith.extui %lt3A_523 : i1 to i32
      %cond3A_525 = arith.constant 0 : i32
      %cond3A_526 = arith.cmpi ne, %convert_element_type3A_524, %cond3A_525 : i32
      scf.if %cond3A_526 {
        %add3A_733 = arith.constant 9 : i32
        %add3A_734 = arith.addi %add3A_495, %add3A_733 : i32
        %ge3A = arith.constant 10 : i32
        %ge3A_735 = arith.cmpi sge, %add3A_734, %ge3A : i32
        %convert_element_type3A_736 = arith.extui %ge3A_735 : i1 to i32
        %cond3A_737 = arith.constant 0 : i32
        %cond3A_738 = arith.cmpi ne, %convert_element_type3A_736, %cond3A_737 : i32
        scf.if %cond3A_738 {
          %mul3A_751 = arith.constant 16 : i32
          %mul3A_752 = arith.muli %add3A_495, %mul3A_751 : i32
          %multiple_of3A_753 = tpu.assume_multiple %mul3A_752, 16 : i32
          %dma_wait3A_754 = arith.constant 3 : i32
          %dma_wait3A_755 = arith.constant 0 : i32
          %dma_wait3A_756 = arith.constant 0 : i32
          %dma_wait3A_757 = tpu.memref_slice %arg12[%dma_wait3A_754, %dma_wait3A_755, %dma_wait3A_756] : memref<10x16x64xf32, #tpu.memory_space<vmem>> -> memref<1x16x64xf32, #tpu.memory_space<vmem>>
          %dma_wait3A_758 = tpu.memref_squeeze %dma_wait3A_757 : memref<1x16x64xf32, #tpu.memory_space<vmem>> -> memref<16x64xf32, #tpu.memory_space<vmem>>
          %dma_wait3A_759 = tpu.memref_slice %arg10[%multiple_of3A_753] : memref<20000xi32, #tpu.memory_space<vmem>> -> memref<16xi32, #tpu.memory_space<vmem>>
          %dma_wait3A_760 = arith.constant 0 : i32
          %dma_wait3A_761 = arith.constant 0 : i32
          %dma_wait3A_762 = tpu.memref_slice %arg15[%dma_wait3A_760, %dma_wait3A_761] : memref<10000x64xf32, #tpu.memory_space<vmem_shared>> -> memref<10000x64xf32, #tpu.memory_space<vmem_shared>>
          tpu.wait_indirect_dma semaphore(%arg29 : memref<!tpu.dma_semaphore, #tpu.memory_space<semaphore_mem>>) src(%dma_wait3A_758 : memref<16x64xf32, #tpu.memory_space<vmem>>) dst(%dma_wait3A_762 : memref<10000x64xf32, #tpu.memory_space<vmem_shared>>)
        } else {
        }
        %add3A_739 = arith.constant 9 : i32
        %add3A_740 = arith.addi %add3A_495, %add3A_739 : i32
        %eq3A_741 = arith.constant 0 : i32
        %eq3A_742 = arith.cmpi eq, %arg0, %eq3A_741 : i32
        %convert_element_type3A_743 = arith.extui %eq3A_742 : i1 to i32
        %cond3A_744 = arith.constant 0 : i32
        %cond3A_745 = arith.cmpi ne, %convert_element_type3A_743, %cond3A_744 : i32
        scf.if %cond3A_745 {
          %mul3A_751 = arith.constant 16 : i32
          %mul3A_752 = arith.muli %add3A_740, %mul3A_751 : i32
          %multiple_of3A_753 = tpu.assume_multiple %mul3A_752, 16 : i32
          %dma_start3A_754 = arith.constant 3 : i32
          %dma_start3A_755 = arith.constant 0 : i32
          %dma_start3A_756 = arith.constant 0 : i32
          %dma_start3A_757 = tpu.memref_slice %arg12[%dma_start3A_754, %dma_start3A_755, %dma_start3A_756] : memref<10x16x64xf32, #tpu.memory_space<vmem>> -> memref<1x16x64xf32, #tpu.memory_space<vmem>>
          %dma_start3A_758 = tpu.memref_squeeze %dma_start3A_757 : memref<1x16x64xf32, #tpu.memory_space<vmem>> -> memref<16x64xf32, #tpu.memory_space<vmem>>
          %dma_start3A_759 = tpu.memref_slice %arg9[%multiple_of3A_753] : memref<20000xi32, #tpu.memory_space<vmem>> -> memref<16xi32, #tpu.memory_space<vmem>>
          %dma_start3A_760 = arith.constant 0 : i32
          %dma_start3A_761 = arith.constant 0 : i32
          %dma_start3A_762 = tpu.memref_slice %arg4[%dma_start3A_760, %dma_start3A_761] : memref<10000x64xf32, #tpu.memory_space<hbm>> -> memref<10000x64xf32, #tpu.memory_space<hbm>>
          tpu.enqueue_indirect_dma source(%dma_start3A_762 : memref<10000x64xf32, #tpu.memory_space<hbm>>) target(%dma_start3A_758 : memref<16x64xf32, #tpu.memory_space<vmem>>) offsets(%dma_start3A_759 : memref<16xi32, #tpu.memory_space<vmem>>) semaphore(%arg19 : memref<!tpu.dma_semaphore, #tpu.memory_space<semaphore_mem>>)
        } else {
        }
        %eq3A_746 = arith.constant 1 : i32
        %eq3A_747 = arith.cmpi eq, %arg0, %eq3A_746 : i32
        %convert_element_type3A_748 = arith.extui %eq3A_747 : i1 to i32
        %cond3A_749 = arith.constant 0 : i32
        %cond3A_750 = arith.cmpi ne, %convert_element_type3A_748, %cond3A_749 : i32
        scf.if %cond3A_750 {
          %mul3A_751 = arith.constant 16 : i32
          %mul3A_752 = arith.muli %add3A_740, %mul3A_751 : i32
          %multiple_of3A_753 = tpu.assume_multiple %mul3A_752, 16 : i32
          %dma_start3A_754 = arith.constant 3 : i32
          %dma_start3A_755 = arith.constant 0 : i32
          %dma_start3A_756 = arith.constant 0 : i32
          %dma_start3A_757 = tpu.memref_slice %arg12[%dma_start3A_754, %dma_start3A_755, %dma_start3A_756] : memref<10x16x64xf32, #tpu.memory_space<vmem>> -> memref<1x16x64xf32, #tpu.memory_space<vmem>>
          %dma_start3A_758 = tpu.memref_squeeze %dma_start3A_757 : memref<1x16x64xf32, #tpu.memory_space<vmem>> -> memref<16x64xf32, #tpu.memory_space<vmem>>
          %dma_start3A_759 = tpu.memref_slice %arg9[%multiple_of3A_753] : memref<20000xi32, #tpu.memory_space<vmem>> -> memref<16xi32, #tpu.memory_space<vmem>>
          %dma_start3A_760 = arith.constant 0 : i32
          %dma_start3A_761 = arith.constant 0 : i32
          %dma_start3A_762 = tpu.memref_slice %arg5[%dma_start3A_760, %dma_start3A_761] : memref<10000x64xf32, #tpu.memory_space<hbm>> -> memref<10000x64xf32, #tpu.memory_space<hbm>>
          tpu.enqueue_indirect_dma source(%dma_start3A_762 : memref<10000x64xf32, #tpu.memory_space<hbm>>) target(%dma_start3A_758 : memref<16x64xf32, #tpu.memory_space<vmem>>) offsets(%dma_start3A_759 : memref<16xi32, #tpu.memory_space<vmem>>) semaphore(%arg19 : memref<!tpu.dma_semaphore, #tpu.memory_space<semaphore_mem>>)
        } else {
        }
      } else {
      }
      %eq3A_527 = arith.constant 0 : i32
      %eq3A_528 = arith.cmpi eq, %arg0, %eq3A_527 : i32
      %convert_element_type3A_529 = arith.extui %eq3A_528 : i1 to i32
      %cond3A_530 = arith.constant 0 : i32
      %cond3A_531 = arith.cmpi ne, %convert_element_type3A_529, %cond3A_530 : i32
      scf.if %cond3A_531 {
        %mul3A_733 = arith.constant 16 : i32
        %mul3A_734 = arith.muli %add3A_495, %mul3A_733 : i32
        %add3A_735 = arith.constant 0 : i32
        %add3A_736 = arith.addi %mul3A_734, %add3A_735 : i32
        %multiple_of3A_737 = tpu.assume_multiple %add3A_736, 16 : i32
        %get3A = arith.index_cast %multiple_of3A_737 : i32 to index
        %get3A_738 = tpu.vector_load %arg10[%get3A] {strides = array<i32>} : memref<20000xi32, #tpu.memory_space<vmem>>, vector<16xi32>,
        %mul3A_739 = arith.constant 16 : i32
        %mul3A_740 = arith.muli %add3A_495, %mul3A_739 : i32
        %add3A_741 = arith.constant 0 : i32
        %add3A_742 = arith.addi %mul3A_740, %add3A_741 : i32
        %multiple_of3A_743 = tpu.assume_multiple %add3A_742, 16 : i32
        %get3A_744 = arith.index_cast %multiple_of3A_743 : i32 to index
        %get3A_745 = tpu.vector_load %arg11[%get3A_744] {strides = array<i32>} : memref<20000xf32, #tpu.memory_space<vmem>>, vector<16xf32>,
        %max3A = arith.constant 0.000000e+00 : f32
        %max3A_746 = vector.broadcast %max3A : f32 to vector<16xf32>
        %max3A_747 = arith.maximumf %get3A_745, %max3A_746 : vector<16xf32>
        tpu.vector_store_idx %arg13[%get3A_738], %max3A_747 {add = true} : memref<10000xf32, #tpu.memory_space<vmem>>[vector<16xi32>], vector<16xf32>,
        %neg3A = arith.constant 0.000000e+00 : f32
        %neg3A_748 = vector.broadcast %neg3A : f32 to vector<16xf32>
        %neg3A_749 = arith.subf %neg3A_748, %get3A_745 : vector<16xf32>
        %max3A_750 = arith.constant 0.000000e+00 : f32
        %max3A_751 = vector.broadcast %max3A_750 : f32 to vector<16xf32>
        %max3A_752 = arith.maximumf %neg3A_749, %max3A_751 : vector<16xf32>
        tpu.vector_store_idx %arg14[%get3A_738], %max3A_752 {add = true} : memref<10000xf32, #tpu.memory_space<vmem>>[vector<16xi32>], vector<16xf32>,
      } else {
      }
      %mul3A_532 = arith.constant 10 : i32
      %mul3A_533 = arith.muli %scan3A_332, %mul3A_532 : i32
      %add3A_534 = arith.constant 5 : i32
      %add3A_535 = arith.addi %mul3A_533, %add3A_534 : i32
      %mul3A_536 = arith.constant 16 : i32
      %mul3A_537 = arith.muli %add3A_535, %mul3A_536 : i32
      %multiple_of3A_538 = tpu.assume_multiple %mul3A_537, 16 : i32
      %dma_wait3A_539 = arith.constant 5 : i32
      %dma_wait3A_540 = arith.constant 0 : i32
      %dma_wait3A_541 = arith.constant 0 : i32
      %dma_wait3A_542 = tpu.memref_slice %arg12[%dma_wait3A_539, %dma_wait3A_540, %dma_wait3A_541] : memref<10x16x64xf32, #tpu.memory_space<vmem>> -> memref<1x16x64xf32, #tpu.memory_space<vmem>>
      %dma_wait3A_543 = tpu.memref_squeeze %dma_wait3A_542 : memref<1x16x64xf32, #tpu.memory_space<vmem>> -> memref<16x64xf32, #tpu.memory_space<vmem>>
      %dma_wait3A_544 = tpu.memref_slice %arg9[%multiple_of3A_538] : memref<20000xi32, #tpu.memory_space<vmem>> -> memref<16xi32, #tpu.memory_space<vmem>>
      %dma_wait3A_545 = arith.constant 0 : i32
      %dma_wait3A_546 = arith.constant 0 : i32
      %dma_wait3A_547 = tpu.memref_slice %arg4[%dma_wait3A_545, %dma_wait3A_546] : memref<10000x64xf32, #tpu.memory_space<hbm>> -> memref<10000x64xf32, #tpu.memory_space<hbm>>
      tpu.wait_indirect_dma semaphore(%arg21 : memref<!tpu.dma_semaphore, #tpu.memory_space<semaphore_mem>>) src(%dma_wait3A_547 : memref<10000x64xf32, #tpu.memory_space<hbm>>) dst(%dma_wait3A_543 : memref<16x64xf32, #tpu.memory_space<vmem>>)
      %mul3A_548 = arith.constant 16 : i32
      %mul3A_549 = arith.muli %add3A_535, %mul3A_548 : i32
      %multiple_of3A_550 = tpu.assume_multiple %mul3A_549, 16 : i32
      %dma_start3A_551 = arith.constant 5 : i32
      %dma_start3A_552 = arith.constant 0 : i32
      %dma_start3A_553 = arith.constant 0 : i32
      %dma_start3A_554 = tpu.memref_slice %arg12[%dma_start3A_551, %dma_start3A_552, %dma_start3A_553] : memref<10x16x64xf32, #tpu.memory_space<vmem>> -> memref<1x16x64xf32, #tpu.memory_space<vmem>>
      %dma_start3A_555 = tpu.memref_squeeze %dma_start3A_554 : memref<1x16x64xf32, #tpu.memory_space<vmem>> -> memref<16x64xf32, #tpu.memory_space<vmem>>
      %dma_start3A_556 = tpu.memref_slice %arg10[%multiple_of3A_550] : memref<20000xi32, #tpu.memory_space<vmem>> -> memref<16xi32, #tpu.memory_space<vmem>>
      %dma_start3A_557 = arith.constant 0 : i32
      %dma_start3A_558 = arith.constant 0 : i32
      %dma_start3A_559 = tpu.memref_slice %arg15[%dma_start3A_557, %dma_start3A_558] : memref<10000x64xf32, #tpu.memory_space<vmem_shared>> -> memref<10000x64xf32, #tpu.memory_space<vmem_shared>>
      tpu.enqueue_indirect_dma source(%dma_start3A_555 : memref<16x64xf32, #tpu.memory_space<vmem>>) target(%dma_start3A_559 : memref<10000x64xf32, #tpu.memory_space<vmem_shared>>) offsets(%dma_start3A_556 : memref<16xi32, #tpu.memory_space<vmem>>) semaphore(%arg31 : memref<!tpu.dma_semaphore, #tpu.memory_space<semaphore_mem>>) {add = true}
      %add3A_560 = arith.constant 9 : i32
      %add3A_561 = arith.addi %add3A_535, %add3A_560 : i32
      %lt3A_562 = arith.constant 1250 : i32
      %lt3A_563 = arith.cmpi slt, %add3A_561, %lt3A_562 : i32
      %convert_element_type3A_564 = arith.extui %lt3A_563 : i1 to i32
      %cond3A_565 = arith.constant 0 : i32
      %cond3A_566 = arith.cmpi ne, %convert_element_type3A_564, %cond3A_565 : i32
      scf.if %cond3A_566 {
        %add3A_733 = arith.constant 9 : i32
        %add3A_734 = arith.addi %add3A_535, %add3A_733 : i32
        %ge3A = arith.constant 10 : i32
        %ge3A_735 = arith.cmpi sge, %add3A_734, %ge3A : i32
        %convert_element_type3A_736 = arith.extui %ge3A_735 : i1 to i32
        %cond3A_737 = arith.constant 0 : i32
        %cond3A_738 = arith.cmpi ne, %convert_element_type3A_736, %cond3A_737 : i32
        scf.if %cond3A_738 {
          %mul3A_751 = arith.constant 16 : i32
          %mul3A_752 = arith.muli %add3A_535, %mul3A_751 : i32
          %multiple_of3A_753 = tpu.assume_multiple %mul3A_752, 16 : i32
          %dma_wait3A_754 = arith.constant 4 : i32
          %dma_wait3A_755 = arith.constant 0 : i32
          %dma_wait3A_756 = arith.constant 0 : i32
          %dma_wait3A_757 = tpu.memref_slice %arg12[%dma_wait3A_754, %dma_wait3A_755, %dma_wait3A_756] : memref<10x16x64xf32, #tpu.memory_space<vmem>> -> memref<1x16x64xf32, #tpu.memory_space<vmem>>
          %dma_wait3A_758 = tpu.memref_squeeze %dma_wait3A_757 : memref<1x16x64xf32, #tpu.memory_space<vmem>> -> memref<16x64xf32, #tpu.memory_space<vmem>>
          %dma_wait3A_759 = tpu.memref_slice %arg10[%multiple_of3A_753] : memref<20000xi32, #tpu.memory_space<vmem>> -> memref<16xi32, #tpu.memory_space<vmem>>
          %dma_wait3A_760 = arith.constant 0 : i32
          %dma_wait3A_761 = arith.constant 0 : i32
          %dma_wait3A_762 = tpu.memref_slice %arg15[%dma_wait3A_760, %dma_wait3A_761] : memref<10000x64xf32, #tpu.memory_space<vmem_shared>> -> memref<10000x64xf32, #tpu.memory_space<vmem_shared>>
          tpu.wait_indirect_dma semaphore(%arg30 : memref<!tpu.dma_semaphore, #tpu.memory_space<semaphore_mem>>) src(%dma_wait3A_758 : memref<16x64xf32, #tpu.memory_space<vmem>>) dst(%dma_wait3A_762 : memref<10000x64xf32, #tpu.memory_space<vmem_shared>>)
        } else {
        }
        %add3A_739 = arith.constant 9 : i32
        %add3A_740 = arith.addi %add3A_535, %add3A_739 : i32
        %eq3A_741 = arith.constant 0 : i32
        %eq3A_742 = arith.cmpi eq, %arg0, %eq3A_741 : i32
        %convert_element_type3A_743 = arith.extui %eq3A_742 : i1 to i32
        %cond3A_744 = arith.constant 0 : i32
        %cond3A_745 = arith.cmpi ne, %convert_element_type3A_743, %cond3A_744 : i32
        scf.if %cond3A_745 {
          %mul3A_751 = arith.constant 16 : i32
          %mul3A_752 = arith.muli %add3A_740, %mul3A_751 : i32
          %multiple_of3A_753 = tpu.assume_multiple %mul3A_752, 16 : i32
          %dma_start3A_754 = arith.constant 4 : i32
          %dma_start3A_755 = arith.constant 0 : i32
          %dma_start3A_756 = arith.constant 0 : i32
          %dma_start3A_757 = tpu.memref_slice %arg12[%dma_start3A_754, %dma_start3A_755, %dma_start3A_756] : memref<10x16x64xf32, #tpu.memory_space<vmem>> -> memref<1x16x64xf32, #tpu.memory_space<vmem>>
          %dma_start3A_758 = tpu.memref_squeeze %dma_start3A_757 : memref<1x16x64xf32, #tpu.memory_space<vmem>> -> memref<16x64xf32, #tpu.memory_space<vmem>>
          %dma_start3A_759 = tpu.memref_slice %arg9[%multiple_of3A_753] : memref<20000xi32, #tpu.memory_space<vmem>> -> memref<16xi32, #tpu.memory_space<vmem>>
          %dma_start3A_760 = arith.constant 0 : i32
          %dma_start3A_761 = arith.constant 0 : i32
          %dma_start3A_762 = tpu.memref_slice %arg4[%dma_start3A_760, %dma_start3A_761] : memref<10000x64xf32, #tpu.memory_space<hbm>> -> memref<10000x64xf32, #tpu.memory_space<hbm>>
          tpu.enqueue_indirect_dma source(%dma_start3A_762 : memref<10000x64xf32, #tpu.memory_space<hbm>>) target(%dma_start3A_758 : memref<16x64xf32, #tpu.memory_space<vmem>>) offsets(%dma_start3A_759 : memref<16xi32, #tpu.memory_space<vmem>>) semaphore(%arg20 : memref<!tpu.dma_semaphore, #tpu.memory_space<semaphore_mem>>)
        } else {
        }
        %eq3A_746 = arith.constant 1 : i32
        %eq3A_747 = arith.cmpi eq, %arg0, %eq3A_746 : i32
        %convert_element_type3A_748 = arith.extui %eq3A_747 : i1 to i32
        %cond3A_749 = arith.constant 0 : i32
        %cond3A_750 = arith.cmpi ne, %convert_element_type3A_748, %cond3A_749 : i32
        scf.if %cond3A_750 {
          %mul3A_751 = arith.constant 16 : i32
          %mul3A_752 = arith.muli %add3A_740, %mul3A_751 : i32
          %multiple_of3A_753 = tpu.assume_multiple %mul3A_752, 16 : i32
          %dma_start3A_754 = arith.constant 4 : i32
          %dma_start3A_755 = arith.constant 0 : i32
          %dma_start3A_756 = arith.constant 0 : i32
          %dma_start3A_757 = tpu.memref_slice %arg12[%dma_start3A_754, %dma_start3A_755, %dma_start3A_756] : memref<10x16x64xf32, #tpu.memory_space<vmem>> -> memref<1x16x64xf32, #tpu.memory_space<vmem>>
          %dma_start3A_758 = tpu.memref_squeeze %dma_start3A_757 : memref<1x16x64xf32, #tpu.memory_space<vmem>> -> memref<16x64xf32, #tpu.memory_space<vmem>>
          %dma_start3A_759 = tpu.memref_slice %arg9[%multiple_of3A_753] : memref<20000xi32, #tpu.memory_space<vmem>> -> memref<16xi32, #tpu.memory_space<vmem>>
          %dma_start3A_760 = arith.constant 0 : i32
          %dma_start3A_761 = arith.constant 0 : i32
          %dma_start3A_762 = tpu.memref_slice %arg5[%dma_start3A_760, %dma_start3A_761] : memref<10000x64xf32, #tpu.memory_space<hbm>> -> memref<10000x64xf32, #tpu.memory_space<hbm>>
          tpu.enqueue_indirect_dma source(%dma_start3A_762 : memref<10000x64xf32, #tpu.memory_space<hbm>>) target(%dma_start3A_758 : memref<16x64xf32, #tpu.memory_space<vmem>>) offsets(%dma_start3A_759 : memref<16xi32, #tpu.memory_space<vmem>>) semaphore(%arg20 : memref<!tpu.dma_semaphore, #tpu.memory_space<semaphore_mem>>)
        } else {
        }
      } else {
      }
      %eq3A_567 = arith.constant 0 : i32
      %eq3A_568 = arith.cmpi eq, %arg0, %eq3A_567 : i32
      %convert_element_type3A_569 = arith.extui %eq3A_568 : i1 to i32
      %cond3A_570 = arith.constant 0 : i32
      %cond3A_571 = arith.cmpi ne, %convert_element_type3A_569, %cond3A_570 : i32
      scf.if %cond3A_571 {
        %mul3A_733 = arith.constant 16 : i32
        %mul3A_734 = arith.muli %add3A_535, %mul3A_733 : i32
        %add3A_735 = arith.constant 0 : i32
        %add3A_736 = arith.addi %mul3A_734, %add3A_735 : i32
        %multiple_of3A_737 = tpu.assume_multiple %add3A_736, 16 : i32
        %get3A = arith.index_cast %multiple_of3A_737 : i32 to index
        %get3A_738 = tpu.vector_load %arg10[%get3A] {strides = array<i32>} : memref<20000xi32, #tpu.memory_space<vmem>>, vector<16xi32>,
        %mul3A_739 = arith.constant 16 : i32
        %mul3A_740 = arith.muli %add3A_535, %mul3A_739 : i32
        %add3A_741 = arith.constant 0 : i32
        %add3A_742 = arith.addi %mul3A_740, %add3A_741 : i32
        %multiple_of3A_743 = tpu.assume_multiple %add3A_742, 16 : i32
        %get3A_744 = arith.index_cast %multiple_of3A_743 : i32 to index
        %get3A_745 = tpu.vector_load %arg11[%get3A_744] {strides = array<i32>} : memref<20000xf32, #tpu.memory_space<vmem>>, vector<16xf32>,
        %max3A = arith.constant 0.000000e+00 : f32
        %max3A_746 = vector.broadcast %max3A : f32 to vector<16xf32>
        %max3A_747 = arith.maximumf %get3A_745, %max3A_746 : vector<16xf32>
        tpu.vector_store_idx %arg13[%get3A_738], %max3A_747 {add = true} : memref<10000xf32, #tpu.memory_space<vmem>>[vector<16xi32>], vector<16xf32>,
        %neg3A = arith.constant 0.000000e+00 : f32
        %neg3A_748 = vector.broadcast %neg3A : f32 to vector<16xf32>
        %neg3A_749 = arith.subf %neg3A_748, %get3A_745 : vector<16xf32>
        %max3A_750 = arith.constant 0.000000e+00 : f32
        %max3A_751 = vector.broadcast %max3A_750 : f32 to vector<16xf32>
        %max3A_752 = arith.maximumf %neg3A_749, %max3A_751 : vector<16xf32>
        tpu.vector_store_idx %arg14[%get3A_738], %max3A_752 {add = true} : memref<10000xf32, #tpu.memory_space<vmem>>[vector<16xi32>], vector<16xf32>,
      } else {
      }
      %mul3A_572 = arith.constant 10 : i32
      %mul3A_573 = arith.muli %scan3A_332, %mul3A_572 : i32
      %add3A_574 = arith.constant 6 : i32
      %add3A_575 = arith.addi %mul3A_573, %add3A_574 : i32
      %mul3A_576 = arith.constant 16 : i32
      %mul3A_577 = arith.muli %add3A_575, %mul3A_576 : i32
      %multiple_of3A_578 = tpu.assume_multiple %mul3A_577, 16 : i32
      %dma_wait3A_579 = arith.constant 6 : i32
      %dma_wait3A_580 = arith.constant 0 : i32
      %dma_wait3A_581 = arith.constant 0 : i32
      %dma_wait3A_582 = tpu.memref_slice %arg12[%dma_wait3A_579, %dma_wait3A_580, %dma_wait3A_581] : memref<10x16x64xf32, #tpu.memory_space<vmem>> -> memref<1x16x64xf32, #tpu.memory_space<vmem>>
      %dma_wait3A_583 = tpu.memref_squeeze %dma_wait3A_582 : memref<1x16x64xf32, #tpu.memory_space<vmem>> -> memref<16x64xf32, #tpu.memory_space<vmem>>
      %dma_wait3A_584 = tpu.memref_slice %arg9[%multiple_of3A_578] : memref<20000xi32, #tpu.memory_space<vmem>> -> memref<16xi32, #tpu.memory_space<vmem>>
      %dma_wait3A_585 = arith.constant 0 : i32
      %dma_wait3A_586 = arith.constant 0 : i32
      %dma_wait3A_587 = tpu.memref_slice %arg4[%dma_wait3A_585, %dma_wait3A_586] : memref<10000x64xf32, #tpu.memory_space<hbm>> -> memref<10000x64xf32, #tpu.memory_space<hbm>>
      tpu.wait_indirect_dma semaphore(%arg22 : memref<!tpu.dma_semaphore, #tpu.memory_space<semaphore_mem>>) src(%dma_wait3A_587 : memref<10000x64xf32, #tpu.memory_space<hbm>>) dst(%dma_wait3A_583 : memref<16x64xf32, #tpu.memory_space<vmem>>)
      %mul3A_588 = arith.constant 16 : i32
      %mul3A_589 = arith.muli %add3A_575, %mul3A_588 : i32
      %multiple_of3A_590 = tpu.assume_multiple %mul3A_589, 16 : i32
      %dma_start3A_591 = arith.constant 6 : i32
      %dma_start3A_592 = arith.constant 0 : i32
      %dma_start3A_593 = arith.constant 0 : i32
      %dma_start3A_594 = tpu.memref_slice %arg12[%dma_start3A_591, %dma_start3A_592, %dma_start3A_593] : memref<10x16x64xf32, #tpu.memory_space<vmem>> -> memref<1x16x64xf32, #tpu.memory_space<vmem>>
      %dma_start3A_595 = tpu.memref_squeeze %dma_start3A_594 : memref<1x16x64xf32, #tpu.memory_space<vmem>> -> memref<16x64xf32, #tpu.memory_space<vmem>>
      %dma_start3A_596 = tpu.memref_slice %arg10[%multiple_of3A_590] : memref<20000xi32, #tpu.memory_space<vmem>> -> memref<16xi32, #tpu.memory_space<vmem>>
      %dma_start3A_597 = arith.constant 0 : i32
      %dma_start3A_598 = arith.constant 0 : i32
      %dma_start3A_599 = tpu.memref_slice %arg15[%dma_start3A_597, %dma_start3A_598] : memref<10000x64xf32, #tpu.memory_space<vmem_shared>> -> memref<10000x64xf32, #tpu.memory_space<vmem_shared>>
      tpu.enqueue_indirect_dma source(%dma_start3A_595 : memref<16x64xf32, #tpu.memory_space<vmem>>) target(%dma_start3A_599 : memref<10000x64xf32, #tpu.memory_space<vmem_shared>>) offsets(%dma_start3A_596 : memref<16xi32, #tpu.memory_space<vmem>>) semaphore(%arg32 : memref<!tpu.dma_semaphore, #tpu.memory_space<semaphore_mem>>) {add = true}
      %add3A_600 = arith.constant 9 : i32
      %add3A_601 = arith.addi %add3A_575, %add3A_600 : i32
      %lt3A_602 = arith.constant 1250 : i32
      %lt3A_603 = arith.cmpi slt, %add3A_601, %lt3A_602 : i32
      %convert_element_type3A_604 = arith.extui %lt3A_603 : i1 to i32
      %cond3A_605 = arith.constant 0 : i32
      %cond3A_606 = arith.cmpi ne, %convert_element_type3A_604, %cond3A_605 : i32
      scf.if %cond3A_606 {
        %add3A_733 = arith.constant 9 : i32
        %add3A_734 = arith.addi %add3A_575, %add3A_733 : i32
        %ge3A = arith.constant 10 : i32
        %ge3A_735 = arith.cmpi sge, %add3A_734, %ge3A : i32
        %convert_element_type3A_736 = arith.extui %ge3A_735 : i1 to i32
        %cond3A_737 = arith.constant 0 : i32
        %cond3A_738 = arith.cmpi ne, %convert_element_type3A_736, %cond3A_737 : i32
        scf.if %cond3A_738 {
          %mul3A_751 = arith.constant 16 : i32
          %mul3A_752 = arith.muli %add3A_575, %mul3A_751 : i32
          %multiple_of3A_753 = tpu.assume_multiple %mul3A_752, 16 : i32
          %dma_wait3A_754 = arith.constant 5 : i32
          %dma_wait3A_755 = arith.constant 0 : i32
          %dma_wait3A_756 = arith.constant 0 : i32
          %dma_wait3A_757 = tpu.memref_slice %arg12[%dma_wait3A_754, %dma_wait3A_755, %dma_wait3A_756] : memref<10x16x64xf32, #tpu.memory_space<vmem>> -> memref<1x16x64xf32, #tpu.memory_space<vmem>>
          %dma_wait3A_758 = tpu.memref_squeeze %dma_wait3A_757 : memref<1x16x64xf32, #tpu.memory_space<vmem>> -> memref<16x64xf32, #tpu.memory_space<vmem>>
          %dma_wait3A_759 = tpu.memref_slice %arg10[%multiple_of3A_753] : memref<20000xi32, #tpu.memory_space<vmem>> -> memref<16xi32, #tpu.memory_space<vmem>>
          %dma_wait3A_760 = arith.constant 0 : i32
          %dma_wait3A_761 = arith.constant 0 : i32
          %dma_wait3A_762 = tpu.memref_slice %arg15[%dma_wait3A_760, %dma_wait3A_761] : memref<10000x64xf32, #tpu.memory_space<vmem_shared>> -> memref<10000x64xf32, #tpu.memory_space<vmem_shared>>
          tpu.wait_indirect_dma semaphore(%arg31 : memref<!tpu.dma_semaphore, #tpu.memory_space<semaphore_mem>>) src(%dma_wait3A_758 : memref<16x64xf32, #tpu.memory_space<vmem>>) dst(%dma_wait3A_762 : memref<10000x64xf32, #tpu.memory_space<vmem_shared>>)
        } else {
        }
        %add3A_739 = arith.constant 9 : i32
        %add3A_740 = arith.addi %add3A_575, %add3A_739 : i32
        %eq3A_741 = arith.constant 0 : i32
        %eq3A_742 = arith.cmpi eq, %arg0, %eq3A_741 : i32
        %convert_element_type3A_743 = arith.extui %eq3A_742 : i1 to i32
        %cond3A_744 = arith.constant 0 : i32
        %cond3A_745 = arith.cmpi ne, %convert_element_type3A_743, %cond3A_744 : i32
        scf.if %cond3A_745 {
          %mul3A_751 = arith.constant 16 : i32
          %mul3A_752 = arith.muli %add3A_740, %mul3A_751 : i32
          %multiple_of3A_753 = tpu.assume_multiple %mul3A_752, 16 : i32
          %dma_start3A_754 = arith.constant 5 : i32
          %dma_start3A_755 = arith.constant 0 : i32
          %dma_start3A_756 = arith.constant 0 : i32
          %dma_start3A_757 = tpu.memref_slice %arg12[%dma_start3A_754, %dma_start3A_755, %dma_start3A_756] : memref<10x16x64xf32, #tpu.memory_space<vmem>> -> memref<1x16x64xf32, #tpu.memory_space<vmem>>
          %dma_start3A_758 = tpu.memref_squeeze %dma_start3A_757 : memref<1x16x64xf32, #tpu.memory_space<vmem>> -> memref<16x64xf32, #tpu.memory_space<vmem>>
          %dma_start3A_759 = tpu.memref_slice %arg9[%multiple_of3A_753] : memref<20000xi32, #tpu.memory_space<vmem>> -> memref<16xi32, #tpu.memory_space<vmem>>
          %dma_start3A_760 = arith.constant 0 : i32
          %dma_start3A_761 = arith.constant 0 : i32
          %dma_start3A_762 = tpu.memref_slice %arg4[%dma_start3A_760, %dma_start3A_761] : memref<10000x64xf32, #tpu.memory_space<hbm>> -> memref<10000x64xf32, #tpu.memory_space<hbm>>
          tpu.enqueue_indirect_dma source(%dma_start3A_762 : memref<10000x64xf32, #tpu.memory_space<hbm>>) target(%dma_start3A_758 : memref<16x64xf32, #tpu.memory_space<vmem>>) offsets(%dma_start3A_759 : memref<16xi32, #tpu.memory_space<vmem>>) semaphore(%arg21 : memref<!tpu.dma_semaphore, #tpu.memory_space<semaphore_mem>>)
        } else {
        }
        %eq3A_746 = arith.constant 1 : i32
        %eq3A_747 = arith.cmpi eq, %arg0, %eq3A_746 : i32
        %convert_element_type3A_748 = arith.extui %eq3A_747 : i1 to i32
        %cond3A_749 = arith.constant 0 : i32
        %cond3A_750 = arith.cmpi ne, %convert_element_type3A_748, %cond3A_749 : i32
        scf.if %cond3A_750 {
          %mul3A_751 = arith.constant 16 : i32
          %mul3A_752 = arith.muli %add3A_740, %mul3A_751 : i32
          %multiple_of3A_753 = tpu.assume_multiple %mul3A_752, 16 : i32
          %dma_start3A_754 = arith.constant 5 : i32
          %dma_start3A_755 = arith.constant 0 : i32
          %dma_start3A_756 = arith.constant 0 : i32
          %dma_start3A_757 = tpu.memref_slice %arg12[%dma_start3A_754, %dma_start3A_755, %dma_start3A_756] : memref<10x16x64xf32, #tpu.memory_space<vmem>> -> memref<1x16x64xf32, #tpu.memory_space<vmem>>
          %dma_start3A_758 = tpu.memref_squeeze %dma_start3A_757 : memref<1x16x64xf32, #tpu.memory_space<vmem>> -> memref<16x64xf32, #tpu.memory_space<vmem>>
          %dma_start3A_759 = tpu.memref_slice %arg9[%multiple_of3A_753] : memref<20000xi32, #tpu.memory_space<vmem>> -> memref<16xi32, #tpu.memory_space<vmem>>
          %dma_start3A_760 = arith.constant 0 : i32
          %dma_start3A_761 = arith.constant 0 : i32
          %dma_start3A_762 = tpu.memref_slice %arg5[%dma_start3A_760, %dma_start3A_761] : memref<10000x64xf32, #tpu.memory_space<hbm>> -> memref<10000x64xf32, #tpu.memory_space<hbm>>
          tpu.enqueue_indirect_dma source(%dma_start3A_762 : memref<10000x64xf32, #tpu.memory_space<hbm>>) target(%dma_start3A_758 : memref<16x64xf32, #tpu.memory_space<vmem>>) offsets(%dma_start3A_759 : memref<16xi32, #tpu.memory_space<vmem>>) semaphore(%arg21 : memref<!tpu.dma_semaphore, #tpu.memory_space<semaphore_mem>>)
        } else {
        }
      } else {
      }
      %eq3A_607 = arith.constant 0 : i32
      %eq3A_608 = arith.cmpi eq, %arg0, %eq3A_607 : i32
      %convert_element_type3A_609 = arith.extui %eq3A_608 : i1 to i32
      %cond3A_610 = arith.constant 0 : i32
      %cond3A_611 = arith.cmpi ne, %convert_element_type3A_609, %cond3A_610 : i32
      scf.if %cond3A_611 {
        %mul3A_733 = arith.constant 16 : i32
        %mul3A_734 = arith.muli %add3A_575, %mul3A_733 : i32
        %add3A_735 = arith.constant 0 : i32
        %add3A_736 = arith.addi %mul3A_734, %add3A_735 : i32
        %multiple_of3A_737 = tpu.assume_multiple %add3A_736, 16 : i32
        %get3A = arith.index_cast %multiple_of3A_737 : i32 to index
        %get3A_738 = tpu.vector_load %arg10[%get3A] {strides = array<i32>} : memref<20000xi32, #tpu.memory_space<vmem>>, vector<16xi32>,
        %mul3A_739 = arith.constant 16 : i32
        %mul3A_740 = arith.muli %add3A_575, %mul3A_739 : i32
        %add3A_741 = arith.constant 0 : i32
        %add3A_742 = arith.addi %mul3A_740, %add3A_741 : i32
        %multiple_of3A_743 = tpu.assume_multiple %add3A_742, 16 : i32
        %get3A_744 = arith.index_cast %multiple_of3A_743 : i32 to index
        %get3A_745 = tpu.vector_load %arg11[%get3A_744] {strides = array<i32>} : memref<20000xf32, #tpu.memory_space<vmem>>, vector<16xf32>,
        %max3A = arith.constant 0.000000e+00 : f32
        %max3A_746 = vector.broadcast %max3A : f32 to vector<16xf32>
        %max3A_747 = arith.maximumf %get3A_745, %max3A_746 : vector<16xf32>
        tpu.vector_store_idx %arg13[%get3A_738], %max3A_747 {add = true} : memref<10000xf32, #tpu.memory_space<vmem>>[vector<16xi32>], vector<16xf32>,
        %neg3A = arith.constant 0.000000e+00 : f32
        %neg3A_748 = vector.broadcast %neg3A : f32 to vector<16xf32>
        %neg3A_749 = arith.subf %neg3A_748, %get3A_745 : vector<16xf32>
        %max3A_750 = arith.constant 0.000000e+00 : f32
        %max3A_751 = vector.broadcast %max3A_750 : f32 to vector<16xf32>
        %max3A_752 = arith.maximumf %neg3A_749, %max3A_751 : vector<16xf32>
        tpu.vector_store_idx %arg14[%get3A_738], %max3A_752 {add = true} : memref<10000xf32, #tpu.memory_space<vmem>>[vector<16xi32>], vector<16xf32>,
      } else {
      }
      %mul3A_612 = arith.constant 10 : i32
      %mul3A_613 = arith.muli %scan3A_332, %mul3A_612 : i32
      %add3A_614 = arith.constant 7 : i32
      %add3A_615 = arith.addi %mul3A_613, %add3A_614 : i32
      %mul3A_616 = arith.constant 16 : i32
      %mul3A_617 = arith.muli %add3A_615, %mul3A_616 : i32
      %multiple_of3A_618 = tpu.assume_multiple %mul3A_617, 16 : i32
      %dma_wait3A_619 = arith.constant 7 : i32
      %dma_wait3A_620 = arith.constant 0 : i32
      %dma_wait3A_621 = arith.constant 0 : i32
      %dma_wait3A_622 = tpu.memref_slice %arg12[%dma_wait3A_619, %dma_wait3A_620, %dma_wait3A_621] : memref<10x16x64xf32, #tpu.memory_space<vmem>> -> memref<1x16x64xf32, #tpu.memory_space<vmem>>
      %dma_wait3A_623 = tpu.memref_squeeze %dma_wait3A_622 : memref<1x16x64xf32, #tpu.memory_space<vmem>> -> memref<16x64xf32, #tpu.memory_space<vmem>>
      %dma_wait3A_624 = tpu.memref_slice %arg9[%multiple_of3A_618] : memref<20000xi32, #tpu.memory_space<vmem>> -> memref<16xi32, #tpu.memory_space<vmem>>
      %dma_wait3A_625 = arith.constant 0 : i32
      %dma_wait3A_626 = arith.constant 0 : i32
      %dma_wait3A_627 = tpu.memref_slice %arg4[%dma_wait3A_625, %dma_wait3A_626] : memref<10000x64xf32, #tpu.memory_space<hbm>> -> memref<10000x64xf32, #tpu.memory_space<hbm>>
      tpu.wait_indirect_dma semaphore(%arg23 : memref<!tpu.dma_semaphore, #tpu.memory_space<semaphore_mem>>) src(%dma_wait3A_627 : memref<10000x64xf32, #tpu.memory_space<hbm>>) dst(%dma_wait3A_623 : memref<16x64xf32, #tpu.memory_space<vmem>>)
      %mul3A_628 = arith.constant 16 : i32
      %mul3A_629 = arith.muli %add3A_615, %mul3A_628 : i32
      %multiple_of3A_630 = tpu.assume_multiple %mul3A_629, 16 : i32
      %dma_start3A_631 = arith.constant 7 : i32
      %dma_start3A_632 = arith.constant 0 : i32
      %dma_start3A_633 = arith.constant 0 : i32
      %dma_start3A_634 = tpu.memref_slice %arg12[%dma_start3A_631, %dma_start3A_632, %dma_start3A_633] : memref<10x16x64xf32, #tpu.memory_space<vmem>> -> memref<1x16x64xf32, #tpu.memory_space<vmem>>
      %dma_start3A_635 = tpu.memref_squeeze %dma_start3A_634 : memref<1x16x64xf32, #tpu.memory_space<vmem>> -> memref<16x64xf32, #tpu.memory_space<vmem>>
      %dma_start3A_636 = tpu.memref_slice %arg10[%multiple_of3A_630] : memref<20000xi32, #tpu.memory_space<vmem>> -> memref<16xi32, #tpu.memory_space<vmem>>
      %dma_start3A_637 = arith.constant 0 : i32
      %dma_start3A_638 = arith.constant 0 : i32
      %dma_start3A_639 = tpu.memref_slice %arg15[%dma_start3A_637, %dma_start3A_638] : memref<10000x64xf32, #tpu.memory_space<vmem_shared>> -> memref<10000x64xf32, #tpu.memory_space<vmem_shared>>
      tpu.enqueue_indirect_dma source(%dma_start3A_635 : memref<16x64xf32, #tpu.memory_space<vmem>>) target(%dma_start3A_639 : memref<10000x64xf32, #tpu.memory_space<vmem_shared>>) offsets(%dma_start3A_636 : memref<16xi32, #tpu.memory_space<vmem>>) semaphore(%arg33 : memref<!tpu.dma_semaphore, #tpu.memory_space<semaphore_mem>>) {add = true}
      %add3A_640 = arith.constant 9 : i32
      %add3A_641 = arith.addi %add3A_615, %add3A_640 : i32
      %lt3A_642 = arith.constant 1250 : i32
      %lt3A_643 = arith.cmpi slt, %add3A_641, %lt3A_642 : i32
      %convert_element_type3A_644 = arith.extui %lt3A_643 : i1 to i32
      %cond3A_645 = arith.constant 0 : i32
      %cond3A_646 = arith.cmpi ne, %convert_element_type3A_644, %cond3A_645 : i32
      scf.if %cond3A_646 {
        %add3A_733 = arith.constant 9 : i32
        %add3A_734 = arith.addi %add3A_615, %add3A_733 : i32
        %ge3A = arith.constant 10 : i32
        %ge3A_735 = arith.cmpi sge, %add3A_734, %ge3A : i32
        %convert_element_type3A_736 = arith.extui %ge3A_735 : i1 to i32
        %cond3A_737 = arith.constant 0 : i32
        %cond3A_738 = arith.cmpi ne, %convert_element_type3A_736, %cond3A_737 : i32
        scf.if %cond3A_738 {
          %mul3A_751 = arith.constant 16 : i32
          %mul3A_752 = arith.muli %add3A_615, %mul3A_751 : i32
          %multiple_of3A_753 = tpu.assume_multiple %mul3A_752, 16 : i32
          %dma_wait3A_754 = arith.constant 6 : i32
          %dma_wait3A_755 = arith.constant 0 : i32
          %dma_wait3A_756 = arith.constant 0 : i32
          %dma_wait3A_757 = tpu.memref_slice %arg12[%dma_wait3A_754, %dma_wait3A_755, %dma_wait3A_756] : memref<10x16x64xf32, #tpu.memory_space<vmem>> -> memref<1x16x64xf32, #tpu.memory_space<vmem>>
          %dma_wait3A_758 = tpu.memref_squeeze %dma_wait3A_757 : memref<1x16x64xf32, #tpu.memory_space<vmem>> -> memref<16x64xf32, #tpu.memory_space<vmem>>
          %dma_wait3A_759 = tpu.memref_slice %arg10[%multiple_of3A_753] : memref<20000xi32, #tpu.memory_space<vmem>> -> memref<16xi32, #tpu.memory_space<vmem>>
          %dma_wait3A_760 = arith.constant 0 : i32
          %dma_wait3A_761 = arith.constant 0 : i32
          %dma_wait3A_762 = tpu.memref_slice %arg15[%dma_wait3A_760, %dma_wait3A_761] : memref<10000x64xf32, #tpu.memory_space<vmem_shared>> -> memref<10000x64xf32, #tpu.memory_space<vmem_shared>>
          tpu.wait_indirect_dma semaphore(%arg32 : memref<!tpu.dma_semaphore, #tpu.memory_space<semaphore_mem>>) src(%dma_wait3A_758 : memref<16x64xf32, #tpu.memory_space<vmem>>) dst(%dma_wait3A_762 : memref<10000x64xf32, #tpu.memory_space<vmem_shared>>)
        } else {
        }
        %add3A_739 = arith.constant 9 : i32
        %add3A_740 = arith.addi %add3A_615, %add3A_739 : i32
        %eq3A_741 = arith.constant 0 : i32
        %eq3A_742 = arith.cmpi eq, %arg0, %eq3A_741 : i32
        %convert_element_type3A_743 = arith.extui %eq3A_742 : i1 to i32
        %cond3A_744 = arith.constant 0 : i32
        %cond3A_745 = arith.cmpi ne, %convert_element_type3A_743, %cond3A_744 : i32
        scf.if %cond3A_745 {
          %mul3A_751 = arith.constant 16 : i32
          %mul3A_752 = arith.muli %add3A_740, %mul3A_751 : i32
          %multiple_of3A_753 = tpu.assume_multiple %mul3A_752, 16 : i32
          %dma_start3A_754 = arith.constant 6 : i32
          %dma_start3A_755 = arith.constant 0 : i32
          %dma_start3A_756 = arith.constant 0 : i32
          %dma_start3A_757 = tpu.memref_slice %arg12[%dma_start3A_754, %dma_start3A_755, %dma_start3A_756] : memref<10x16x64xf32, #tpu.memory_space<vmem>> -> memref<1x16x64xf32, #tpu.memory_space<vmem>>
          %dma_start3A_758 = tpu.memref_squeeze %dma_start3A_757 : memref<1x16x64xf32, #tpu.memory_space<vmem>> -> memref<16x64xf32, #tpu.memory_space<vmem>>
          %dma_start3A_759 = tpu.memref_slice %arg9[%multiple_of3A_753] : memref<20000xi32, #tpu.memory_space<vmem>> -> memref<16xi32, #tpu.memory_space<vmem>>
          %dma_start3A_760 = arith.constant 0 : i32
          %dma_start3A_761 = arith.constant 0 : i32
          %dma_start3A_762 = tpu.memref_slice %arg4[%dma_start3A_760, %dma_start3A_761] : memref<10000x64xf32, #tpu.memory_space<hbm>> -> memref<10000x64xf32, #tpu.memory_space<hbm>>
          tpu.enqueue_indirect_dma source(%dma_start3A_762 : memref<10000x64xf32, #tpu.memory_space<hbm>>) target(%dma_start3A_758 : memref<16x64xf32, #tpu.memory_space<vmem>>) offsets(%dma_start3A_759 : memref<16xi32, #tpu.memory_space<vmem>>) semaphore(%arg22 : memref<!tpu.dma_semaphore, #tpu.memory_space<semaphore_mem>>)
        } else {
        }
        %eq3A_746 = arith.constant 1 : i32
        %eq3A_747 = arith.cmpi eq, %arg0, %eq3A_746 : i32
        %convert_element_type3A_748 = arith.extui %eq3A_747 : i1 to i32
        %cond3A_749 = arith.constant 0 : i32
        %cond3A_750 = arith.cmpi ne, %convert_element_type3A_748, %cond3A_749 : i32
        scf.if %cond3A_750 {
          %mul3A_751 = arith.constant 16 : i32
          %mul3A_752 = arith.muli %add3A_740, %mul3A_751 : i32
          %multiple_of3A_753 = tpu.assume_multiple %mul3A_752, 16 : i32
          %dma_start3A_754 = arith.constant 6 : i32
          %dma_start3A_755 = arith.constant 0 : i32
          %dma_start3A_756 = arith.constant 0 : i32
          %dma_start3A_757 = tpu.memref_slice %arg12[%dma_start3A_754, %dma_start3A_755, %dma_start3A_756] : memref<10x16x64xf32, #tpu.memory_space<vmem>> -> memref<1x16x64xf32, #tpu.memory_space<vmem>>
          %dma_start3A_758 = tpu.memref_squeeze %dma_start3A_757 : memref<1x16x64xf32, #tpu.memory_space<vmem>> -> memref<16x64xf32, #tpu.memory_space<vmem>>
          %dma_start3A_759 = tpu.memref_slice %arg9[%multiple_of3A_753] : memref<20000xi32, #tpu.memory_space<vmem>> -> memref<16xi32, #tpu.memory_space<vmem>>
          %dma_start3A_760 = arith.constant 0 : i32
          %dma_start3A_761 = arith.constant 0 : i32
          %dma_start3A_762 = tpu.memref_slice %arg5[%dma_start3A_760, %dma_start3A_761] : memref<10000x64xf32, #tpu.memory_space<hbm>> -> memref<10000x64xf32, #tpu.memory_space<hbm>>
          tpu.enqueue_indirect_dma source(%dma_start3A_762 : memref<10000x64xf32, #tpu.memory_space<hbm>>) target(%dma_start3A_758 : memref<16x64xf32, #tpu.memory_space<vmem>>) offsets(%dma_start3A_759 : memref<16xi32, #tpu.memory_space<vmem>>) semaphore(%arg22 : memref<!tpu.dma_semaphore, #tpu.memory_space<semaphore_mem>>)
        } else {
        }
      } else {
      }
      %eq3A_647 = arith.constant 0 : i32
      %eq3A_648 = arith.cmpi eq, %arg0, %eq3A_647 : i32
      %convert_element_type3A_649 = arith.extui %eq3A_648 : i1 to i32
      %cond3A_650 = arith.constant 0 : i32
      %cond3A_651 = arith.cmpi ne, %convert_element_type3A_649, %cond3A_650 : i32
      scf.if %cond3A_651 {
        %mul3A_733 = arith.constant 16 : i32
        %mul3A_734 = arith.muli %add3A_615, %mul3A_733 : i32
        %add3A_735 = arith.constant 0 : i32
        %add3A_736 = arith.addi %mul3A_734, %add3A_735 : i32
        %multiple_of3A_737 = tpu.assume_multiple %add3A_736, 16 : i32
        %get3A = arith.index_cast %multiple_of3A_737 : i32 to index
        %get3A_738 = tpu.vector_load %arg10[%get3A] {strides = array<i32>} : memref<20000xi32, #tpu.memory_space<vmem>>, vector<16xi32>,
        %mul3A_739 = arith.constant 16 : i32
        %mul3A_740 = arith.muli %add3A_615, %mul3A_739 : i32
        %add3A_741 = arith.constant 0 : i32
        %add3A_742 = arith.addi %mul3A_740, %add3A_741 : i32
        %multiple_of3A_743 = tpu.assume_multiple %add3A_742, 16 : i32
        %get3A_744 = arith.index_cast %multiple_of3A_743 : i32 to index
        %get3A_745 = tpu.vector_load %arg11[%get3A_744] {strides = array<i32>} : memref<20000xf32, #tpu.memory_space<vmem>>, vector<16xf32>,
        %max3A = arith.constant 0.000000e+00 : f32
        %max3A_746 = vector.broadcast %max3A : f32 to vector<16xf32>
        %max3A_747 = arith.maximumf %get3A_745, %max3A_746 : vector<16xf32>
        tpu.vector_store_idx %arg13[%get3A_738], %max3A_747 {add = true} : memref<10000xf32, #tpu.memory_space<vmem>>[vector<16xi32>], vector<16xf32>,
        %neg3A = arith.constant 0.000000e+00 : f32
        %neg3A_748 = vector.broadcast %neg3A : f32 to vector<16xf32>
        %neg3A_749 = arith.subf %neg3A_748, %get3A_745 : vector<16xf32>
        %max3A_750 = arith.constant 0.000000e+00 : f32
        %max3A_751 = vector.broadcast %max3A_750 : f32 to vector<16xf32>
        %max3A_752 = arith.maximumf %neg3A_749, %max3A_751 : vector<16xf32>
        tpu.vector_store_idx %arg14[%get3A_738], %max3A_752 {add = true} : memref<10000xf32, #tpu.memory_space<vmem>>[vector<16xi32>], vector<16xf32>,
      } else {
      }
      %mul3A_652 = arith.constant 10 : i32
      %mul3A_653 = arith.muli %scan3A_332, %mul3A_652 : i32
      %add3A_654 = arith.constant 8 : i32
      %add3A_655 = arith.addi %mul3A_653, %add3A_654 : i32
      %mul3A_656 = arith.constant 16 : i32
      %mul3A_657 = arith.muli %add3A_655, %mul3A_656 : i32
      %multiple_of3A_658 = tpu.assume_multiple %mul3A_657, 16 : i32
      %dma_wait3A_659 = arith.constant 8 : i32
      %dma_wait3A_660 = arith.constant 0 : i32
      %dma_wait3A_661 = arith.constant 0 : i32
      %dma_wait3A_662 = tpu.memref_slice %arg12[%dma_wait3A_659, %dma_wait3A_660, %dma_wait3A_661] : memref<10x16x64xf32, #tpu.memory_space<vmem>> -> memref<1x16x64xf32, #tpu.memory_space<vmem>>
      %dma_wait3A_663 = tpu.memref_squeeze %dma_wait3A_662 : memref<1x16x64xf32, #tpu.memory_space<vmem>> -> memref<16x64xf32, #tpu.memory_space<vmem>>
      %dma_wait3A_664 = tpu.memref_slice %arg9[%multiple_of3A_658] : memref<20000xi32, #tpu.memory_space<vmem>> -> memref<16xi32, #tpu.memory_space<vmem>>
      %dma_wait3A_665 = arith.constant 0 : i32
      %dma_wait3A_666 = arith.constant 0 : i32
      %dma_wait3A_667 = tpu.memref_slice %arg4[%dma_wait3A_665, %dma_wait3A_666] : memref<10000x64xf32, #tpu.memory_space<hbm>> -> memref<10000x64xf32, #tpu.memory_space<hbm>>
      tpu.wait_indirect_dma semaphore(%arg24 : memref<!tpu.dma_semaphore, #tpu.memory_space<semaphore_mem>>) src(%dma_wait3A_667 : memref<10000x64xf32, #tpu.memory_space<hbm>>) dst(%dma_wait3A_663 : memref<16x64xf32, #tpu.memory_space<vmem>>)
      %mul3A_668 = arith.constant 16 : i32
      %mul3A_669 = arith.muli %add3A_655, %mul3A_668 : i32
      %multiple_of3A_670 = tpu.assume_multiple %mul3A_669, 16 : i32
      %dma_start3A_671 = arith.constant 8 : i32
      %dma_start3A_672 = arith.constant 0 : i32
      %dma_start3A_673 = arith.constant 0 : i32
      %dma_start3A_674 = tpu.memref_slice %arg12[%dma_start3A_671, %dma_start3A_672, %dma_start3A_673] : memref<10x16x64xf32, #tpu.memory_space<vmem>> -> memref<1x16x64xf32, #tpu.memory_space<vmem>>
      %dma_start3A_675 = tpu.memref_squeeze %dma_start3A_674 : memref<1x16x64xf32, #tpu.memory_space<vmem>> -> memref<16x64xf32, #tpu.memory_space<vmem>>
      %dma_start3A_676 = tpu.memref_slice %arg10[%multiple_of3A_670] : memref<20000xi32, #tpu.memory_space<vmem>> -> memref<16xi32, #tpu.memory_space<vmem>>
      %dma_start3A_677 = arith.constant 0 : i32
      %dma_start3A_678 = arith.constant 0 : i32
      %dma_start3A_679 = tpu.memref_slice %arg15[%dma_start3A_677, %dma_start3A_678] : memref<10000x64xf32, #tpu.memory_space<vmem_shared>> -> memref<10000x64xf32, #tpu.memory_space<vmem_shared>>
      tpu.enqueue_indirect_dma source(%dma_start3A_675 : memref<16x64xf32, #tpu.memory_space<vmem>>) target(%dma_start3A_679 : memref<10000x64xf32, #tpu.memory_space<vmem_shared>>) offsets(%dma_start3A_676 : memref<16xi32, #tpu.memory_space<vmem>>) semaphore(%arg34 : memref<!tpu.dma_semaphore, #tpu.memory_space<semaphore_mem>>) {add = true}
      %add3A_680 = arith.constant 9 : i32
      %add3A_681 = arith.addi %add3A_655, %add3A_680 : i32
      %lt3A_682 = arith.constant 1250 : i32
      %lt3A_683 = arith.cmpi slt, %add3A_681, %lt3A_682 : i32
      %convert_element_type3A_684 = arith.extui %lt3A_683 : i1 to i32
      %cond3A_685 = arith.constant 0 : i32
      %cond3A_686 = arith.cmpi ne, %convert_element_type3A_684, %cond3A_685 : i32
      scf.if %cond3A_686 {
        %add3A_733 = arith.constant 9 : i32
        %add3A_734 = arith.addi %add3A_655, %add3A_733 : i32
        %ge3A = arith.constant 10 : i32
        %ge3A_735 = arith.cmpi sge, %add3A_734, %ge3A : i32
        %convert_element_type3A_736 = arith.extui %ge3A_735 : i1 to i32
        %cond3A_737 = arith.constant 0 : i32
        %cond3A_738 = arith.cmpi ne, %convert_element_type3A_736, %cond3A_737 : i32
        scf.if %cond3A_738 {
          %mul3A_751 = arith.constant 16 : i32
          %mul3A_752 = arith.muli %add3A_655, %mul3A_751 : i32
          %multiple_of3A_753 = tpu.assume_multiple %mul3A_752, 16 : i32
          %dma_wait3A_754 = arith.constant 7 : i32
          %dma_wait3A_755 = arith.constant 0 : i32
          %dma_wait3A_756 = arith.constant 0 : i32
          %dma_wait3A_757 = tpu.memref_slice %arg12[%dma_wait3A_754, %dma_wait3A_755, %dma_wait3A_756] : memref<10x16x64xf32, #tpu.memory_space<vmem>> -> memref<1x16x64xf32, #tpu.memory_space<vmem>>
          %dma_wait3A_758 = tpu.memref_squeeze %dma_wait3A_757 : memref<1x16x64xf32, #tpu.memory_space<vmem>> -> memref<16x64xf32, #tpu.memory_space<vmem>>
          %dma_wait3A_759 = tpu.memref_slice %arg10[%multiple_of3A_753] : memref<20000xi32, #tpu.memory_space<vmem>> -> memref<16xi32, #tpu.memory_space<vmem>>
          %dma_wait3A_760 = arith.constant 0 : i32
          %dma_wait3A_761 = arith.constant 0 : i32
          %dma_wait3A_762 = tpu.memref_slice %arg15[%dma_wait3A_760, %dma_wait3A_761] : memref<10000x64xf32, #tpu.memory_space<vmem_shared>> -> memref<10000x64xf32, #tpu.memory_space<vmem_shared>>
          tpu.wait_indirect_dma semaphore(%arg33 : memref<!tpu.dma_semaphore, #tpu.memory_space<semaphore_mem>>) src(%dma_wait3A_758 : memref<16x64xf32, #tpu.memory_space<vmem>>) dst(%dma_wait3A_762 : memref<10000x64xf32, #tpu.memory_space<vmem_shared>>)
        } else {
        }
        %add3A_739 = arith.constant 9 : i32
        %add3A_740 = arith.addi %add3A_655, %add3A_739 : i32
        %eq3A_741 = arith.constant 0 : i32
        %eq3A_742 = arith.cmpi eq, %arg0, %eq3A_741 : i32
        %convert_element_type3A_743 = arith.extui %eq3A_742 : i1 to i32
        %cond3A_744 = arith.constant 0 : i32
        %cond3A_745 = arith.cmpi ne, %convert_element_type3A_743, %cond3A_744 : i32
        scf.if %cond3A_745 {
          %mul3A_751 = arith.constant 16 : i32
          %mul3A_752 = arith.muli %add3A_740, %mul3A_751 : i32
          %multiple_of3A_753 = tpu.assume_multiple %mul3A_752, 16 : i32
          %dma_start3A_754 = arith.constant 7 : i32
          %dma_start3A_755 = arith.constant 0 : i32
          %dma_start3A_756 = arith.constant 0 : i32
          %dma_start3A_757 = tpu.memref_slice %arg12[%dma_start3A_754, %dma_start3A_755, %dma_start3A_756] : memref<10x16x64xf32, #tpu.memory_space<vmem>> -> memref<1x16x64xf32, #tpu.memory_space<vmem>>
          %dma_start3A_758 = tpu.memref_squeeze %dma_start3A_757 : memref<1x16x64xf32, #tpu.memory_space<vmem>> -> memref<16x64xf32, #tpu.memory_space<vmem>>
          %dma_start3A_759 = tpu.memref_slice %arg9[%multiple_of3A_753] : memref<20000xi32, #tpu.memory_space<vmem>> -> memref<16xi32, #tpu.memory_space<vmem>>
          %dma_start3A_760 = arith.constant 0 : i32
          %dma_start3A_761 = arith.constant 0 : i32
          %dma_start3A_762 = tpu.memref_slice %arg4[%dma_start3A_760, %dma_start3A_761] : memref<10000x64xf32, #tpu.memory_space<hbm>> -> memref<10000x64xf32, #tpu.memory_space<hbm>>
          tpu.enqueue_indirect_dma source(%dma_start3A_762 : memref<10000x64xf32, #tpu.memory_space<hbm>>) target(%dma_start3A_758 : memref<16x64xf32, #tpu.memory_space<vmem>>) offsets(%dma_start3A_759 : memref<16xi32, #tpu.memory_space<vmem>>) semaphore(%arg23 : memref<!tpu.dma_semaphore, #tpu.memory_space<semaphore_mem>>)
        } else {
        }
        %eq3A_746 = arith.constant 1 : i32
        %eq3A_747 = arith.cmpi eq, %arg0, %eq3A_746 : i32
        %convert_element_type3A_748 = arith.extui %eq3A_747 : i1 to i32
        %cond3A_749 = arith.constant 0 : i32
        %cond3A_750 = arith.cmpi ne, %convert_element_type3A_748, %cond3A_749 : i32
        scf.if %cond3A_750 {
          %mul3A_751 = arith.constant 16 : i32
          %mul3A_752 = arith.muli %add3A_740, %mul3A_751 : i32
          %multiple_of3A_753 = tpu.assume_multiple %mul3A_752, 16 : i32
          %dma_start3A_754 = arith.constant 7 : i32
          %dma_start3A_755 = arith.constant 0 : i32
          %dma_start3A_756 = arith.constant 0 : i32
          %dma_start3A_757 = tpu.memref_slice %arg12[%dma_start3A_754, %dma_start3A_755, %dma_start3A_756] : memref<10x16x64xf32, #tpu.memory_space<vmem>> -> memref<1x16x64xf32, #tpu.memory_space<vmem>>
          %dma_start3A_758 = tpu.memref_squeeze %dma_start3A_757 : memref<1x16x64xf32, #tpu.memory_space<vmem>> -> memref<16x64xf32, #tpu.memory_space<vmem>>
          %dma_start3A_759 = tpu.memref_slice %arg9[%multiple_of3A_753] : memref<20000xi32, #tpu.memory_space<vmem>> -> memref<16xi32, #tpu.memory_space<vmem>>
          %dma_start3A_760 = arith.constant 0 : i32
          %dma_start3A_761 = arith.constant 0 : i32
          %dma_start3A_762 = tpu.memref_slice %arg5[%dma_start3A_760, %dma_start3A_761] : memref<10000x64xf32, #tpu.memory_space<hbm>> -> memref<10000x64xf32, #tpu.memory_space<hbm>>
          tpu.enqueue_indirect_dma source(%dma_start3A_762 : memref<10000x64xf32, #tpu.memory_space<hbm>>) target(%dma_start3A_758 : memref<16x64xf32, #tpu.memory_space<vmem>>) offsets(%dma_start3A_759 : memref<16xi32, #tpu.memory_space<vmem>>) semaphore(%arg23 : memref<!tpu.dma_semaphore, #tpu.memory_space<semaphore_mem>>)
        } else {
        }
      } else {
      }
      %eq3A_687 = arith.constant 0 : i32
      %eq3A_688 = arith.cmpi eq, %arg0, %eq3A_687 : i32
      %convert_element_type3A_689 = arith.extui %eq3A_688 : i1 to i32
      %cond3A_690 = arith.constant 0 : i32
      %cond3A_691 = arith.cmpi ne, %convert_element_type3A_689, %cond3A_690 : i32
      scf.if %cond3A_691 {
        %mul3A_733 = arith.constant 16 : i32
        %mul3A_734 = arith.muli %add3A_655, %mul3A_733 : i32
        %add3A_735 = arith.constant 0 : i32
        %add3A_736 = arith.addi %mul3A_734, %add3A_735 : i32
        %multiple_of3A_737 = tpu.assume_multiple %add3A_736, 16 : i32
        %get3A = arith.index_cast %multiple_of3A_737 : i32 to index
        %get3A_738 = tpu.vector_load %arg10[%get3A] {strides = array<i32>} : memref<20000xi32, #tpu.memory_space<vmem>>, vector<16xi32>,
        %mul3A_739 = arith.constant 16 : i32
        %mul3A_740 = arith.muli %add3A_655, %mul3A_739 : i32
        %add3A_741 = arith.constant 0 : i32
        %add3A_742 = arith.addi %mul3A_740, %add3A_741 : i32
        %multiple_of3A_743 = tpu.assume_multiple %add3A_742, 16 : i32
        %get3A_744 = arith.index_cast %multiple_of3A_743 : i32 to index
        %get3A_745 = tpu.vector_load %arg11[%get3A_744] {strides = array<i32>} : memref<20000xf32, #tpu.memory_space<vmem>>, vector<16xf32>,
        %max3A = arith.constant 0.000000e+00 : f32
        %max3A_746 = vector.broadcast %max3A : f32 to vector<16xf32>
        %max3A_747 = arith.maximumf %get3A_745, %max3A_746 : vector<16xf32>
        tpu.vector_store_idx %arg13[%get3A_738], %max3A_747 {add = true} : memref<10000xf32, #tpu.memory_space<vmem>>[vector<16xi32>], vector<16xf32>,
        %neg3A = arith.constant 0.000000e+00 : f32
        %neg3A_748 = vector.broadcast %neg3A : f32 to vector<16xf32>
        %neg3A_749 = arith.subf %neg3A_748, %get3A_745 : vector<16xf32>
        %max3A_750 = arith.constant 0.000000e+00 : f32
        %max3A_751 = vector.broadcast %max3A_750 : f32 to vector<16xf32>
        %max3A_752 = arith.maximumf %neg3A_749, %max3A_751 : vector<16xf32>
        tpu.vector_store_idx %arg14[%get3A_738], %max3A_752 {add = true} : memref<10000xf32, #tpu.memory_space<vmem>>[vector<16xi32>], vector<16xf32>,
      } else {
      }
      %mul3A_692 = arith.constant 10 : i32
      %mul3A_693 = arith.muli %scan3A_332, %mul3A_692 : i32
      %add3A_694 = arith.constant 9 : i32
      %add3A_695 = arith.addi %mul3A_693, %add3A_694 : i32
      %mul3A_696 = arith.constant 16 : i32
      %mul3A_697 = arith.muli %add3A_695, %mul3A_696 : i32
      %multiple_of3A_698 = tpu.assume_multiple %mul3A_697, 16 : i32
      %dma_wait3A_699 = arith.constant 9 : i32
      %dma_wait3A_700 = arith.constant 0 : i32
      %dma_wait3A_701 = arith.constant 0 : i32
      %dma_wait3A_702 = tpu.memref_slice %arg12[%dma_wait3A_699, %dma_wait3A_700, %dma_wait3A_701] : memref<10x16x64xf32, #tpu.memory_space<vmem>> -> memref<1x16x64xf32, #tpu.memory_space<vmem>>
      %dma_wait3A_703 = tpu.memref_squeeze %dma_wait3A_702 : memref<1x16x64xf32, #tpu.memory_space<vmem>> -> memref<16x64xf32, #tpu.memory_space<vmem>>
      %dma_wait3A_704 = tpu.memref_slice %arg9[%multiple_of3A_698] : memref<20000xi32, #tpu.memory_space<vmem>> -> memref<16xi32, #tpu.memory_space<vmem>>
      %dma_wait3A_705 = arith.constant 0 : i32
      %dma_wait3A_706 = arith.constant 0 : i32
      %dma_wait3A_707 = tpu.memref_slice %arg4[%dma_wait3A_705, %dma_wait3A_706] : memref<10000x64xf32, #tpu.memory_space<hbm>> -> memref<10000x64xf32, #tpu.memory_space<hbm>>
      tpu.wait_indirect_dma semaphore(%arg25 : memref<!tpu.dma_semaphore, #tpu.memory_space<semaphore_mem>>) src(%dma_wait3A_707 : memref<10000x64xf32, #tpu.memory_space<hbm>>) dst(%dma_wait3A_703 : memref<16x64xf32, #tpu.memory_space<vmem>>)
      %mul3A_708 = arith.constant 16 : i32
      %mul3A_709 = arith.muli %add3A_695, %mul3A_708 : i32
      %multiple_of3A_710 = tpu.assume_multiple %mul3A_709, 16 : i32
      %dma_start3A_711 = arith.constant 9 : i32
      %dma_start3A_712 = arith.constant 0 : i32
      %dma_start3A_713 = arith.constant 0 : i32
      %dma_start3A_714 = tpu.memref_slice %arg12[%dma_start3A_711, %dma_start3A_712, %dma_start3A_713] : memref<10x16x64xf32, #tpu.memory_space<vmem>> -> memref<1x16x64xf32, #tpu.memory_space<vmem>>
      %dma_start3A_715 = tpu.memref_squeeze %dma_start3A_714 : memref<1x16x64xf32, #tpu.memory_space<vmem>> -> memref<16x64xf32, #tpu.memory_space<vmem>>
      %dma_start3A_716 = tpu.memref_slice %arg10[%multiple_of3A_710] : memref<20000xi32, #tpu.memory_space<vmem>> -> memref<16xi32, #tpu.memory_space<vmem>>
      %dma_start3A_717 = arith.constant 0 : i32
      %dma_start3A_718 = arith.constant 0 : i32
      %dma_start3A_719 = tpu.memref_slice %arg15[%dma_start3A_717, %dma_start3A_718] : memref<10000x64xf32, #tpu.memory_space<vmem_shared>> -> memref<10000x64xf32, #tpu.memory_space<vmem_shared>>
      tpu.enqueue_indirect_dma source(%dma_start3A_715 : memref<16x64xf32, #tpu.memory_space<vmem>>) target(%dma_start3A_719 : memref<10000x64xf32, #tpu.memory_space<vmem_shared>>) offsets(%dma_start3A_716 : memref<16xi32, #tpu.memory_space<vmem>>) semaphore(%arg35 : memref<!tpu.dma_semaphore, #tpu.memory_space<semaphore_mem>>) {add = true}
      %add3A_720 = arith.constant 9 : i32
      %add3A_721 = arith.addi %add3A_695, %add3A_720 : i32
      %lt3A_722 = arith.constant 1250 : i32
      %lt3A_723 = arith.cmpi slt, %add3A_721, %lt3A_722 : i32
      %convert_element_type3A_724 = arith.extui %lt3A_723 : i1 to i32
      %cond3A_725 = arith.constant 0 : i32
      %cond3A_726 = arith.cmpi ne, %convert_element_type3A_724, %cond3A_725 : i32
      scf.if %cond3A_726 {
        %add3A_733 = arith.constant 9 : i32
        %add3A_734 = arith.addi %add3A_695, %add3A_733 : i32
        %ge3A = arith.constant 10 : i32
        %ge3A_735 = arith.cmpi sge, %add3A_734, %ge3A : i32
        %convert_element_type3A_736 = arith.extui %ge3A_735 : i1 to i32
        %cond3A_737 = arith.constant 0 : i32
        %cond3A_738 = arith.cmpi ne, %convert_element_type3A_736, %cond3A_737 : i32
        scf.if %cond3A_738 {
          %mul3A_751 = arith.constant 16 : i32
          %mul3A_752 = arith.muli %add3A_695, %mul3A_751 : i32
          %multiple_of3A_753 = tpu.assume_multiple %mul3A_752, 16 : i32
          %dma_wait3A_754 = arith.constant 8 : i32
          %dma_wait3A_755 = arith.constant 0 : i32
          %dma_wait3A_756 = arith.constant 0 : i32
          %dma_wait3A_757 = tpu.memref_slice %arg12[%dma_wait3A_754, %dma_wait3A_755, %dma_wait3A_756] : memref<10x16x64xf32, #tpu.memory_space<vmem>> -> memref<1x16x64xf32, #tpu.memory_space<vmem>>
          %dma_wait3A_758 = tpu.memref_squeeze %dma_wait3A_757 : memref<1x16x64xf32, #tpu.memory_space<vmem>> -> memref<16x64xf32, #tpu.memory_space<vmem>>
          %dma_wait3A_759 = tpu.memref_slice %arg10[%multiple_of3A_753] : memref<20000xi32, #tpu.memory_space<vmem>> -> memref<16xi32, #tpu.memory_space<vmem>>
          %dma_wait3A_760 = arith.constant 0 : i32
          %dma_wait3A_761 = arith.constant 0 : i32
          %dma_wait3A_762 = tpu.memref_slice %arg15[%dma_wait3A_760, %dma_wait3A_761] : memref<10000x64xf32, #tpu.memory_space<vmem_shared>> -> memref<10000x64xf32, #tpu.memory_space<vmem_shared>>
          tpu.wait_indirect_dma semaphore(%arg34 : memref<!tpu.dma_semaphore, #tpu.memory_space<semaphore_mem>>) src(%dma_wait3A_758 : memref<16x64xf32, #tpu.memory_space<vmem>>) dst(%dma_wait3A_762 : memref<10000x64xf32, #tpu.memory_space<vmem_shared>>)
        } else {
        }
        %add3A_739 = arith.constant 9 : i32
        %add3A_740 = arith.addi %add3A_695, %add3A_739 : i32
        %eq3A_741 = arith.constant 0 : i32
        %eq3A_742 = arith.cmpi eq, %arg0, %eq3A_741 : i32
        %convert_element_type3A_743 = arith.extui %eq3A_742 : i1 to i32
        %cond3A_744 = arith.constant 0 : i32
        %cond3A_745 = arith.cmpi ne, %convert_element_type3A_743, %cond3A_744 : i32
        scf.if %cond3A_745 {
          %mul3A_751 = arith.constant 16 : i32
          %mul3A_752 = arith.muli %add3A_740, %mul3A_751 : i32
          %multiple_of3A_753 = tpu.assume_multiple %mul3A_752, 16 : i32
          %dma_start3A_754 = arith.constant 8 : i32
          %dma_start3A_755 = arith.constant 0 : i32
          %dma_start3A_756 = arith.constant 0 : i32
          %dma_start3A_757 = tpu.memref_slice %arg12[%dma_start3A_754, %dma_start3A_755, %dma_start3A_756] : memref<10x16x64xf32, #tpu.memory_space<vmem>> -> memref<1x16x64xf32, #tpu.memory_space<vmem>>
          %dma_start3A_758 = tpu.memref_squeeze %dma_start3A_757 : memref<1x16x64xf32, #tpu.memory_space<vmem>> -> memref<16x64xf32, #tpu.memory_space<vmem>>
          %dma_start3A_759 = tpu.memref_slice %arg9[%multiple_of3A_753] : memref<20000xi32, #tpu.memory_space<vmem>> -> memref<16xi32, #tpu.memory_space<vmem>>
          %dma_start3A_760 = arith.constant 0 : i32
          %dma_start3A_761 = arith.constant 0 : i32
          %dma_start3A_762 = tpu.memref_slice %arg4[%dma_start3A_760, %dma_start3A_761] : memref<10000x64xf32, #tpu.memory_space<hbm>> -> memref<10000x64xf32, #tpu.memory_space<hbm>>
          tpu.enqueue_indirect_dma source(%dma_start3A_762 : memref<10000x64xf32, #tpu.memory_space<hbm>>) target(%dma_start3A_758 : memref<16x64xf32, #tpu.memory_space<vmem>>) offsets(%dma_start3A_759 : memref<16xi32, #tpu.memory_space<vmem>>) semaphore(%arg24 : memref<!tpu.dma_semaphore, #tpu.memory_space<semaphore_mem>>)
        } else {
        }
        %eq3A_746 = arith.constant 1 : i32
        %eq3A_747 = arith.cmpi eq, %arg0, %eq3A_746 : i32
        %convert_element_type3A_748 = arith.extui %eq3A_747 : i1 to i32
        %cond3A_749 = arith.constant 0 : i32
        %cond3A_750 = arith.cmpi ne, %convert_element_type3A_748, %cond3A_749 : i32
        scf.if %cond3A_750 {
          %mul3A_751 = arith.constant 16 : i32
          %mul3A_752 = arith.muli %add3A_740, %mul3A_751 : i32
          %multiple_of3A_753 = tpu.assume_multiple %mul3A_752, 16 : i32
          %dma_start3A_754 = arith.constant 8 : i32
          %dma_start3A_755 = arith.constant 0 : i32
          %dma_start3A_756 = arith.constant 0 : i32
          %dma_start3A_757 = tpu.memref_slice %arg12[%dma_start3A_754, %dma_start3A_755, %dma_start3A_756] : memref<10x16x64xf32, #tpu.memory_space<vmem>> -> memref<1x16x64xf32, #tpu.memory_space<vmem>>
          %dma_start3A_758 = tpu.memref_squeeze %dma_start3A_757 : memref<1x16x64xf32, #tpu.memory_space<vmem>> -> memref<16x64xf32, #tpu.memory_space<vmem>>
          %dma_start3A_759 = tpu.memref_slice %arg9[%multiple_of3A_753] : memref<20000xi32, #tpu.memory_space<vmem>> -> memref<16xi32, #tpu.memory_space<vmem>>
          %dma_start3A_760 = arith.constant 0 : i32
          %dma_start3A_761 = arith.constant 0 : i32
          %dma_start3A_762 = tpu.memref_slice %arg5[%dma_start3A_760, %dma_start3A_761] : memref<10000x64xf32, #tpu.memory_space<hbm>> -> memref<10000x64xf32, #tpu.memory_space<hbm>>
          tpu.enqueue_indirect_dma source(%dma_start3A_762 : memref<10000x64xf32, #tpu.memory_space<hbm>>) target(%dma_start3A_758 : memref<16x64xf32, #tpu.memory_space<vmem>>) offsets(%dma_start3A_759 : memref<16xi32, #tpu.memory_space<vmem>>) semaphore(%arg24 : memref<!tpu.dma_semaphore, #tpu.memory_space<semaphore_mem>>)
        } else {
        }
      } else {
      }
      %eq3A_727 = arith.constant 0 : i32
      %eq3A_728 = arith.cmpi eq, %arg0, %eq3A_727 : i32
      %convert_element_type3A_729 = arith.extui %eq3A_728 : i1 to i32
      %cond3A_730 = arith.constant 0 : i32
      %cond3A_731 = arith.cmpi ne, %convert_element_type3A_729, %cond3A_730 : i32
      scf.if %cond3A_731 {
        %mul3A_733 = arith.constant 16 : i32
        %mul3A_734 = arith.muli %add3A_695, %mul3A_733 : i32
        %add3A_735 = arith.constant 0 : i32
        %add3A_736 = arith.addi %mul3A_734, %add3A_735 : i32
        %multiple_of3A_737 = tpu.assume_multiple %add3A_736, 16 : i32
        %get3A = arith.index_cast %multiple_of3A_737 : i32 to index
        %get3A_738 = tpu.vector_load %arg10[%get3A] {strides = array<i32>} : memref<20000xi32, #tpu.memory_space<vmem>>, vector<16xi32>,
        %mul3A_739 = arith.constant 16 : i32
        %mul3A_740 = arith.muli %add3A_695, %mul3A_739 : i32
        %add3A_741 = arith.constant 0 : i32
        %add3A_742 = arith.addi %mul3A_740, %add3A_741 : i32
        %multiple_of3A_743 = tpu.assume_multiple %add3A_742, 16 : i32
        %get3A_744 = arith.index_cast %multiple_of3A_743 : i32 to index
        %get3A_745 = tpu.vector_load %arg11[%get3A_744] {strides = array<i32>} : memref<20000xf32, #tpu.memory_space<vmem>>, vector<16xf32>,
        %max3A = arith.constant 0.000000e+00 : f32
        %max3A_746 = vector.broadcast %max3A : f32 to vector<16xf32>
        %max3A_747 = arith.maximumf %get3A_745, %max3A_746 : vector<16xf32>
        tpu.vector_store_idx %arg13[%get3A_738], %max3A_747 {add = true} : memref<10000xf32, #tpu.memory_space<vmem>>[vector<16xi32>], vector<16xf32>,
        %neg3A = arith.constant 0.000000e+00 : f32
        %neg3A_748 = vector.broadcast %neg3A : f32 to vector<16xf32>
        %neg3A_749 = arith.subf %neg3A_748, %get3A_745 : vector<16xf32>
        %max3A_750 = arith.constant 0.000000e+00 : f32
        %max3A_751 = vector.broadcast %max3A_750 : f32 to vector<16xf32>
        %max3A_752 = arith.maximumf %neg3A_749, %max3A_751 : vector<16xf32>
        tpu.vector_store_idx %arg14[%get3A_738], %max3A_752 {add = true} : memref<10000xf32, #tpu.memory_space<vmem>>[vector<16xi32>], vector<16xf32>,
      } else {
      }
      %scan3A_732 = arith.constant 0 : i32
      scf.yield %scan3A_732 : i32
    }
    %scan3A_161 = arith.constant 125 : i32
    %multiple_of3A = arith.constant 19840 : i32
    %multiple_of3A_162 = tpu.assume_multiple %multiple_of3A, 16 : i32
    %dma_wait3A = arith.constant 0 : i32
    %dma_wait3A_163 = arith.constant 0 : i32
    %dma_wait3A_164 = arith.constant 0 : i32
    %dma_wait3A_165 = tpu.memref_slice %arg12[%dma_wait3A, %dma_wait3A_163, %dma_wait3A_164] : memref<10x16x64xf32, #tpu.memory_space<vmem>> -> memref<1x16x64xf32, #tpu.memory_space<vmem>>
    %dma_wait3A_166 = tpu.memref_squeeze %dma_wait3A_165 : memref<1x16x64xf32, #tpu.memory_space<vmem>> -> memref<16x64xf32, #tpu.memory_space<vmem>>
    %dma_wait3A_167 = tpu.memref_slice %arg10[%multiple_of3A_162] : memref<20000xi32, #tpu.memory_space<vmem>> -> memref<16xi32, #tpu.memory_space<vmem>>
    %dma_wait3A_168 = arith.constant 0 : i32
    %dma_wait3A_169 = arith.constant 0 : i32
    %dma_wait3A_170 = tpu.memref_slice %arg15[%dma_wait3A_168, %dma_wait3A_169] : memref<10000x64xf32, #tpu.memory_space<vmem_shared>> -> memref<10000x64xf32, #tpu.memory_space<vmem_shared>>
    tpu.wait_indirect_dma semaphore(%arg26 : memref<!tpu.dma_semaphore, #tpu.memory_space<semaphore_mem>>) src(%dma_wait3A_166 : memref<16x64xf32, #tpu.memory_space<vmem>>) dst(%dma_wait3A_170 : memref<10000x64xf32, #tpu.memory_space<vmem_shared>>)
    %multiple_of3A_171 = arith.constant 19856 : i32
    %multiple_of3A_172 = tpu.assume_multiple %multiple_of3A_171, 16 : i32
    %dma_wait3A_173 = arith.constant 1 : i32
    %dma_wait3A_174 = arith.constant 0 : i32
    %dma_wait3A_175 = arith.constant 0 : i32
    %dma_wait3A_176 = tpu.memref_slice %arg12[%dma_wait3A_173, %dma_wait3A_174, %dma_wait3A_175] : memref<10x16x64xf32, #tpu.memory_space<vmem>> -> memref<1x16x64xf32, #tpu.memory_space<vmem>>
    %dma_wait3A_177 = tpu.memref_squeeze %dma_wait3A_176 : memref<1x16x64xf32, #tpu.memory_space<vmem>> -> memref<16x64xf32, #tpu.memory_space<vmem>>
    %dma_wait3A_178 = tpu.memref_slice %arg10[%multiple_of3A_172] : memref<20000xi32, #tpu.memory_space<vmem>> -> memref<16xi32, #tpu.memory_space<vmem>>
    %dma_wait3A_179 = arith.constant 0 : i32
    %dma_wait3A_180 = arith.constant 0 : i32
    %dma_wait3A_181 = tpu.memref_slice %arg15[%dma_wait3A_179, %dma_wait3A_180] : memref<10000x64xf32, #tpu.memory_space<vmem_shared>> -> memref<10000x64xf32, #tpu.memory_space<vmem_shared>>
    tpu.wait_indirect_dma semaphore(%arg27 : memref<!tpu.dma_semaphore, #tpu.memory_space<semaphore_mem>>) src(%dma_wait3A_177 : memref<16x64xf32, #tpu.memory_space<vmem>>) dst(%dma_wait3A_181 : memref<10000x64xf32, #tpu.memory_space<vmem_shared>>)
    %multiple_of3A_182 = arith.constant 19872 : i32
    %multiple_of3A_183 = tpu.assume_multiple %multiple_of3A_182, 16 : i32
    %dma_wait3A_184 = arith.constant 2 : i32
    %dma_wait3A_185 = arith.constant 0 : i32
    %dma_wait3A_186 = arith.constant 0 : i32
    %dma_wait3A_187 = tpu.memref_slice %arg12[%dma_wait3A_184, %dma_wait3A_185, %dma_wait3A_186] : memref<10x16x64xf32, #tpu.memory_space<vmem>> -> memref<1x16x64xf32, #tpu.memory_space<vmem>>
    %dma_wait3A_188 = tpu.memref_squeeze %dma_wait3A_187 : memref<1x16x64xf32, #tpu.memory_space<vmem>> -> memref<16x64xf32, #tpu.memory_space<vmem>>
    %dma_wait3A_189 = tpu.memref_slice %arg10[%multiple_of3A_183] : memref<20000xi32, #tpu.memory_space<vmem>> -> memref<16xi32, #tpu.memory_space<vmem>>
    %dma_wait3A_190 = arith.constant 0 : i32
    %dma_wait3A_191 = arith.constant 0 : i32
    %dma_wait3A_192 = tpu.memref_slice %arg15[%dma_wait3A_190, %dma_wait3A_191] : memref<10000x64xf32, #tpu.memory_space<vmem_shared>> -> memref<10000x64xf32, #tpu.memory_space<vmem_shared>>
    tpu.wait_indirect_dma semaphore(%arg28 : memref<!tpu.dma_semaphore, #tpu.memory_space<semaphore_mem>>) src(%dma_wait3A_188 : memref<16x64xf32, #tpu.memory_space<vmem>>) dst(%dma_wait3A_192 : memref<10000x64xf32, #tpu.memory_space<vmem_shared>>)
    %multiple_of3A_193 = arith.constant 19888 : i32
    %multiple_of3A_194 = tpu.assume_multiple %multiple_of3A_193, 16 : i32
    %dma_wait3A_195 = arith.constant 3 : i32
    %dma_wait3A_196 = arith.constant 0 : i32
    %dma_wait3A_197 = arith.constant 0 : i32
    %dma_wait3A_198 = tpu.memref_slice %arg12[%dma_wait3A_195, %dma_wait3A_196, %dma_wait3A_197] : memref<10x16x64xf32, #tpu.memory_space<vmem>> -> memref<1x16x64xf32, #tpu.memory_space<vmem>>
    %dma_wait3A_199 = tpu.memref_squeeze %dma_wait3A_198 : memref<1x16x64xf32, #tpu.memory_space<vmem>> -> memref<16x64xf32, #tpu.memory_space<vmem>>
    %dma_wait3A_200 = tpu.memref_slice %arg10[%multiple_of3A_194] : memref<20000xi32, #tpu.memory_space<vmem>> -> memref<16xi32, #tpu.memory_space<vmem>>
    %dma_wait3A_201 = arith.constant 0 : i32
    %dma_wait3A_202 = arith.constant 0 : i32
    %dma_wait3A_203 = tpu.memref_slice %arg15[%dma_wait3A_201, %dma_wait3A_202] : memref<10000x64xf32, #tpu.memory_space<vmem_shared>> -> memref<10000x64xf32, #tpu.memory_space<vmem_shared>>
    tpu.wait_indirect_dma semaphore(%arg29 : memref<!tpu.dma_semaphore, #tpu.memory_space<semaphore_mem>>) src(%dma_wait3A_199 : memref<16x64xf32, #tpu.memory_space<vmem>>) dst(%dma_wait3A_203 : memref<10000x64xf32, #tpu.memory_space<vmem_shared>>)
    %multiple_of3A_204 = arith.constant 19904 : i32
    %multiple_of3A_205 = tpu.assume_multiple %multiple_of3A_204, 16 : i32
    %dma_wait3A_206 = arith.constant 4 : i32
    %dma_wait3A_207 = arith.constant 0 : i32
    %dma_wait3A_208 = arith.constant 0 : i32
    %dma_wait3A_209 = tpu.memref_slice %arg12[%dma_wait3A_206, %dma_wait3A_207, %dma_wait3A_208] : memref<10x16x64xf32, #tpu.memory_space<vmem>> -> memref<1x16x64xf32, #tpu.memory_space<vmem>>
    %dma_wait3A_210 = tpu.memref_squeeze %dma_wait3A_209 : memref<1x16x64xf32, #tpu.memory_space<vmem>> -> memref<16x64xf32, #tpu.memory_space<vmem>>
    %dma_wait3A_211 = tpu.memref_slice %arg10[%multiple_of3A_205] : memref<20000xi32, #tpu.memory_space<vmem>> -> memref<16xi32, #tpu.memory_space<vmem>>
    %dma_wait3A_212 = arith.constant 0 : i32
    %dma_wait3A_213 = arith.constant 0 : i32
    %dma_wait3A_214 = tpu.memref_slice %arg15[%dma_wait3A_212, %dma_wait3A_213] : memref<10000x64xf32, #tpu.memory_space<vmem_shared>> -> memref<10000x64xf32, #tpu.memory_space<vmem_shared>>
    tpu.wait_indirect_dma semaphore(%arg30 : memref<!tpu.dma_semaphore, #tpu.memory_space<semaphore_mem>>) src(%dma_wait3A_210 : memref<16x64xf32, #tpu.memory_space<vmem>>) dst(%dma_wait3A_214 : memref<10000x64xf32, #tpu.memory_space<vmem_shared>>)
    %multiple_of3A_215 = arith.constant 19920 : i32
    %multiple_of3A_216 = tpu.assume_multiple %multiple_of3A_215, 16 : i32
    %dma_wait3A_217 = arith.constant 5 : i32
    %dma_wait3A_218 = arith.constant 0 : i32
    %dma_wait3A_219 = arith.constant 0 : i32
    %dma_wait3A_220 = tpu.memref_slice %arg12[%dma_wait3A_217, %dma_wait3A_218, %dma_wait3A_219] : memref<10x16x64xf32, #tpu.memory_space<vmem>> -> memref<1x16x64xf32, #tpu.memory_space<vmem>>
    %dma_wait3A_221 = tpu.memref_squeeze %dma_wait3A_220 : memref<1x16x64xf32, #tpu.memory_space<vmem>> -> memref<16x64xf32, #tpu.memory_space<vmem>>
    %dma_wait3A_222 = tpu.memref_slice %arg10[%multiple_of3A_216] : memref<20000xi32, #tpu.memory_space<vmem>> -> memref<16xi32, #tpu.memory_space<vmem>>
    %dma_wait3A_223 = arith.constant 0 : i32
    %dma_wait3A_224 = arith.constant 0 : i32
    %dma_wait3A_225 = tpu.memref_slice %arg15[%dma_wait3A_223, %dma_wait3A_224] : memref<10000x64xf32, #tpu.memory_space<vmem_shared>> -> memref<10000x64xf32, #tpu.memory_space<vmem_shared>>
    tpu.wait_indirect_dma semaphore(%arg31 : memref<!tpu.dma_semaphore, #tpu.memory_space<semaphore_mem>>) src(%dma_wait3A_221 : memref<16x64xf32, #tpu.memory_space<vmem>>) dst(%dma_wait3A_225 : memref<10000x64xf32, #tpu.memory_space<vmem_shared>>)
    %multiple_of3A_226 = arith.constant 19936 : i32
    %multiple_of3A_227 = tpu.assume_multiple %multiple_of3A_226, 16 : i32
    %dma_wait3A_228 = arith.constant 6 : i32
    %dma_wait3A_229 = arith.constant 0 : i32
    %dma_wait3A_230 = arith.constant 0 : i32
    %dma_wait3A_231 = tpu.memref_slice %arg12[%dma_wait3A_228, %dma_wait3A_229, %dma_wait3A_230] : memref<10x16x64xf32, #tpu.memory_space<vmem>> -> memref<1x16x64xf32, #tpu.memory_space<vmem>>
    %dma_wait3A_232 = tpu.memref_squeeze %dma_wait3A_231 : memref<1x16x64xf32, #tpu.memory_space<vmem>> -> memref<16x64xf32, #tpu.memory_space<vmem>>
    %dma_wait3A_233 = tpu.memref_slice %arg10[%multiple_of3A_227] : memref<20000xi32, #tpu.memory_space<vmem>> -> memref<16xi32, #tpu.memory_space<vmem>>
    %dma_wait3A_234 = arith.constant 0 : i32
    %dma_wait3A_235 = arith.constant 0 : i32
    %dma_wait3A_236 = tpu.memref_slice %arg15[%dma_wait3A_234, %dma_wait3A_235] : memref<10000x64xf32, #tpu.memory_space<vmem_shared>> -> memref<10000x64xf32, #tpu.memory_space<vmem_shared>>
    tpu.wait_indirect_dma semaphore(%arg32 : memref<!tpu.dma_semaphore, #tpu.memory_space<semaphore_mem>>) src(%dma_wait3A_232 : memref<16x64xf32, #tpu.memory_space<vmem>>) dst(%dma_wait3A_236 : memref<10000x64xf32, #tpu.memory_space<vmem_shared>>)
    %multiple_of3A_237 = arith.constant 19952 : i32
    %multiple_of3A_238 = tpu.assume_multiple %multiple_of3A_237, 16 : i32
    %dma_wait3A_239 = arith.constant 7 : i32
    %dma_wait3A_240 = arith.constant 0 : i32
    %dma_wait3A_241 = arith.constant 0 : i32
    %dma_wait3A_242 = tpu.memref_slice %arg12[%dma_wait3A_239, %dma_wait3A_240, %dma_wait3A_241] : memref<10x16x64xf32, #tpu.memory_space<vmem>> -> memref<1x16x64xf32, #tpu.memory_space<vmem>>
    %dma_wait3A_243 = tpu.memref_squeeze %dma_wait3A_242 : memref<1x16x64xf32, #tpu.memory_space<vmem>> -> memref<16x64xf32, #tpu.memory_space<vmem>>
    %dma_wait3A_244 = tpu.memref_slice %arg10[%multiple_of3A_238] : memref<20000xi32, #tpu.memory_space<vmem>> -> memref<16xi32, #tpu.memory_space<vmem>>
    %dma_wait3A_245 = arith.constant 0 : i32
    %dma_wait3A_246 = arith.constant 0 : i32
    %dma_wait3A_247 = tpu.memref_slice %arg15[%dma_wait3A_245, %dma_wait3A_246] : memref<10000x64xf32, #tpu.memory_space<vmem_shared>> -> memref<10000x64xf32, #tpu.memory_space<vmem_shared>>
    tpu.wait_indirect_dma semaphore(%arg33 : memref<!tpu.dma_semaphore, #tpu.memory_space<semaphore_mem>>) src(%dma_wait3A_243 : memref<16x64xf32, #tpu.memory_space<vmem>>) dst(%dma_wait3A_247 : memref<10000x64xf32, #tpu.memory_space<vmem_shared>>)
    %multiple_of3A_248 = arith.constant 19968 : i32
    %multiple_of3A_249 = tpu.assume_multiple %multiple_of3A_248, 16 : i32
    %dma_wait3A_250 = arith.constant 8 : i32
    %dma_wait3A_251 = arith.constant 0 : i32
    %dma_wait3A_252 = arith.constant 0 : i32
    %dma_wait3A_253 = tpu.memref_slice %arg12[%dma_wait3A_250, %dma_wait3A_251, %dma_wait3A_252] : memref<10x16x64xf32, #tpu.memory_space<vmem>> -> memref<1x16x64xf32, #tpu.memory_space<vmem>>
    %dma_wait3A_254 = tpu.memref_squeeze %dma_wait3A_253 : memref<1x16x64xf32, #tpu.memory_space<vmem>> -> memref<16x64xf32, #tpu.memory_space<vmem>>
    %dma_wait3A_255 = tpu.memref_slice %arg10[%multiple_of3A_249] : memref<20000xi32, #tpu.memory_space<vmem>> -> memref<16xi32, #tpu.memory_space<vmem>>
    %dma_wait3A_256 = arith.constant 0 : i32
    %dma_wait3A_257 = arith.constant 0 : i32
    %dma_wait3A_258 = tpu.memref_slice %arg15[%dma_wait3A_256, %dma_wait3A_257] : memref<10000x64xf32, #tpu.memory_space<vmem_shared>> -> memref<10000x64xf32, #tpu.memory_space<vmem_shared>>
    tpu.wait_indirect_dma semaphore(%arg34 : memref<!tpu.dma_semaphore, #tpu.memory_space<semaphore_mem>>) src(%dma_wait3A_254 : memref<16x64xf32, #tpu.memory_space<vmem>>) dst(%dma_wait3A_258 : memref<10000x64xf32, #tpu.memory_space<vmem_shared>>)
    %multiple_of3A_259 = arith.constant 19984 : i32
    %multiple_of3A_260 = tpu.assume_multiple %multiple_of3A_259, 16 : i32
    %dma_wait3A_261 = arith.constant 9 : i32
    %dma_wait3A_262 = arith.constant 0 : i32
    %dma_wait3A_263 = arith.constant 0 : i32
    %dma_wait3A_264 = tpu.memref_slice %arg12[%dma_wait3A_261, %dma_wait3A_262, %dma_wait3A_263] : memref<10x16x64xf32, #tpu.memory_space<vmem>> -> memref<1x16x64xf32, #tpu.memory_space<vmem>>
    %dma_wait3A_265 = tpu.memref_squeeze %dma_wait3A_264 : memref<1x16x64xf32, #tpu.memory_space<vmem>> -> memref<16x64xf32, #tpu.memory_space<vmem>>
    %dma_wait3A_266 = tpu.memref_slice %arg10[%multiple_of3A_260] : memref<20000xi32, #tpu.memory_space<vmem>> -> memref<16xi32, #tpu.memory_space<vmem>>
    %dma_wait3A_267 = arith.constant 0 : i32
    %dma_wait3A_268 = arith.constant 0 : i32
    %dma_wait3A_269 = tpu.memref_slice %arg15[%dma_wait3A_267, %dma_wait3A_268] : memref<10000x64xf32, #tpu.memory_space<vmem_shared>> -> memref<10000x64xf32, #tpu.memory_space<vmem_shared>>
    tpu.wait_indirect_dma semaphore(%arg35 : memref<!tpu.dma_semaphore, #tpu.memory_space<semaphore_mem>>) src(%dma_wait3A_265 : memref<16x64xf32, #tpu.memory_space<vmem>>) dst(%dma_wait3A_269 : memref<10000x64xf32, #tpu.memory_space<vmem_shared>>)
    %barrier3A_270 = arith.constant 0 : index
    tpu.barrier barrier_id(%barrier3A_270)
    %lt3A_271 = arith.constant 15 : i32
    %lt3A_272 = arith.cmpi slt, %arg1, %lt3A_271 : i32
    %or3A_273 = arith.constant true
    %or3A_274 = arith.ori %lt3A_272, %or3A_273 : i1
    %convert_element_type3A_275 = arith.extui %or3A_274 : i1 to i32
    %cond3A_276 = arith.constant 0 : i32
    %cond3A_277 = arith.cmpi ne, %convert_element_type3A_275, %cond3A_276 : i32
    scf.if %cond3A_277 {
      %mul3A_332 = arith.constant 640 : i32
      %mul3A_333 = arith.muli %arg1, %mul3A_332 : i32
      %add3A = arith.constant 0 : i32
      %add3A_334 = arith.addi %mul3A_333, %add3A : i32
      "tpu.region"() ({
        %run_scoped3A_335 = tpu.sem_alloc : memref<!tpu.dma_semaphore, #tpu.memory_space<semaphore_mem>>
        %dma_start3A = arith.constant 0 : i32
        %dma_start3A_336 = tpu.memref_slice %arg7[%arg0, %add3A_334, %dma_start3A] : memref<2x10000x64xf32, #tpu.memory_space<hbm>> -> memref<1x80x64xf32, #tpu.memory_space<hbm>>
        %dma_start3A_337 = tpu.memref_squeeze %dma_start3A_336 : memref<1x80x64xf32, #tpu.memory_space<hbm>> -> memref<80x64xf32, #tpu.memory_space<hbm>>
        %dma_start3A_338 = arith.constant 0 : i32
        %dma_start3A_339 = tpu.memref_slice %arg15[%add3A_334, %dma_start3A_338] : memref<10000x64xf32, #tpu.memory_space<vmem_shared>> -> memref<80x64xf32, #tpu.memory_space<vmem_shared>>
        tpu.enqueue_dma source(%dma_start3A_339 : memref<80x64xf32, #tpu.memory_space<vmem_shared>>) target(%dma_start3A_337 : memref<80x64xf32, #tpu.memory_space<hbm>>) target_semaphore(%run_scoped3A_335 : memref<!tpu.dma_semaphore, #tpu.memory_space<semaphore_mem>>)
        %dma_wait3A_340 = arith.constant 0 : i32
        %dma_wait3A_341 = tpu.memref_slice %arg7[%arg0, %add3A_334, %dma_wait3A_340] : memref<2x10000x64xf32, #tpu.memory_space<hbm>> -> memref<1x80x64xf32, #tpu.memory_space<hbm>>
        %dma_wait3A_342 = tpu.memref_squeeze %dma_wait3A_341 : memref<1x80x64xf32, #tpu.memory_space<hbm>> -> memref<80x64xf32, #tpu.memory_space<hbm>>
        %dma_wait3A_343 = arith.constant 0 : i32
        %dma_wait3A_344 = tpu.memref_slice %arg15[%add3A_334, %dma_wait3A_343] : memref<10000x64xf32, #tpu.memory_space<vmem_shared>> -> memref<80x64xf32, #tpu.memory_space<vmem_shared>>
        tpu.wait_dma2 semaphore(%run_scoped3A_335 : memref<!tpu.dma_semaphore, #tpu.memory_space<semaphore_mem>>) src(%dma_wait3A_344 : memref<80x64xf32, #tpu.memory_space<vmem_shared>>) dst(%dma_wait3A_342 : memref<80x64xf32, #tpu.memory_space<hbm>>)
        tpu.yield
      }) : () -> ()
    } else {
    }
    %lt3A_278 = arith.constant 15 : i32
    %lt3A_279 = arith.cmpi slt, %arg1, %lt3A_278 : i32
    %or3A_280 = arith.constant true
    %or3A_281 = arith.ori %lt3A_279, %or3A_280 : i1
    %convert_element_type3A_282 = arith.extui %or3A_281 : i1 to i32
    %cond3A_283 = arith.constant 0 : i32
    %cond3A_284 = arith.cmpi ne, %convert_element_type3A_282, %cond3A_283 : i32
    scf.if %cond3A_284 {
      %mul3A_332 = arith.constant 640 : i32
      %mul3A_333 = arith.muli %arg1, %mul3A_332 : i32
      %add3A = arith.constant 80 : i32
      %add3A_334 = arith.addi %mul3A_333, %add3A : i32
      "tpu.region"() ({
        %run_scoped3A_335 = tpu.sem_alloc : memref<!tpu.dma_semaphore, #tpu.memory_space<semaphore_mem>>
        %dma_start3A = arith.constant 0 : i32
        %dma_start3A_336 = tpu.memref_slice %arg7[%arg0, %add3A_334, %dma_start3A] : memref<2x10000x64xf32, #tpu.memory_space<hbm>> -> memref<1x80x64xf32, #tpu.memory_space<hbm>>
        %dma_start3A_337 = tpu.memref_squeeze %dma_start3A_336 : memref<1x80x64xf32, #tpu.memory_space<hbm>> -> memref<80x64xf32, #tpu.memory_space<hbm>>
        %dma_start3A_338 = arith.constant 0 : i32
        %dma_start3A_339 = tpu.memref_slice %arg15[%add3A_334, %dma_start3A_338] : memref<10000x64xf32, #tpu.memory_space<vmem_shared>> -> memref<80x64xf32, #tpu.memory_space<vmem_shared>>
        tpu.enqueue_dma source(%dma_start3A_339 : memref<80x64xf32, #tpu.memory_space<vmem_shared>>) target(%dma_start3A_337 : memref<80x64xf32, #tpu.memory_space<hbm>>) target_semaphore(%run_scoped3A_335 : memref<!tpu.dma_semaphore, #tpu.memory_space<semaphore_mem>>)
        %dma_wait3A_340 = arith.constant 0 : i32
        %dma_wait3A_341 = tpu.memref_slice %arg7[%arg0, %add3A_334, %dma_wait3A_340] : memref<2x10000x64xf32, #tpu.memory_space<hbm>> -> memref<1x80x64xf32, #tpu.memory_space<hbm>>
        %dma_wait3A_342 = tpu.memref_squeeze %dma_wait3A_341 : memref<1x80x64xf32, #tpu.memory_space<hbm>> -> memref<80x64xf32, #tpu.memory_space<hbm>>
        %dma_wait3A_343 = arith.constant 0 : i32
        %dma_wait3A_344 = tpu.memref_slice %arg15[%add3A_334, %dma_wait3A_343] : memref<10000x64xf32, #tpu.memory_space<vmem_shared>> -> memref<80x64xf32, #tpu.memory_space<vmem_shared>>
        tpu.wait_dma2 semaphore(%run_scoped3A_335 : memref<!tpu.dma_semaphore, #tpu.memory_space<semaphore_mem>>) src(%dma_wait3A_344 : memref<80x64xf32, #tpu.memory_space<vmem_shared>>) dst(%dma_wait3A_342 : memref<80x64xf32, #tpu.memory_space<hbm>>)
        tpu.yield
      }) : () -> ()
    } else {
    }
    %lt3A_285 = arith.constant 15 : i32
    %lt3A_286 = arith.cmpi slt, %arg1, %lt3A_285 : i32
    %or3A_287 = arith.constant true
    %or3A_288 = arith.ori %lt3A_286, %or3A_287 : i1
    %convert_element_type3A_289 = arith.extui %or3A_288 : i1 to i32
    %cond3A_290 = arith.constant 0 : i32
    %cond3A_291 = arith.cmpi ne, %convert_element_type3A_289, %cond3A_290 : i32
    scf.if %cond3A_291 {
      %mul3A_332 = arith.constant 640 : i32
      %mul3A_333 = arith.muli %arg1, %mul3A_332 : i32
      %add3A = arith.constant 160 : i32
      %add3A_334 = arith.addi %mul3A_333, %add3A : i32
      "tpu.region"() ({
        %run_scoped3A_335 = tpu.sem_alloc : memref<!tpu.dma_semaphore, #tpu.memory_space<semaphore_mem>>
        %dma_start3A = arith.constant 0 : i32
        %dma_start3A_336 = tpu.memref_slice %arg7[%arg0, %add3A_334, %dma_start3A] : memref<2x10000x64xf32, #tpu.memory_space<hbm>> -> memref<1x80x64xf32, #tpu.memory_space<hbm>>
        %dma_start3A_337 = tpu.memref_squeeze %dma_start3A_336 : memref<1x80x64xf32, #tpu.memory_space<hbm>> -> memref<80x64xf32, #tpu.memory_space<hbm>>
        %dma_start3A_338 = arith.constant 0 : i32
        %dma_start3A_339 = tpu.memref_slice %arg15[%add3A_334, %dma_start3A_338] : memref<10000x64xf32, #tpu.memory_space<vmem_shared>> -> memref<80x64xf32, #tpu.memory_space<vmem_shared>>
        tpu.enqueue_dma source(%dma_start3A_339 : memref<80x64xf32, #tpu.memory_space<vmem_shared>>) target(%dma_start3A_337 : memref<80x64xf32, #tpu.memory_space<hbm>>) target_semaphore(%run_scoped3A_335 : memref<!tpu.dma_semaphore, #tpu.memory_space<semaphore_mem>>)
        %dma_wait3A_340 = arith.constant 0 : i32
        %dma_wait3A_341 = tpu.memref_slice %arg7[%arg0, %add3A_334, %dma_wait3A_340] : memref<2x10000x64xf32, #tpu.memory_space<hbm>> -> memref<1x80x64xf32, #tpu.memory_space<hbm>>
        %dma_wait3A_342 = tpu.memref_squeeze %dma_wait3A_341 : memref<1x80x64xf32, #tpu.memory_space<hbm>> -> memref<80x64xf32, #tpu.memory_space<hbm>>
        %dma_wait3A_343 = arith.constant 0 : i32
        %dma_wait3A_344 = tpu.memref_slice %arg15[%add3A_334, %dma_wait3A_343] : memref<10000x64xf32, #tpu.memory_space<vmem_shared>> -> memref<80x64xf32, #tpu.memory_space<vmem_shared>>
        tpu.wait_dma2 semaphore(%run_scoped3A_335 : memref<!tpu.dma_semaphore, #tpu.memory_space<semaphore_mem>>) src(%dma_wait3A_344 : memref<80x64xf32, #tpu.memory_space<vmem_shared>>) dst(%dma_wait3A_342 : memref<80x64xf32, #tpu.memory_space<hbm>>)
        tpu.yield
      }) : () -> ()
    } else {
    }
    %lt3A_292 = arith.constant 15 : i32
    %lt3A_293 = arith.cmpi slt, %arg1, %lt3A_292 : i32
    %or3A_294 = arith.constant true
    %or3A_295 = arith.ori %lt3A_293, %or3A_294 : i1
    %convert_element_type3A_296 = arith.extui %or3A_295 : i1 to i32
    %cond3A_297 = arith.constant 0 : i32
    %cond3A_298 = arith.cmpi ne, %convert_element_type3A_296, %cond3A_297 : i32
    scf.if %cond3A_298 {
      %mul3A_332 = arith.constant 640 : i32
      %mul3A_333 = arith.muli %arg1, %mul3A_332 : i32
      %add3A = arith.constant 240 : i32
      %add3A_334 = arith.addi %mul3A_333, %add3A : i32
      "tpu.region"() ({
        %run_scoped3A_335 = tpu.sem_alloc : memref<!tpu.dma_semaphore, #tpu.memory_space<semaphore_mem>>
        %dma_start3A = arith.constant 0 : i32
        %dma_start3A_336 = tpu.memref_slice %arg7[%arg0, %add3A_334, %dma_start3A] : memref<2x10000x64xf32, #tpu.memory_space<hbm>> -> memref<1x80x64xf32, #tpu.memory_space<hbm>>
        %dma_start3A_337 = tpu.memref_squeeze %dma_start3A_336 : memref<1x80x64xf32, #tpu.memory_space<hbm>> -> memref<80x64xf32, #tpu.memory_space<hbm>>
        %dma_start3A_338 = arith.constant 0 : i32
        %dma_start3A_339 = tpu.memref_slice %arg15[%add3A_334, %dma_start3A_338] : memref<10000x64xf32, #tpu.memory_space<vmem_shared>> -> memref<80x64xf32, #tpu.memory_space<vmem_shared>>
        tpu.enqueue_dma source(%dma_start3A_339 : memref<80x64xf32, #tpu.memory_space<vmem_shared>>) target(%dma_start3A_337 : memref<80x64xf32, #tpu.memory_space<hbm>>) target_semaphore(%run_scoped3A_335 : memref<!tpu.dma_semaphore, #tpu.memory_space<semaphore_mem>>)
        %dma_wait3A_340 = arith.constant 0 : i32
        %dma_wait3A_341 = tpu.memref_slice %arg7[%arg0, %add3A_334, %dma_wait3A_340] : memref<2x10000x64xf32, #tpu.memory_space<hbm>> -> memref<1x80x64xf32, #tpu.memory_space<hbm>>
        %dma_wait3A_342 = tpu.memref_squeeze %dma_wait3A_341 : memref<1x80x64xf32, #tpu.memory_space<hbm>> -> memref<80x64xf32, #tpu.memory_space<hbm>>
        %dma_wait3A_343 = arith.constant 0 : i32
        %dma_wait3A_344 = tpu.memref_slice %arg15[%add3A_334, %dma_wait3A_343] : memref<10000x64xf32, #tpu.memory_space<vmem_shared>> -> memref<80x64xf32, #tpu.memory_space<vmem_shared>>
        tpu.wait_dma2 semaphore(%run_scoped3A_335 : memref<!tpu.dma_semaphore, #tpu.memory_space<semaphore_mem>>) src(%dma_wait3A_344 : memref<80x64xf32, #tpu.memory_space<vmem_shared>>) dst(%dma_wait3A_342 : memref<80x64xf32, #tpu.memory_space<hbm>>)
        tpu.yield
      }) : () -> ()
    } else {
    }
    %lt3A_299 = arith.constant 15 : i32
    %lt3A_300 = arith.cmpi slt, %arg1, %lt3A_299 : i32
    %or3A_301 = arith.constant true
    %or3A_302 = arith.ori %lt3A_300, %or3A_301 : i1
    %convert_element_type3A_303 = arith.extui %or3A_302 : i1 to i32
    %cond3A_304 = arith.constant 0 : i32
    %cond3A_305 = arith.cmpi ne, %convert_element_type3A_303, %cond3A_304 : i32
    scf.if %cond3A_305 {
      %mul3A_332 = arith.constant 640 : i32
      %mul3A_333 = arith.muli %arg1, %mul3A_332 : i32
      %add3A = arith.constant 320 : i32
      %add3A_334 = arith.addi %mul3A_333, %add3A : i32
      "tpu.region"() ({
        %run_scoped3A_335 = tpu.sem_alloc : memref<!tpu.dma_semaphore, #tpu.memory_space<semaphore_mem>>
        %dma_start3A = arith.constant 0 : i32
        %dma_start3A_336 = tpu.memref_slice %arg7[%arg0, %add3A_334, %dma_start3A] : memref<2x10000x64xf32, #tpu.memory_space<hbm>> -> memref<1x80x64xf32, #tpu.memory_space<hbm>>
        %dma_start3A_337 = tpu.memref_squeeze %dma_start3A_336 : memref<1x80x64xf32, #tpu.memory_space<hbm>> -> memref<80x64xf32, #tpu.memory_space<hbm>>
        %dma_start3A_338 = arith.constant 0 : i32
        %dma_start3A_339 = tpu.memref_slice %arg15[%add3A_334, %dma_start3A_338] : memref<10000x64xf32, #tpu.memory_space<vmem_shared>> -> memref<80x64xf32, #tpu.memory_space<vmem_shared>>
        tpu.enqueue_dma source(%dma_start3A_339 : memref<80x64xf32, #tpu.memory_space<vmem_shared>>) target(%dma_start3A_337 : memref<80x64xf32, #tpu.memory_space<hbm>>) target_semaphore(%run_scoped3A_335 : memref<!tpu.dma_semaphore, #tpu.memory_space<semaphore_mem>>)
        %dma_wait3A_340 = arith.constant 0 : i32
        %dma_wait3A_341 = tpu.memref_slice %arg7[%arg0, %add3A_334, %dma_wait3A_340] : memref<2x10000x64xf32, #tpu.memory_space<hbm>> -> memref<1x80x64xf32, #tpu.memory_space<hbm>>
        %dma_wait3A_342 = tpu.memref_squeeze %dma_wait3A_341 : memref<1x80x64xf32, #tpu.memory_space<hbm>> -> memref<80x64xf32, #tpu.memory_space<hbm>>
        %dma_wait3A_343 = arith.constant 0 : i32
        %dma_wait3A_344 = tpu.memref_slice %arg15[%add3A_334, %dma_wait3A_343] : memref<10000x64xf32, #tpu.memory_space<vmem_shared>> -> memref<80x64xf32, #tpu.memory_space<vmem_shared>>
        tpu.wait_dma2 semaphore(%run_scoped3A_335 : memref<!tpu.dma_semaphore, #tpu.memory_space<semaphore_mem>>) src(%dma_wait3A_344 : memref<80x64xf32, #tpu.memory_space<vmem_shared>>) dst(%dma_wait3A_342 : memref<80x64xf32, #tpu.memory_space<hbm>>)
        tpu.yield
      }) : () -> ()
    } else {
    }
    %lt3A_306 = arith.constant 15 : i32
    %lt3A_307 = arith.cmpi slt, %arg1, %lt3A_306 : i32
    %or3A_308 = arith.constant false
    %or3A_309 = arith.ori %lt3A_307, %or3A_308 : i1
    %convert_element_type3A_310 = arith.extui %or3A_309 : i1 to i32
    %cond3A_311 = arith.constant 0 : i32
    %cond3A_312 = arith.cmpi ne, %convert_element_type3A_310, %cond3A_311 : i32
    scf.if %cond3A_312 {
      %mul3A_332 = arith.constant 640 : i32
      %mul3A_333 = arith.muli %arg1, %mul3A_332 : i32
      %add3A = arith.constant 400 : i32
      %add3A_334 = arith.addi %mul3A_333, %add3A : i32
      "tpu.region"() ({
        %run_scoped3A_335 = tpu.sem_alloc : memref<!tpu.dma_semaphore, #tpu.memory_space<semaphore_mem>>
        %dma_start3A = arith.constant 0 : i32
        %dma_start3A_336 = tpu.memref_slice %arg7[%arg0, %add3A_334, %dma_start3A] : memref<2x10000x64xf32, #tpu.memory_space<hbm>> -> memref<1x80x64xf32, #tpu.memory_space<hbm>>
        %dma_start3A_337 = tpu.memref_squeeze %dma_start3A_336 : memref<1x80x64xf32, #tpu.memory_space<hbm>> -> memref<80x64xf32, #tpu.memory_space<hbm>>
        %dma_start3A_338 = arith.constant 0 : i32
        %dma_start3A_339 = tpu.memref_slice %arg15[%add3A_334, %dma_start3A_338] : memref<10000x64xf32, #tpu.memory_space<vmem_shared>> -> memref<80x64xf32, #tpu.memory_space<vmem_shared>>
        tpu.enqueue_dma source(%dma_start3A_339 : memref<80x64xf32, #tpu.memory_space<vmem_shared>>) target(%dma_start3A_337 : memref<80x64xf32, #tpu.memory_space<hbm>>) target_semaphore(%run_scoped3A_335 : memref<!tpu.dma_semaphore, #tpu.memory_space<semaphore_mem>>)
        %dma_wait3A_340 = arith.constant 0 : i32
        %dma_wait3A_341 = tpu.memref_slice %arg7[%arg0, %add3A_334, %dma_wait3A_340] : memref<2x10000x64xf32, #tpu.memory_space<hbm>> -> memref<1x80x64xf32, #tpu.memory_space<hbm>>
        %dma_wait3A_342 = tpu.memref_squeeze %dma_wait3A_341 : memref<1x80x64xf32, #tpu.memory_space<hbm>> -> memref<80x64xf32, #tpu.memory_space<hbm>>
        %dma_wait3A_343 = arith.constant 0 : i32
        %dma_wait3A_344 = tpu.memref_slice %arg15[%add3A_334, %dma_wait3A_343] : memref<10000x64xf32, #tpu.memory_space<vmem_shared>> -> memref<80x64xf32, #tpu.memory_space<vmem_shared>>
        tpu.wait_dma2 semaphore(%run_scoped3A_335 : memref<!tpu.dma_semaphore, #tpu.memory_space<semaphore_mem>>) src(%dma_wait3A_344 : memref<80x64xf32, #tpu.memory_space<vmem_shared>>) dst(%dma_wait3A_342 : memref<80x64xf32, #tpu.memory_space<hbm>>)
        tpu.yield
      }) : () -> ()
    } else {
    }
    %lt3A_313 = arith.constant 15 : i32
    %lt3A_314 = arith.cmpi slt, %arg1, %lt3A_313 : i32
    %or3A_315 = arith.constant false
    %or3A_316 = arith.ori %lt3A_314, %or3A_315 : i1
    %convert_element_type3A_317 = arith.extui %or3A_316 : i1 to i32
    %cond3A_318 = arith.constant 0 : i32
    %cond3A_319 = arith.cmpi ne, %convert_element_type3A_317, %cond3A_318 : i32
    scf.if %cond3A_319 {
      %mul3A_332 = arith.constant 640 : i32
      %mul3A_333 = arith.muli %arg1, %mul3A_332 : i32
      %add3A = arith.constant 480 : i32
      %add3A_334 = arith.addi %mul3A_333, %add3A : i32
      "tpu.region"() ({
        %run_scoped3A_335 = tpu.sem_alloc : memref<!tpu.dma_semaphore, #tpu.memory_space<semaphore_mem>>
        %dma_start3A = arith.constant 0 : i32
        %dma_start3A_336 = tpu.memref_slice %arg7[%arg0, %add3A_334, %dma_start3A] : memref<2x10000x64xf32, #tpu.memory_space<hbm>> -> memref<1x80x64xf32, #tpu.memory_space<hbm>>
        %dma_start3A_337 = tpu.memref_squeeze %dma_start3A_336 : memref<1x80x64xf32, #tpu.memory_space<hbm>> -> memref<80x64xf32, #tpu.memory_space<hbm>>
        %dma_start3A_338 = arith.constant 0 : i32
        %dma_start3A_339 = tpu.memref_slice %arg15[%add3A_334, %dma_start3A_338] : memref<10000x64xf32, #tpu.memory_space<vmem_shared>> -> memref<80x64xf32, #tpu.memory_space<vmem_shared>>
        tpu.enqueue_dma source(%dma_start3A_339 : memref<80x64xf32, #tpu.memory_space<vmem_shared>>) target(%dma_start3A_337 : memref<80x64xf32, #tpu.memory_space<hbm>>) target_semaphore(%run_scoped3A_335 : memref<!tpu.dma_semaphore, #tpu.memory_space<semaphore_mem>>)
        %dma_wait3A_340 = arith.constant 0 : i32
        %dma_wait3A_341 = tpu.memref_slice %arg7[%arg0, %add3A_334, %dma_wait3A_340] : memref<2x10000x64xf32, #tpu.memory_space<hbm>> -> memref<1x80x64xf32, #tpu.memory_space<hbm>>
        %dma_wait3A_342 = tpu.memref_squeeze %dma_wait3A_341 : memref<1x80x64xf32, #tpu.memory_space<hbm>> -> memref<80x64xf32, #tpu.memory_space<hbm>>
        %dma_wait3A_343 = arith.constant 0 : i32
        %dma_wait3A_344 = tpu.memref_slice %arg15[%add3A_334, %dma_wait3A_343] : memref<10000x64xf32, #tpu.memory_space<vmem_shared>> -> memref<80x64xf32, #tpu.memory_space<vmem_shared>>
        tpu.wait_dma2 semaphore(%run_scoped3A_335 : memref<!tpu.dma_semaphore, #tpu.memory_space<semaphore_mem>>) src(%dma_wait3A_344 : memref<80x64xf32, #tpu.memory_space<vmem_shared>>) dst(%dma_wait3A_342 : memref<80x64xf32, #tpu.memory_space<hbm>>)
        tpu.yield
      }) : () -> ()
    } else {
    }
    %lt3A_320 = arith.constant 15 : i32
    %lt3A_321 = arith.cmpi slt, %arg1, %lt3A_320 : i32
    %or3A_322 = arith.constant false
    %or3A_323 = arith.ori %lt3A_321, %or3A_322 : i1
    %convert_element_type3A_324 = arith.extui %or3A_323 : i1 to i32
    %cond3A_325 = arith.constant 0 : i32
    %cond3A_326 = arith.cmpi ne, %convert_element_type3A_324, %cond3A_325 : i32
    scf.if %cond3A_326 {
      %mul3A_332 = arith.constant 640 : i32
      %mul3A_333 = arith.muli %arg1, %mul3A_332 : i32
      %add3A = arith.constant 560 : i32
      %add3A_334 = arith.addi %mul3A_333, %add3A : i32
      "tpu.region"() ({
        %run_scoped3A_335 = tpu.sem_alloc : memref<!tpu.dma_semaphore, #tpu.memory_space<semaphore_mem>>
        %dma_start3A = arith.constant 0 : i32
        %dma_start3A_336 = tpu.memref_slice %arg7[%arg0, %add3A_334, %dma_start3A] : memref<2x10000x64xf32, #tpu.memory_space<hbm>> -> memref<1x80x64xf32, #tpu.memory_space<hbm>>
        %dma_start3A_337 = tpu.memref_squeeze %dma_start3A_336 : memref<1x80x64xf32, #tpu.memory_space<hbm>> -> memref<80x64xf32, #tpu.memory_space<hbm>>
        %dma_start3A_338 = arith.constant 0 : i32
        %dma_start3A_339 = tpu.memref_slice %arg15[%add3A_334, %dma_start3A_338] : memref<10000x64xf32, #tpu.memory_space<vmem_shared>> -> memref<80x64xf32, #tpu.memory_space<vmem_shared>>
        tpu.enqueue_dma source(%dma_start3A_339 : memref<80x64xf32, #tpu.memory_space<vmem_shared>>) target(%dma_start3A_337 : memref<80x64xf32, #tpu.memory_space<hbm>>) target_semaphore(%run_scoped3A_335 : memref<!tpu.dma_semaphore, #tpu.memory_space<semaphore_mem>>)
        %dma_wait3A_340 = arith.constant 0 : i32
        %dma_wait3A_341 = tpu.memref_slice %arg7[%arg0, %add3A_334, %dma_wait3A_340] : memref<2x10000x64xf32, #tpu.memory_space<hbm>> -> memref<1x80x64xf32, #tpu.memory_space<hbm>>
        %dma_wait3A_342 = tpu.memref_squeeze %dma_wait3A_341 : memref<1x80x64xf32, #tpu.memory_space<hbm>> -> memref<80x64xf32, #tpu.memory_space<hbm>>
        %dma_wait3A_343 = arith.constant 0 : i32
        %dma_wait3A_344 = tpu.memref_slice %arg15[%add3A_334, %dma_wait3A_343] : memref<10000x64xf32, #tpu.memory_space<vmem_shared>> -> memref<80x64xf32, #tpu.memory_space<vmem_shared>>
        tpu.wait_dma2 semaphore(%run_scoped3A_335 : memref<!tpu.dma_semaphore, #tpu.memory_space<semaphore_mem>>) src(%dma_wait3A_344 : memref<80x64xf32, #tpu.memory_space<vmem_shared>>) dst(%dma_wait3A_342 : memref<80x64xf32, #tpu.memory_space<hbm>>)
        tpu.yield
      }) : () -> ()
    } else {
    }
    %eq3A_327 = arith.constant 0 : i32
    %eq3A_328 = arith.cmpi eq, %arg0, %eq3A_327 : i32
    %convert_element_type3A_329 = arith.extui %eq3A_328 : i1 to i32
    %cond3A_330 = arith.constant 0 : i32
    %cond3A_331 = arith.cmpi ne, %convert_element_type3A_329, %cond3A_330 : i32
    scf.if %cond3A_331 {
      %mul3A_332 = arith.constant 2 : i32
      %mul3A_333 = arith.muli %mul3A_332, %arg1 : i32
      %mul3A_334 = arith.constant 10000 : i32
      %mul3A_335 = arith.muli %mul3A_333, %mul3A_334 : i32
      "tpu.region"() ({
        %run_scoped3A_341 = tpu.sem_alloc : memref<!tpu.dma_semaphore, #tpu.memory_space<semaphore_mem>>
        %dma_start3A = tpu.memref_slice %arg8[%mul3A_335] : memref<320000xf32, #tpu.memory_space<hbm>> -> memref<10000xf32, #tpu.memory_space<hbm>>
        %dma_start3A_342 = tpu.memref_slice %arg8[%mul3A_335] : memref<320000xf32, #tpu.memory_space<hbm>> -> memref<10000xf32, #tpu.memory_space<hbm>>
        tpu.enqueue_dma source(%arg13 : memref<10000xf32, #tpu.memory_space<vmem>>) target(%dma_start3A_342 : memref<10000xf32, #tpu.memory_space<hbm>>) target_semaphore(%run_scoped3A_341 : memref<!tpu.dma_semaphore, #tpu.memory_space<semaphore_mem>>)
        %dma_wait3A_343 = tpu.memref_slice %arg8[%mul3A_335] : memref<320000xf32, #tpu.memory_space<hbm>> -> memref<10000xf32, #tpu.memory_space<hbm>>
        %dma_wait3A_344 = tpu.memref_slice %arg8[%mul3A_335] : memref<320000xf32, #tpu.memory_space<hbm>> -> memref<10000xf32, #tpu.memory_space<hbm>>
        tpu.wait_dma2 semaphore(%run_scoped3A_341 : memref<!tpu.dma_semaphore, #tpu.memory_space<semaphore_mem>>) src(%arg13 : memref<10000xf32, #tpu.memory_space<vmem>>) dst(%dma_wait3A_344 : memref<10000xf32, #tpu.memory_space<hbm>>)
        tpu.yield
      }) : () -> ()
      %mul3A_336 = arith.constant 2 : i32
      %mul3A_337 = arith.muli %mul3A_336, %arg1 : i32
      %add3A = arith.constant 1 : i32
      %add3A_338 = arith.addi %mul3A_337, %add3A : i32
      %mul3A_339 = arith.constant 10000 : i32
      %mul3A_340 = arith.muli %add3A_338, %mul3A_339 : i32
      "tpu.region"() ({
        %run_scoped3A_341 = tpu.sem_alloc : memref<!tpu.dma_semaphore, #tpu.memory_space<semaphore_mem>>
        %dma_start3A = tpu.memref_slice %arg8[%mul3A_340] : memref<320000xf32, #tpu.memory_space<hbm>> -> memref<10000xf32, #tpu.memory_space<hbm>>
        %dma_start3A_342 = tpu.memref_slice %arg8[%mul3A_340] : memref<320000xf32, #tpu.memory_space<hbm>> -> memref<10000xf32, #tpu.memory_space<hbm>>
        tpu.enqueue_dma source(%arg14 : memref<10000xf32, #tpu.memory_space<vmem>>) target(%dma_start3A_342 : memref<10000xf32, #tpu.memory_space<hbm>>) target_semaphore(%run_scoped3A_341 : memref<!tpu.dma_semaphore, #tpu.memory_space<semaphore_mem>>)
        %dma_wait3A_343 = tpu.memref_slice %arg8[%mul3A_340] : memref<320000xf32, #tpu.memory_space<hbm>> -> memref<10000xf32, #tpu.memory_space<hbm>>
        %dma_wait3A_344 = tpu.memref_slice %arg8[%mul3A_340] : memref<320000xf32, #tpu.memory_space<hbm>> -> memref<10000xf32, #tpu.memory_space<hbm>>
        tpu.wait_dma2 semaphore(%run_scoped3A_341 : memref<!tpu.dma_semaphore, #tpu.memory_space<semaphore_mem>>) src(%arg14 : memref<10000xf32, #tpu.memory_space<vmem>>) dst(%dma_wait3A_344 : memref<10000xf32, #tpu.memory_space<hbm>>)
        tpu.yield
      }) : () -> ()
    } else {
    }
    return
  }
}

module attributes {stable_mosaic.version = 14 : i64} {
  func.func @_tc_kernel(%arg0: i32, %arg1: memref<2x1000x64xf32, #tpu.memory_space<vmem>>, %arg2: memref<1000x32xf32, #tpu.memory_space<vmem>>, %arg3: memref<1000x1xf32, #tpu.memory_space<vmem>>, %arg4: memref<128x128xf32, #tpu.memory_space<vmem>>, %arg5: memref<32x128xf32, #tpu.memory_space<vmem>>, %arg6: memref<1x128xf32, #tpu.memory_space<vmem>>, %arg7: memref<128x128xf32, #tpu.memory_space<vmem>>, %arg8: memref<1000x128xf32, #tpu.memory_space<vmem>>) attributes {dimension_semantics = [#tpu.dimension_semantics<arbitrary>], iteration_bounds = array<i64: 10>, scalar_prefetch = 0 : i64, scratch_operands = 0 : i64, tpu.core_type = #tpu.core_type<tc>, window_params = [{transform_indices = @transform_0, window_bounds = array<i64: 2, 1000, 64>}, {transform_indices = @transform_1, window_bounds = array<i64: 1000, 32>}, {transform_indices = @transform_2, window_bounds = array<i64: 1000, 1>}, {pipeline_mode = #tpu.pipeline_mode<synchronous>, transform_indices = @transform_3, window_bounds = array<i64: 128, 128>}, {pipeline_mode = #tpu.pipeline_mode<synchronous>, transform_indices = @transform_4, window_bounds = array<i64: 32, 128>}, {pipeline_mode = #tpu.pipeline_mode<synchronous>, transform_indices = @transform_5, window_bounds = array<i64: 1, 128>}, {pipeline_mode = #tpu.pipeline_mode<synchronous>, transform_indices = @transform_6, window_bounds = array<i64: 128, 128>}, {transform_indices = @transform_7, window_bounds = array<i64: 1000, 128>}]} {
    %get3A = arith.constant 0 : index
    %get3A_0 = arith.constant 0 : index
    %get3A_1 = arith.constant 0 : index
    %get3A_2 = vector.load %arg1[%get3A, %get3A_0, %get3A_1] : memref<2x1000x64xf32, #tpu.memory_space<vmem>>, vector<1x1000x64xf32>
    %get3A_3 = vector.shape_cast %get3A_2 : vector<1x1000x64xf32> to vector<1000x64xf32>
    %get3A_4 = arith.constant 0 : index
    %get3A_5 = arith.constant 0 : index
    %get3A_6 = vector.load %arg4[%get3A_4, %get3A_5] : memref<128x128xf32, #tpu.memory_space<vmem>>, vector<64x128xf32>
    %dot_general3A = arith.constant dense<0.000000e+00> : vector<1000x128xf32>
    %dot_general3A_7 = tpu.matmul %get3A_3, %get3A_6, %dot_general3A {dimension_numbers = #tpu.dot_dimension_numbers<[1], [0], [0], [1], [0, 0, 1, 1], [], []>, transpose_lhs_hint = false} : vector<1000x64xf32>, vector<64x128xf32>, vector<1000x128xf32> -> vector<1000x128xf32>
    %get3A_8 = arith.constant 1 : index
    %get3A_9 = arith.constant 0 : index
    %get3A_10 = arith.constant 0 : index
    %get3A_11 = vector.load %arg1[%get3A_8, %get3A_9, %get3A_10] : memref<2x1000x64xf32, #tpu.memory_space<vmem>>, vector<1x1000x64xf32>
    %get3A_12 = vector.shape_cast %get3A_11 : vector<1x1000x64xf32> to vector<1000x64xf32>
    %get3A_13 = arith.constant 64 : index
    %get3A_14 = arith.constant 0 : index
    %get3A_15 = vector.load %arg4[%get3A_13, %get3A_14] : memref<128x128xf32, #tpu.memory_space<vmem>>, vector<64x128xf32>
    %dot_general3A_16 = arith.constant dense<0.000000e+00> : vector<1000x128xf32>
    %dot_general3A_17 = tpu.matmul %get3A_12, %get3A_15, %dot_general3A_16 {dimension_numbers = #tpu.dot_dimension_numbers<[1], [0], [0], [1], [0, 0, 1, 1], [], []>, transpose_lhs_hint = false} : vector<1000x64xf32>, vector<64x128xf32>, vector<1000x128xf32> -> vector<1000x128xf32>
    %add3A = arith.addf %dot_general3A_7, %dot_general3A_17 : vector<1000x128xf32>
    %get3A_18 = arith.constant 0 : index
    %get3A_19 = arith.constant 0 : index
    %get3A_20 = vector.load %arg2[%get3A_18, %get3A_19] : memref<1000x32xf32, #tpu.memory_space<vmem>>, vector<1000x32xf32>
    %get3A_21 = arith.constant 0 : index
    %get3A_22 = arith.constant 0 : index
    %get3A_23 = vector.load %arg5[%get3A_21, %get3A_22] : memref<32x128xf32, #tpu.memory_space<vmem>>, vector<32x128xf32>
    %dot_general3A_24 = arith.constant dense<0.000000e+00> : vector<1000x128xf32>
    %dot_general3A_25 = tpu.matmul %get3A_20, %get3A_23, %dot_general3A_24 {dimension_numbers = #tpu.dot_dimension_numbers<[1], [0], [0], [1], [0, 0, 1, 1], [], []>, transpose_lhs_hint = false} : vector<1000x32xf32>, vector<32x128xf32>, vector<1000x128xf32> -> vector<1000x128xf32>
    %add3A_26 = arith.addf %add3A, %dot_general3A_25 : vector<1000x128xf32>
    %get3A_27 = arith.constant 0 : index
    %get3A_28 = arith.constant 0 : index
    %get3A_29 = vector.load %arg3[%get3A_27, %get3A_28] : memref<1000x1xf32, #tpu.memory_space<vmem>>, vector<1000x1xf32>
    %get3A_30 = arith.constant 0 : index
    %get3A_31 = arith.constant 0 : index
    %get3A_32 = vector.load %arg6[%get3A_30, %get3A_31] : memref<1x128xf32, #tpu.memory_space<vmem>>, vector<1x128xf32>
    %mul3A = vector.broadcast %get3A_29 : vector<1000x1xf32> to vector<1000x128xf32>
    %mul3A_33 = vector.broadcast %get3A_32 : vector<1x128xf32> to vector<1000x128xf32>
    %mul3A_34 = arith.mulf %mul3A, %mul3A_33 : vector<1000x128xf32>
    %add3A_35 = arith.addf %add3A_26, %mul3A_34 : vector<1000x128xf32>
    %max3A = arith.constant 0.000000e+00 : f32
    %max3A_36 = vector.broadcast %max3A : f32 to vector<1000x128xf32>
    %max3A_37 = arith.maximumf %add3A_35, %max3A_36 : vector<1000x128xf32>
    %get3A_38 = arith.constant 0 : index
    %get3A_39 = arith.constant 0 : index
    %get3A_40 = vector.load %arg7[%get3A_38, %get3A_39] : memref<128x128xf32, #tpu.memory_space<vmem>>, vector<128x128xf32>
    %dot_general3A_41 = arith.constant dense<0.000000e+00> : vector<1000x128xf32>
    %dot_general3A_42 = tpu.matmul %max3A_37, %get3A_40, %dot_general3A_41 {dimension_numbers = #tpu.dot_dimension_numbers<[1], [0], [0], [1], [0, 0, 1, 1], [], []>, transpose_lhs_hint = false} : vector<1000x128xf32>, vector<128x128xf32>, vector<1000x128xf32> -> vector<1000x128xf32>
    %max3A_43 = arith.constant 0.000000e+00 : f32
    %max3A_44 = vector.broadcast %max3A_43 : f32 to vector<1000x128xf32>
    %max3A_45 = arith.maximumf %dot_general3A_42, %max3A_44 : vector<1000x128xf32>
    %swap3A = arith.constant 0 : index
    %swap3A_46 = arith.constant 0 : index
    %swap3A_47 = vector.load %arg8[%swap3A, %swap3A_46] : memref<1000x128xf32, #tpu.memory_space<vmem>>, vector<1000x128xf32>
    tpu.vector_store %arg8[%swap3A, %swap3A_46], %max3A_45 {strides = array<i32>} : memref<1000x128xf32, #tpu.memory_space<vmem>>, vector<1000x128xf32>,
    return
  }
  func.func @transform_0(%arg0: i32) -> (i32, i32, i32) {
    %c0_i32 = arith.constant 0 : i32
    %c0_i32_0 = arith.constant 0 : i32
    %c0_i32_1 = arith.constant 0 : i32
    return %c0_i32, %arg0, %c0_i32_0 : i32, i32, i32
  }
  func.func @transform_1(%arg0: i32) -> (i32, i32) {
    %c0_i32 = arith.constant 0 : i32
    %c0_i32_0 = arith.constant 0 : i32
    return %arg0, %c0_i32 : i32, i32
  }
  func.func @transform_2(%arg0: i32) -> (i32, i32) {
    %c0_i32 = arith.constant 0 : i32
    %c0_i32_0 = arith.constant 0 : i32
    return %arg0, %c0_i32 : i32, i32
  }
  func.func @transform_3(%arg0: i32) -> (i32, i32) {
    %c0_i32 = arith.constant 0 : i32
    %c0_i32_0 = arith.constant 0 : i32
    %c0_i32_1 = arith.constant 0 : i32
    return %c0_i32, %c0_i32_0 : i32, i32
  }
  func.func @transform_4(%arg0: i32) -> (i32, i32) {
    %c0_i32 = arith.constant 0 : i32
    %c0_i32_0 = arith.constant 0 : i32
    %c0_i32_1 = arith.constant 0 : i32
    return %c0_i32, %c0_i32_0 : i32, i32
  }
  func.func @transform_5(%arg0: i32) -> (i32, i32) {
    %c0_i32 = arith.constant 0 : i32
    %c0_i32_0 = arith.constant 0 : i32
    %c0_i32_1 = arith.constant 0 : i32
    return %c0_i32, %c0_i32_0 : i32, i32
  }
  func.func @transform_6(%arg0: i32) -> (i32, i32) {
    %c0_i32 = arith.constant 0 : i32
    %c0_i32_0 = arith.constant 0 : i32
    %c0_i32_1 = arith.constant 0 : i32
    return %c0_i32, %c0_i32_0 : i32, i32
  }
  func.func @transform_7(%arg0: i32) -> (i32, i32) {
    %c0_i32 = arith.constant 0 : i32
    %c0_i32_0 = arith.constant 0 : i32
    return %arg0, %c0_i32 : i32, i32
  }
}

</mosaic_0001>

<sc_bundles>
// kernel: kernel.4.cloned.1.call-start
scs
__scs_entry_jumppad:
0x0: {  	(pc) =	sbr.rel $0x88, $3  }
0x1: {  	(tag) =	ssettag $0x0;
	lr =	simm.s32 $0x1  }
0x2: {  	[smem:$0x3F97] =	sst lr;
	_ =	strace $0xD0000000  }
0x3: {  	_ = 	snop  }
0x4: {  	_ = 	snop  }
0x5: {  	_ = 	snop  }
0x6: {  	_ = 	snop  }
0x7: {  	_ = 	snop  }
__scs_overlays_trampoline_lowered:
0x8: {  	[smem:$0x3FA6] =	sst s0  }
0x9: {  	[smem:$0x3FA7] =	sst s1  }
0xa: {  	[smem:$0x3FA8] =	sst s2  }
0xb: {  	[smem:$0x3FA9] =	sst s3  }
0xc: {  	[smem:$0x3FAA] =	sst s4  }
0xd: {  	[smem:$0x3FAB] =	sst s5  }
0xe: {  	[smem:$0x3FAC] =	sst s6  }
0xf: {  	[smem:$0x3FAD] =	sst s7  }
0x10: {  	[smem:$0x3FAE] =	sst s8  }
0x11: {  	[smem:$0x3FAF] =	sst s9;
	s0 =	simm.s32 @!p0 $0x0  }
0x12: {  	s1 =	sld [smem:$0x3F95];
	s0 =	simm.s32 @p0 $0x1  }
0x13: {  	[smem:$0x3FB0] =	sst s0;
	s0 =	simm.s32 @!p1 $0x0  }
0x14: {  	s2 =	sld [smem:$0x3F94];
	s0 =	simm.s32 @p1 $0x1  }
0x15: {  	[smem:$0x3FB1] =	sst s0;
	s0 =	simm.s32 @!p2 $0x0  }
0x16: {  	s3 =	sld [smem:$0x3FDB];
	s0 =	simm.s32 @p2 $0x1  }
0x17: {  	s4 =	simm.s32 $0x1BF5;
	[smem:$0x3FB3] =	sst s0  }
0x18: {  	s0 =	sld [smem:$0x3F96];
	_ =	swait.ge [sflag:s4], $0x0  }
0x19: {  	s7 =	sld [smem:$0x3F97]  }
0x1a: {  	s8 =	sadd.s32 $0xFFFFE003, lr  }
0x1b: {  	s9 =	sadd.s32 $0xFFFFFEF7, lr;
	s5 =	simm.s32 $0xFFFFFFFF;
	p2 =	slt.u32 s8, $0xFFFFF086  }
0x1c: {  	p1 =	slt.u32 s9, $0xF7A;
	s5 =	simm.s32 @!p2 $0x0  }
0x1d: {  	s5 =	simm.s32 @p1 $0x1;
	p0 =	seq.s32 s7, s2  }
0x1e: {  	s7 =	smul.u32 @!p0 $0xF7A, s2;
	p2 =	seq.s32 @!p0 s5, $0x0  }
0x1f: {  	s9 =	smul.u32 $0xF7A, s1;
	s8 =	simm.s32 @!p0 $0x1BF5;
	p2 =	por !p2, p0  }
0x20: {  	[sflag:s8] =	ssyncset.s32 @!p0 $0xFFFFF086;
	s6 =	sadd.s32 @!p0 s3, s7;
	s7 =	simm.s32 @!p0 $0x108  }
0x21: {  	s3 =	sadd.s32 s3, s9;
	s6 =	sadd.s32 @!p0 $0x88, s6;
	s7 =	simm.s32 @p2 $0x1082  }
0x22: {  	[simem:s7], [sflag:s8] =	dma.local @!p0 [hbm:s6], $0xF7A  }
0x23: {  	s9 =	sor.u32 $0xD0000000, s2;
	s6 =	simm.s32 $0x108;
	_ =	swait.ge @!p0 [sflag:s8], $0x0  }
0x24: {  	s3 =	sadd.s32 $0x88, s3;
	s6 =	simm.s32 @!p1 $0x1082;
	[sflag:s4] =	ssyncset.s32 $0xFFFFF086  }
0x25: {  	[simem:s6], [sflag:s4] =	dma.local [hbm:s3], $0xF7A  }
0x26: {  	[smem:$0x3F97] =	sst s1;
	(tag) =	ssettag s2;
	_ =	strace s9  }
0x27: {  	s1 =	sld [smem:$0x3FA7]  }
0x28: {  	s2 =	sld [smem:$0x3FA8]  }
0x29: {  	s4 =	sld [smem:$0x3FAA]  }
0x2a: {  	p0 =	seq.s32 s5, $0x0;
	s5 =	sld [smem:$0x3FAB]  }
0x2b: {  	s6 =	sld [smem:$0x3FAC]  }
0x2c: {  	s7 =	sld [smem:$0x3FAD]  }
0x2d: {  	s3 =	simm.s32 $0x108;
	s8 =	sld [smem:$0x3FAE]  }
0x2e: {  	s3 =	simm.s32 @!p0 $0x1082;
	s9 =	sld [smem:$0x3FAF]  }
0x2f: {  	lr =	sadd.s32 s0, s3;
	s0 =	sld [smem:$0x3FA6]  }
0x30: {  	s3 =	sld [smem:$0x3FA9]  }
0x31: {  	[smem:$0x3FB2] =	sst s10  }
0x32: {  	s10 =	sld [smem:$0x3FB0];
	_ =	sdelay $0x3  }
0x33: {  	p0 =	seq.s32 s10, $0x1;
	s10 =	sld [smem:$0x3FB2];
	_ =	sdelay $0x3  }
0x34: {  	[smem:$0x3FB2] =	sst s10  }
0x35: {  	s10 =	sld [smem:$0x3FB1];
	_ =	sdelay $0x3  }
0x36: {  	p1 =	seq.s32 s10, $0x1;
	s10 =	sld [smem:$0x3FB2];
	_ =	sdelay $0x3  }
0x37: {  	[smem:$0x3FB2] =	sst s10  }
0x38: {  	s10 =	sld [smem:$0x3FB3]  }
0x39: {  	_ = 	snop;
	(pc) =	sbr.ind lr, $3  }
0x3a: {  	_ = 	snop  }
0x3b: {  	_ = 	snop  }
0x3c: {  	p2 =	seq.s32 s10, $0x1;
	s10 =	sld [smem:$0x3FB2]  }
0x3d: {  	_ =	shalt  }
0x3e: {  	_ =	shalt  }
0x3f: {  	_ =	shalt  }
0x40: {  	_ =	shalt  }
0x41: {  	_ =	shalt  }
0x42: {  	_ =	shalt  }
0x43: {  	_ =	shalt  }
0x44: {  	_ =	shalt  }
0x45: {  	_ =	shalt  }
0x46: {  	_ =	shalt  }
0x47: {  	_ =	shalt  }
0x48: {  	_ =	shalt  }
0x49: {  	_ =	shalt  }
0x4a: {  	_ =	shalt  }
0x4b: {  	_ =	shalt  }
0x4c: {  	_ =	shalt  }
0x4d: {  	_ =	shalt  }
0x4e: {  	_ =	shalt  }
0x4f: {  	_ =	shalt  }
0x50: {  	_ =	shalt  }
0x51: {  	_ =	shalt  }
0x52: {  	_ =	shalt  }
0x53: {  	_ =	shalt  }
0x54: {  	_ =	shalt  }
0x55: {  	_ =	shalt  }
0x56: {  	_ =	shalt  }
0x57: {  	_ =	shalt  }
0x58: {  	_ =	shalt  }
0x59: {  	_ =	shalt  }
0x5a: {  	_ =	shalt  }
0x5b: {  	_ =	shalt  }
0x5c: {  	_ =	shalt  }
0x5d: {  	_ =	shalt  }
0x5e: {  	_ =	shalt  }
0x5f: {  	_ =	shalt  }
0x60: {  	_ =	shalt  }
0x61: {  	_ =	shalt  }
0x62: {  	_ =	shalt  }
0x63: {  	_ =	shalt  }
0x64: {  	_ =	shalt  }
0x65: {  	_ =	shalt  }
0x66: {  	_ =	shalt  }
0x67: {  	_ =	shalt  }
0x68: {  	_ =	shalt  }
0x69: {  	_ =	shalt  }
0x6a: {  	_ =	shalt  }
0x6b: {  	_ =	shalt  }
0x6c: {  	_ =	shalt  }
0x6d: {  	_ =	shalt  }
0x6e: {  	_ =	shalt  }
0x6f: {  	_ =	shalt  }
0x70: {  	_ =	shalt  }
0x71: {  	_ =	shalt  }
0x72: {  	_ =	shalt  }
0x73: {  	_ =	shalt  }
0x74: {  	_ =	shalt  }
0x75: {  	_ =	shalt  }
0x76: {  	_ =	shalt  }
0x77: {  	_ =	shalt  }
0x78: {  	_ =	shalt  }
0x79: {  	_ =	shalt  }
0x7a: {  	_ =	shalt  }
0x7b: {  	_ =	shalt  }
0x7c: {  	_ =	shalt  }
0x7d: {  	_ =	shalt  }
0x7e: {  	_ =	shalt  }
0x7f: {  	_ =	shalt  }
0x80: {  	_ =	shalt  }
0x81: {  	_ =	shalt  }
0x82: {  	_ =	shalt  }
0x83: {  	_ =	shalt  }
0x84: {  	_ =	shalt  }
0x85: {  	_ =	shalt  }
0x86: {  	_ =	shalt  }
0x87: {  	_ =	shalt  }
.Lfunc_end0:
.L_simem_size_0:
called_computation_lowered:
.L_overlay_start_0:
0x88: {  	s2 =	sld [smem:$0x3FD9]  }
0x89: {  	s3 =	sld [smem:$0x3FFE];
	_ =	sdelay $0x1  }
0x8a: {  	s1 =	srdreg.scid  }
0x8b: {  	s0 =	sand.u32 $0x1, s1  }
0x8c: {  	s17 =	sshll.u32 s0, $0xA;
	s2 =	sadd.s32 s3, s2  }
0x8d: {  	s2 =	sadd.s32 s2, s17  }
0x8e: {  	[smem:$0x3FBE] =	sst s2  }
0x8f: {  	_ = 	snop  }
0x90: {  	s2 =	sld [smem:$0x3FD0];
	(tm) =	ssettm $0x1  }
0x91: {  	s18 =	sld [smem:$0x3FFB];
	_ =	sdelay $0x3  }
0x92: {  	_ =	strace s18  }
0x93: {  	s3 =	sld [smem:$0x3FFC];
	_ =	sdelay $0x3  }
0x94: {  	_ =	strace s3  }
0x95: {  	s3 =	sld [smem:$0x3FFD];
	_ =	sdelay $0x3  }
0x96: {  	_ =	strace s3  }
0x97: {  	_ =	strace $0x8FFFFFFF  }
0x98: {  	s19 =	sld [smem:$0x3FDB];
	_ =	sdelay $0x1  }
0x99: {  	s4 =	simm.s32 $_scs_section_size  }
0x9a: {  	s5 =	simm.s32 $_size__tile_overlayer_lowered;
	s6 =	simm.s32 $_tile_overlayer_lowered  }
0x9b: {  	s22 =	simm.s32 $0x1BFF;
	s21 =	sshll.u32 s6, $0x1;
	s3 =	sadd.s32 s4, s19  }
0x9c: {  	s7 =	simm.s32 $0x0;
	s20 =	sshll.u32 s5, $0x1;
	s5 =	sadd.s32 s21, s3  }
0x9d: {  	[timem:s7], [sflag:s22] =	dma.local [hbm:s5], s20  }
0x9e: {  	_ =	swait.ge [sflag:s22], s20  }
0x9f: {  	s4 =	ssub.s32 $0x0, s20;
	[sflag:s22] =	ssyncset.done $0x0  }
0xa0: {  	[sflag:s22] =	ssyncadd.s32 s4;
	_ =	sdelay $0x1  }
0xa1: {  	s23 =	simm.s32 $0x1B8B  }
0xa2: {  	_ =	swait.ge [sflag:s23], $0x1  }
0xa3: {  	[sflag:s23] =	ssyncset.done $0x0  }
0xa4: {  	s25 =	simm.s32 $0x1B8E;
	s24 =	sld [smem:$0x3FFE];
	[sflag:s23] =	ssyncadd.s32 $0xFFFFFFFF  }
0xa5: {  	s26 =	simm.s32 $execute0_lowered;
	[smem:$0x3FD2] =	sst s25  }
0xa6: {  	s5 =	sshll.u32 s26, $0x1;
	_ =	strace $0x80000046;
	[dreg:$0x1] =	wrdreg $0xFFFFFFFF  }
0xa7: {  	s28 =	simm.s32 $_size_execute0_lowered;
	s3 =	sadd.s32 s3, s5;
	[dreg:$0x0] =	wrdreg $0x0  }
0xa8: {  	s5 =	sshll.u32 s28, $0x1;
	[dreg:$0x2] =	wrdreg s3  }
0xa9: {  	[dreg:$0x3] =	wrdreg s5  }
0xaa: {  	[dreg:$0x4] =	wrdreg $0xC0  }
0xab: {  	_ =	task [dreg:s7], $0x5FFFF  }
0xac: {  	[dreg:$0x1] =	wrdreg $0xFFFFFFFF  }
0xad: {  	[dreg:$0x0] =	wrdreg $0x60  }
0xae: {  	[dreg:$0x2] =	wrdreg s24  }
0xaf: {  	[dreg:$0x3] =	wrdreg s2  }
0xb0: {  	[dreg:$0x4] =	wrdreg $0x160800  }
0xb1: {  	[dreg:$0x5] =	wrdreg $0x9  }
0xb2: {  	_ =	task.clear_ibuf [dreg:s7], $0x6FFFF;
	_ =	strace $0x90000046  }
0xb3: {  	s29 =	simm.s32 $0x9;
	_ =	strace $0x80000048  }
0xb4: {  	_ =	swait.ge [sflag:s29], $0x1  }
0xb5: {  	[sflag:s29] =	ssyncadd.s32 $0xFFFFFFFF  }
0xb6: {  	_ =	strace $0x90000048  }
0xb7: {  	_ =	sfence  }
0xb8: {  	s30 =	sld [smem:$0x0];
	_ =	sdelay $0x2  }
0xb9: {  	s31 =	sshll.u32 s1, $0xD;
	s1 =	sshrl.u32 s1, $0x2  }
0xba: {  	s3 =	sand.u32 $0x4000, s31;
	s1 =	sadd.s32 s1, s30  }
0xbb: {  	s0 =	sor.u32 s3, s0;
	s1 =	sshll.u32 s1, $0x11  }
0xbc: {  	s0 =	sor.u32 s1, s0  }
0xbd: {  	s0 =	sadd.s32 $0x8F2B, s0  }
0xbe: {  	[sflag:s0] =	ssyncadd.remote.s32 $0x1  }
0xbf: {  	_ =	sfence.sel $0xFFFF  }
0xc0: {  	[dreg:$0x0] =	wrdreg $0xFFFFFFFF;
	(pc) =	sbr.abs _section_cstart, $3  }
0xc1: {  	[dreg:$0x1] =	wrdreg $0xFFFFFFFF  }
0xc2: {  	_ =	task.clear_ibuf [dreg:s7], $0x2FFFF;
	_ =	strace $0x9FFFFFFF  }
0xc3: {  	(tm) =	ssettm $0x7FFFFFFF  }
tec
execute0_lowered:
.L_overlay_start_1:
0x0: {  	(tag) =	ssettag $0x1  }
0x1: {  	s1 =	rddreg [dreg:$0x0]  }
0x2: {  	s3 =	rddreg [dreg:$0x1]  }
0x3: {  	s16 =	stileid.u32;
	s0 =	srdreg.scid  }
0x4: {  	s5 =	simm.s32 $0x0;
	s28 =	simm.s32 $0x5;
	s29 =	simm.s32 $0x6  }
0x5: {  	s30 =	simm.s32 $0x7;
	s31 =	simm.s32 $0x8;
	s4 =	sand.u32 $0x1, s0  }
0x6: {  	s2 =	smul.u32 $0xA000, s16;
	[smem:$0x7FF] =	sst s5;
	s26 =	sadd.s32 $0x46600, s1  }
0x7: {  	p2 =	seq.s32 s16, $0xF;
	s0 =	ssub.s32 $0x2, s4;
	p0 =	sne.s32 s4, $0x0  }
0x8: {  	p1 =	seq.s32 s4, $0x0;
	s6 =	sshrl.u32 s0, $0x1;
	s7 =	sor.u32 $0x1400, s2  }
0x9: {  	s12 =	sshrl.u32 s2, $0x3;
	s9 =	sadd.s32 $0x3C00, s2;
	s10 =	sadd.s32 $0x5000, s2  }
0xa: {  	s0 =	ssub.s32 s0, s6;
	s8 =	sshrl.u32 s7, $0x3;
	s6 =	sadd.s32 s26, s12  }
0xb: {  	s15 =	sshrl.u32 s9, $0x3;
	s11 =	sshrl.u32 s10, $0x3;
	s12 =	sadd.s32 $0x7800, s2  }
0xc: {  	[dreg:$0x4] =	wrdreg s6;
	s13 =	sadd.s32 s26, s8;
	s6 =	sadd.s32 $0x2800, s2  }
0xd: {  	s17 =	sadd.s32 s26, s11;
	s19 =	sshrl.u32 s12, $0x3;
	[dreg:$0x5] =	wrdreg s13  }
0xe: {  	s14 =	sshrl.u32 s6, $0x3;
	[dreg:$0x8] =	wrdreg s17;
	s13 =	smul.u32 $0x9C400, s4  }
0xf: {  	s4 =	sshll.u32 s16, $0x6;
	s8 =	sadd.s32 s26, s14;
	s14 =	sadd.s32 $0x8C00, s2  }
0x10: {  	[dreg:$0x6] =	wrdreg s8;
	s8 =	sadd.s32 s26, s15;
	s20 =	sshrl.u32 s14, $0x3  }
0x11: {  	s15 =	sadd.s32 s2, s13;
	s22 =	sadd.s32 s13, s7;
	s24 =	sadd.s32 s13, s6  }
0x12: {  	s17 =	sadd.s32 s13, s10;
	[dreg:$0x7] =	wrdreg s8;
	s8 =	sadd.s32 $0x6400, s2  }
0x13: {  	s5 =	sadd.s32 s26, s20;
	s21 =	sshrl.u32 s15, $0x3;
	s23 =	sshrl.u32 s22, $0x3  }
0x14: {  	s25 =	sshrl.u32 s24, $0x3;
	s18 =	sshrl.u32 s8, $0x3;
	[dreg:$0xb] =	wrdreg s5  }
0x15: {  	s5 =	sadd.s32 s3, s21;
	s21 =	sadd.s32 s13, s12;
	s11 =	sadd.s32 s26, s18  }
0x16: {  	[dreg:$0xc] =	wrdreg s5;
	s5 =	sadd.s32 s3, s23;
	s18 =	sshrl.u32 s17, $0x3  }
0x17: {  	s22 =	sshrl.u32 s21, $0x3;
	s23 =	sadd.s32 s13, s14;
	[dreg:$0x9] =	wrdreg s11  }
0x18: {  	s21 =	sadd.s32 $0x15400, s1;
	s11 =	sadd.s32 s26, s19;
	[dreg:$0xd] =	wrdreg s5  }
0x19: {  	s26 =	sadd.s32 s13, s9;
	s5 =	sadd.s32 s3, s25;
	[dreg:$0xa] =	wrdreg s11  }
0x1a: {  	s19 =	sadd.s32 s13, s8;
	[dreg:$0xe] =	wrdreg s5;
	s15 =	sshrl.u32 s26, $0x3  }
0x1b: {  	s20 =	sshrl.u32 s19, $0x3;
	s19 =	rddreg [dreg:$0x2];
	s5 =	sadd.s32 s3, s15  }
0x1c: {  	s25 =	smul.u32 $0x4E20, s16;
	[dreg:$0xf] =	wrdreg s5;
	s5 =	sadd.s32 s3, s18  }
0x1d: {  	s24 =	sshrl.u32 s23, $0x3;
	[dreg:$0x10] =	wrdreg s5;
	s5 =	sadd.s32 s3, s20  }
0x1e: {  	s26 =	sshrl.u32 s25, $0x3;
	[dreg:$0x11] =	wrdreg s5;
	s5 =	sadd.s32 s3, s22  }
0x1f: {  	s2 =	sadd.s32 s2, s19;
	s3 =	sadd.s32 s3, s24;
	[dreg:$0x12] =	wrdreg s5  }
0x20: {  	s20 =	sadd.s32 $0x28E00, s1;
	[dreg:$0x13] =	wrdreg s3;
	s3 =	sadd.s32 s26, s1  }
0x21: {  	s1 =	sor.u32 $0x1C15, s4;
	_ =	strace $0x80000047;
	[dreg:$0x14] =	wrdreg s2  }
0x22: {  	s0 =	smax.u32 s0, $0x1;
	s5 =	sadd.s32 s7, s19;
	[dreg:$0x15] =	wrdreg s1  }
0x23: {  	s16 =	simm.s32 $0x1;
	s7 =	sadd.s32 s6, s19;
	[dreg:$0x16] =	wrdreg s5  }
0x24: {  	s11 =	sadd.s32 s9, s19;
	s13 =	sadd.s32 s10, s19;
	[dreg:$0x17] =	wrdreg s7  }
0x25: {  	s15 =	sadd.s32 s8, s19;
	s17 =	sadd.s32 s12, s19;
	[dreg:$0x18] =	wrdreg s11  }
0x26: {  	s8 =	simm.s32 $0x12;
	s9 =	simm.s32 $0x13;
	[dreg:$0x19] =	wrdreg s13  }
0x27: {  	s12 =	simm.s32 $0x0;
	s18 =	sadd.s32 s14, s19;
	[dreg:$0x1a] =	wrdreg s15  }
0x28: {  	s6 =	simm.s32 $0x10;
	s4 =	simm.s32 $0xD;
	[dreg:$0x1b] =	wrdreg s17  }
0x29: {  	[dreg:$0x1c] =	wrdreg s18;
	s22 =	sadd.s32 $0x1A00, s3;
	s23 =	sadd.s32 $0xB640, s3  }
0x2a: {  	s24 =	sadd.s32 $0x3C800, s3;
	s25 =	sadd.s32 $0x5A000, s3;
	s26 =	sadd.s32 $0x5A4E2, s3  }
0x2b: {  	[smem:$0x7FD] =	sst s0;
	s5 =	simm.s32 $0x15;
	s15 =	simm.s32 $0x10A60  }
0x2c: {  	s18 =	simm.s32 $0x2;
	s17 =	simm.s32 $0x9;
	[dreg:$0x1d] =	wrdreg s22  }
.Ltmp0:
0x2d: {  	s0 =	simm.s32 $0xA;
	[dreg:$0x1e] =	wrdreg s23;
	(pc) =	sbr.rel .LBB2_1-.Ltmp0, $4  }
0x2e: {  	s2 =	simm.s32 $0xB;
	s3 =	simm.s32 $0xC;
	[dreg:$0x1f] =	wrdreg s24  }
0x2f: {  	s1 =	simm.s32 $0xE;
	s7 =	simm.s32 $0x11;
	[smem:$0x7FB] =	sst s25  }
0x30: {  	[smem:$0x7FC] =	sst s26;
	s22 =	simm.s32 $0x11260;
	s24 =	simm.s32 $0x13970  }
0x31: {  	v0 =	vimm.f32 $0.0e+00;
	s25 =	simm.s32 $0x3;
	s26 =	simm.s32 $0x4;
	s23 =	simm.s32 $0xF  }
.LBB2_61:
0x32: {  	_ =	swait.ge [sflag:s2], $0x400  }
0x33: {  	[sflag:s2] =	ssyncset.done $0x0  }
0x34: {  	[sflag:s2] =	ssyncadd.s32 $0xFFFFFC00  }
0x35: {  	_ =	swait.ge [sflag:s3], $0x400  }
0x36: {  	[sflag:s3] =	ssyncset.done $0x0  }
0x37: {  	[sflag:s3] =	ssyncadd.s32 $0xFFFFFC00  }
0x38: {  	_ =	swait.ge [sflag:s4], $0x400  }
0x39: {  	[sflag:s4] =	ssyncset.done $0x0  }
0x3a: {  	[sflag:s4] =	ssyncadd.s32 $0xFFFFFC00  }
0x3b: {  	_ =	swait.ge [sflag:s1], $0x400  }
0x3c: {  	[sflag:s1] =	ssyncset.done $0x0  }
0x3d: {  	[sflag:s1] =	ssyncadd.s32 $0xFFFFFC00  }
0x3e: {  	_ =	swait.ge [sflag:s23], $0x400  }
0x3f: {  	[sflag:s23] =	ssyncset.done $0x0  }
0x40: {  	[sflag:s23] =	ssyncadd.s32 $0xFFFFFC00  }
0x41: {  	_ =	swait.ge [sflag:s6], $0x400  }
0x42: {  	[sflag:s6] =	ssyncset.done $0x0  }
0x43: {  	[sflag:s6] =	ssyncadd.s32 $0xFFFFFC00  }
0x44: {  	_ =	swait.ge [sflag:s7], $0x400  }
0x45: {  	[sflag:s7] =	ssyncset.done $0x0  }
0x46: {  	[sflag:s7] =	ssyncadd.s32 $0xFFFFFC00  }
0x47: {  	_ =	swait.ge [sflag:s8], $0x400  }
0x48: {  	[sflag:s8] =	ssyncset.done $0x0  }
0x49: {  	[sflag:s8] =	ssyncadd.s32 $0xFFFFFC00  }
0x4a: {  	_ =	swait.ge [sflag:s9], $0x400  }
0x4b: {  	[sflag:s9] =	ssyncset.done $0x0  }
0x4c: {  	s10 =	simm.s32 $0x14;
	[sflag:s9] =	ssyncadd.s32 $0xFFFFFC00  }
0x4d: {  	_ =	swait.ge [sflag:s10], $0x400  }
0x4e: {  	[sflag:s10] =	ssyncset.done $0x0  }
0x4f: {  	[sflag:s10] =	ssyncadd.s32 $0xFFFFFC00  }
0x50: {  	[bflag:$0x0] =	sbarrier.arrive $0xFFFF  }
0x51: {  	s11 =	sld [smem:$0x7F2]  }
0x52: {  	s14 =	rddreg [dreg:$0xc]  }
0x53: {  	s12 =	rddreg [dreg:$0x15]  }
0x54: {  	[hbm:s14], [sflag:s12] =	dma.local [spmem:s11], $0x280  }
0x55: {  	_ =	swait.ge [sflag:s5], $0x280  }
0x56: {  	s14 =	sld [smem:$0x7F3]  }
0x57: {  	[sflag:s5] =	ssyncset.done $0x0  }
0x58: {  	s13 =	rddreg [dreg:$0xd];
	[sflag:s5] =	ssyncadd.s32 $0xFFFFFD80  }
0x59: {  	[hbm:s13], [sflag:s12] =	dma.local [spmem:s14], $0x280  }
0x5a: {  	_ =	swait.ge [sflag:s5], $0x280  }
0x5b: {  	s14 =	sld [smem:$0x7F4]  }
0x5c: {  	[sflag:s5] =	ssyncset.done $0x0  }
0x5d: {  	s13 =	rddreg [dreg:$0xe];
	[sflag:s5] =	ssyncadd.s32 $0xFFFFFD80  }
0x5e: {  	[hbm:s13], [sflag:s12] =	dma.local [spmem:s14], $0x280  }
0x5f: {  	_ =	swait.ge [sflag:s5], $0x280  }
0x60: {  	s14 =	sld [smem:$0x7F5]  }
0x61: {  	[sflag:s5] =	ssyncset.done $0x0  }
0x62: {  	s13 =	rddreg [dreg:$0xf];
	[sflag:s5] =	ssyncadd.s32 $0xFFFFFD80  }
0x63: {  	[hbm:s13], [sflag:s12] =	dma.local [spmem:s14], $0x280  }
0x64: {  	_ =	swait.ge [sflag:s5], $0x280  }
0x65: {  	s14 =	sld [smem:$0x7F6]  }
0x66: {  	[sflag:s5] =	ssyncset.done $0x0  }
0x67: {  	s13 =	rddreg [dreg:$0x10];
	[sflag:s5] =	ssyncadd.s32 $0xFFFFFD80  }
0x68: {  	[hbm:s13], [sflag:s12] =	dma.local [spmem:s14], $0x280  }
0x69: {  	_ =	swait.ge [sflag:s5], $0x280  }
0x6a: {  	s11 =	sld [smem:$0x7F7]  }
0x6b: {  	[sflag:s5] =	ssyncset.done $0x0  }
0x6c: {  	s10 =	rddreg [dreg:$0x11];
	[sflag:s5] =	ssyncadd.s32 $0xFFFFFD80  }
0x6d: {  	[hbm:s10], [sflag:s12] =	dma.local @!p2 [spmem:s11], $0x280  }
0x6e: {  	s10 =	simm.s32 @!p2 $0x15  }
0x6f: {  	_ =	swait.ge @!p2 [sflag:s10], $0x280  }
0x70: {  	s13 =	sld [smem:$0x7F8]  }
0x71: {  	[sflag:s10] =	ssyncset.done @!p2 $0x0  }
0x72: {  	s11 =	rddreg [dreg:$0x12];
	[sflag:s10] =	ssyncadd.s32 @!p2 $0xFFFFFD80  }
0x73: {  	[hbm:s11], [sflag:s12] =	dma.local @!p2 [spmem:s13], $0x280  }
0x74: {  	_ =	swait.ge @!p2 [sflag:s10], $0x280  }
0x75: {  	s13 =	sld [smem:$0x7F9]  }
0x76: {  	[sflag:s10] =	ssyncset.done @!p2 $0x0  }
0x77: {  	s11 =	rddreg [dreg:$0x13];
	[sflag:s10] =	ssyncadd.s32 @!p2 $0xFFFFFD80  }
0x78: {  	[hbm:s11], [sflag:s12] =	dma.local @!p2 [spmem:s13], $0x280  }
0x79: {  	_ =	swait.ge @!p2 [sflag:s10], $0x280  }
0x7a: {  	s12 =	sld [smem:$0x7FB]  }
0x7b: {  	[sflag:s10] =	ssyncset.done @!p2 $0x0  }
0x7c: {  	s11 =	simm.s32 @!p0 $0x11260;
	[sflag:s10] =	ssyncadd.s32 @!p2 $0xFFFFFD80;
	s10 =	simm.s32 @!p0 $0x0  }
0x7d: {  	[hbm4b:s12+s10] =	stream.linear.scatter @!p0 [tilespmem:s11], [sflag:$0x15], $0x2710, $0x38;
	[tilespmem:$0x1FCC0] =	vst v63  }
0x7e: {  	s11 =	simm.s32 @!p0 $0x15  }
0x7f: {  	_ =	swait.ge @!p0 [sflag:s11], $0x2710  }
0x80: {  	s13 =	sld [smem:$0x7FC]  }
0x81: {  	[sflag:s11] =	ssyncset.done @!p0 $0x0  }
0x82: {  	s12 =	simm.s32 @!p0 $0x13970;
	[sflag:s11] =	ssyncadd.s32 @!p0 $0xFFFFD8F0  }
0x83: {  	[hbm4b:s13+s10] =	stream.linear.scatter @!p0 [tilespmem:s12], [sflag:$0x15], $0x2710, $0x38;
	[tilespmem:$0x1FCC0] =	vst v63  }
0x84: {  	_ =	swait.ge @!p0 [sflag:s11], $0x2710  }
0x85: {  	s13 =	sld [smem:$0x7FA]  }
0x86: {  	s14 =	sld [smem:$0x7FD];
	_ =	sdelay $0x1  }
0x87: {  	s12 =	sadd.s32 $0x1, s13  }
0x88: {  	p3 =	sne.s32 s12, s14  }
.Ltmp1:
0x89: {  	_ = 	snop;
	(pc) =	sbr.rel @!p3 .LBB2_62-.Ltmp1, $3  }
0x8a: {  	_ =	sdelay $0x1  }
0x8b: {  	[sflag:s11] =	ssyncset.done @!p0 $0x0  }
0x8c: {  	[sflag:s11] =	ssyncadd.s32 @!p0 $0xFFFFD8F0  }
.LBB2_1:
.Ltmp2:
0x8d: {  	(pc) =	sbr.rel @p0 .LBB2_5-.Ltmp2, $2  }
0x8e: {  	_ =	sdelay $0x2  }
0x8f: {  	[smem:$0x7FA] =	sst s12  }
0x90: {  	s10 =	simm.s32 $0x40;
	s11 =	simm.s32 $0x0  }
.LBB2_3:
0x91: {  	p3 =	sne.s32 s10, $0x9C00;
	[tilespmem:s11+$0x11260] =	vst v0;
	s12 =	smov.u32 s10;
	s10 =	sadd.s32 $0x40, s10  }
.Ltmp3:
0x92: {  	[tilespmem:s11+$0x13970] =	vst v0;
	(pc) =	sbr.rel @p3 .LBB2_3-.Ltmp3, $2  }
0x93: {  	_ =	sdelay $0x2  }
0x94: {  	s11 =	sshra.s32 s12, $0x2  }
0x95: {  	[tilespmem:s11+$0x11260] =	vst v0  }
0x96: {  	[tilespmem:s11+$0x13970] =	vst v0  }
.LBB2_5:
0x97: {  	s10 =	rddreg [dreg:$0x14]  }
0x98: {  	s14 =	rddreg [dreg:$0x4]  }
0x99: {  	s12 =	rddreg [dreg:$0x15];
	s11 =	sshrl.u32 s10, $0x3  }
0x9a: {  	[smem:$0x7F2] =	sst s11  }
0x9b: {  	[spmem:s11], [sflag:s12] =	dma.local [hbm:s14], $0x280  }
0x9c: {  	_ =	swait.ge [sflag:s5], $0x280  }
0x9d: {  	s11 =	rddreg [dreg:$0x16]  }
0x9e: {  	[sflag:s5] =	ssyncset.done $0x0;
	s14 =	rddreg [dreg:$0x5];
	s13 =	sshrl.u32 s11, $0x3  }
0x9f: {  	[sflag:s5] =	ssyncadd.s32 $0xFFFFFD80;
	[smem:$0x7F3] =	sst s13  }
0xa0: {  	[spmem:s13], [sflag:s12] =	dma.local [hbm:s14], $0x280  }
0xa1: {  	_ =	swait.ge [sflag:s5], $0x280  }
0xa2: {  	s11 =	rddreg [dreg:$0x17]  }
0xa3: {  	[sflag:s5] =	ssyncset.done $0x0;
	s14 =	rddreg [dreg:$0x6];
	s13 =	sshrl.u32 s11, $0x3  }
0xa4: {  	[sflag:s5] =	ssyncadd.s32 $0xFFFFFD80;
	[smem:$0x7F4] =	sst s13  }
0xa5: {  	[spmem:s13], [sflag:s12] =	dma.local [hbm:s14], $0x280  }
0xa6: {  	_ =	swait.ge [sflag:s5], $0x280  }
0xa7: {  	s11 =	rddreg [dreg:$0x18]  }
0xa8: {  	[sflag:s5] =	ssyncset.done $0x0;
	s14 =	rddreg [dreg:$0x7];
	s13 =	sshrl.u32 s11, $0x3  }
0xa9: {  	[sflag:s5] =	ssyncadd.s32 $0xFFFFFD80;
	[smem:$0x7F5] =	sst s13  }
0xaa: {  	[spmem:s13], [sflag:s12] =	dma.local [hbm:s14], $0x280  }
0xab: {  	_ =	swait.ge [sflag:s5], $0x280  }
0xac: {  	s11 =	rddreg [dreg:$0x19]  }
0xad: {  	[sflag:s5] =	ssyncset.done $0x0;
	s14 =	rddreg [dreg:$0x8];
	s13 =	sshrl.u32 s11, $0x3  }
0xae: {  	[sflag:s5] =	ssyncadd.s32 $0xFFFFFD80;
	[smem:$0x7F6] =	sst s13  }
0xaf: {  	[spmem:s13], [sflag:s12] =	dma.local [hbm:s14], $0x280  }
0xb0: {  	_ =	swait.ge [sflag:s5], $0x280  }
0xb1: {  	s10 =	rddreg [dreg:$0x1a]  }
0xb2: {  	[sflag:s5] =	ssyncset.done $0x0;
	s11 =	sshrl.u32 @!p2 s10, $0x3;
	s10 =	rddreg [dreg:$0x9]  }
0xb3: {  	[sflag:s5] =	ssyncadd.s32 $0xFFFFFD80;
	[smem:$0x7F7] =	sst s11  }
0xb4: {  	[spmem:s11], [sflag:s12] =	dma.local @!p2 [hbm:s10], $0x280  }
0xb5: {  	s10 =	simm.s32 @!p2 $0x15  }
0xb6: {  	_ =	swait.ge @!p2 [sflag:s10], $0x280  }
0xb7: {  	s11 =	rddreg [dreg:$0x1b]  }
0xb8: {  	[sflag:s10] =	ssyncset.done @!p2 $0x0;
	s13 =	sshrl.u32 @!p2 s11, $0x3;
	s11 =	rddreg [dreg:$0xa]  }
0xb9: {  	[sflag:s10] =	ssyncadd.s32 @!p2 $0xFFFFFD80;
	[smem:$0x7F8] =	sst s13  }
0xba: {  	[spmem:s13], [sflag:s12] =	dma.local @!p2 [hbm:s11], $0x280  }
0xbb: {  	_ =	swait.ge @!p2 [sflag:s10], $0x280  }
0xbc: {  	s11 =	rddreg [dreg:$0x1c]  }
0xbd: {  	[sflag:s10] =	ssyncset.done @!p2 $0x0;
	s13 =	sshrl.u32 @!p2 s11, $0x3;
	s11 =	rddreg [dreg:$0xb]  }
0xbe: {  	[sflag:s10] =	ssyncadd.s32 @!p2 $0xFFFFFD80;
	[smem:$0x7F9] =	sst s13  }
0xbf: {  	[spmem:s13], [sflag:s12] =	dma.local @!p2 [hbm:s11], $0x280  }
0xc0: {  	_ =	swait.ge @!p2 [sflag:s10], $0x280  }
0xc1: {  	[sflag:s10] =	ssyncset.done @!p2 $0x0  }
0xc2: {  	[sflag:s10] =	ssyncadd.s32 @!p2 $0xFFFFFD80  }
0xc3: {  	[bflag:$0x0] =	sbarrier.arrive $0xFFFF  }
0xc4: {  	s10 =	simm.s32 $0x0;
	s12 =	rddreg [dreg:$0x1d]  }
0xc5: {  	[tilespmem:s10], [sflag:$0x15] =	stream.linear.gather [hbm4b:s12+s10], $0x4E20, $0x38;
	[tilespmem:$0x1FCC0] =	vst v63  }
0xc6: {  	_ =	swait.ge [sflag:s5], $0x4E20  }
0xc7: {  	[sflag:s5] =	ssyncset.done $0x0  }
0xc8: {  	s14 =	simm.s32 $0x4E20;
	s13 =	rddreg [dreg:$0x1e];
	[sflag:s5] =	ssyncadd.s32 $0xFFFFB1E0  }
0xc9: {  	[tilespmem:s14], [sflag:$0x15] =	stream.linear.gather [hbm4b:s13+s10], $0x4E20, $0x38;
	[tilespmem:$0x1FCC0] =	vst v63  }
0xca: {  	_ =	swait.ge [sflag:s5], $0x4E20  }
0xcb: {  	s11 =	simm.s32 @!p0 $0x9C40;
	[sflag:s5] =	ssyncset.done $0x0  }
0xcc: {  	s10 =	simm.s32 @!p0 $0x0;
	s12 =	rddreg [dreg:$0x1f];
	[sflag:s5] =	ssyncadd.s32 $0xFFFFB1E0  }
0xcd: {  	[tilespmem:s11], [sflag:$0x15] =	stream.linear.gather @!p0 [hbm4b:s12+s10], $0x4E20, $0x38;
	[tilespmem:$0x1FCC0] =	vst v63  }
0xce: {  	s10 =	simm.s32 @!p0 $0x15  }
0xcf: {  	_ =	swait.ge @!p0 [sflag:s10], $0x4E20  }
0xd0: {  	s13 =	simm.s32 $0xEA60;
	s11 =	smov.u32 s20;
	[sflag:s10] =	ssyncset.done @!p0 $0x0  }
0xd1: {  	s11 =	smov.u32 @p0 s21;
	[sflag:s10] =	ssyncadd.s32 @!p0 $0xFFFFB1E0;
	s10 =	simm.s32 $0x0  }
0xd2: {  	[tilespmem:s13], [sflag:$0x1] =	stream.indirect.gather [hbm4b:s11+s6], $0x40, s10, s6, $0xb8;
	[tilespmem:$0x1FCC0] =	vst v63  }
0xd3: {  	s14 =	simm.s32 $0xEE60  }
0xd4: {  	[tilespmem:s14], [sflag:$0x2] =	stream.indirect.gather [hbm4b:s11+s6], $0x40, s6, s6, $0xb8;
	[tilespmem:$0x1FCC0] =	vst v63  }
0xd5: {  	s13 =	simm.s32 $0x20;
	s14 =	simm.s32 $0xF260  }
0xd6: {  	[tilespmem:s14], [sflag:$0x3] =	stream.indirect.gather [hbm4b:s11+s6], $0x40, s13, s6, $0xb8;
	[tilespmem:$0x1FCC0] =	vst v63  }
0xd7: {  	s13 =	simm.s32 $0x30;
	s14 =	simm.s32 $0xF660  }
0xd8: {  	[tilespmem:s14], [sflag:$0x4] =	stream.indirect.gather [hbm4b:s11+s6], $0x40, s13, s6, $0xb8;
	[tilespmem:$0x1FCC0] =	vst v63  }
0xd9: {  	s13 =	simm.s32 $0x40;
	s14 =	simm.s32 $0xFA60  }
0xda: {  	[tilespmem:s14], [sflag:$0x5] =	stream.indirect.gather [hbm4b:s11+s6], $0x40, s13, s6, $0xb8;
	[tilespmem:$0x1FCC0] =	vst v63  }
0xdb: {  	s13 =	simm.s32 $0x50;
	s14 =	simm.s32 $0xFE60  }
0xdc: {  	[tilespmem:s14], [sflag:$0x6] =	stream.indirect.gather [hbm4b:s11+s6], $0x40, s13, s6, $0xb8;
	[tilespmem:$0x1FCC0] =	vst v63  }
0xdd: {  	s13 =	simm.s32 $0x60;
	s14 =	simm.s32 $0x10260  }
0xde: {  	[tilespmem:s14], [sflag:$0x7] =	stream.indirect.gather [hbm4b:s11+s6], $0x40, s13, s6, $0xb8;
	[tilespmem:$0x1FCC0] =	vst v63  }
.Ltmp4:
0xdf: {  	_ = 	snop;
	(pc) =	sbr.rel .LBB2_6-.Ltmp4, $4  }
0xe0: {  	s13 =	simm.s32 $0x70;
	s14 =	simm.s32 $0x10660  }
0xe1: {  	[tilespmem:s14], [sflag:$0x8] =	stream.indirect.gather [hbm4b:s11+s6], $0x40, s13, s6, $0xb8;
	[tilespmem:$0x1FCC0] =	vst v63  }
0xe2: {  	s14 =	simm.s32 $0x80  }
0xe3: {  	[tilespmem:s15], [sflag:$0x9] =	stream.indirect.gather [hbm4b:s11+s6], $0x40, s14, s6, $0xb8;
	[tilespmem:$0x1FCC0] =	vst v63  }
.LBB2_58:
.Ltmp5:
0xe4: {  	(pc) =	sbr.rel @p0 .LBB2_61-.Ltmp5, $1  }
0xe5: {  	_ =	sdelay $0x3  }
.LBB2_59:
0xe6: {  	v1 =	vld [tilespmem:s11+$0x4EB0]  }
0xe7: {  	v2 =	vld [tilespmem:s11+$0x9CD0];
	_ =	sdelay $0x4  }
0xe8: {  	v3 =	vsub.f32 $0.0e+00, v2  }
0xe9: {  	v2 =	vmax.f32 v2, $0.0e+00  }
0xea: {  	[tilespmem:v1+s22+$0x0] =	vst.idx.add.f32.msk $0xffff, v2;
	v2 =	vmax.f32 v3, $0.0e+00  }
0xeb: {  	[tilespmem:v1+s24+$0x0] =	vst.idx.add.f32.msk $0xffff, v2  }
.LBB2_60:
0xec: {  	s10 =	sadd.s32 $0x280, s10  }
0xed: {  	p3 =	sne.s32 s10, $0x13880  }
.Ltmp6:
0xee: {  	_ = 	snop;
	(pc) =	sbr.rel @!p3 .LBB2_61-.Ltmp6, $1  }
0xef: {  	_ =	sdelay $0x3  }
.LBB2_6:
0xf0: {  	_ =	swait.ge [sflag:s16], $0x400  }
0xf1: {  	s11 =	sshra.s32 s10, $0x2;
	s13 =	simm.s32 $0xEA60;
	[sflag:s16] =	ssyncset.done $0x0  }
0xf2: {  	p3 =	seq.s32 s10, $0x0;
	s12 =	sadd.s32 $0x4E20, s11;
	[sflag:s16] =	ssyncadd.s32 $0xFFFFFC00  }
0xf3: {  	[spmem:s19] =	stream.indirect.scatter.add.f32 [tilespmem:s13], [sflag:$0xB], $0x40, s12, s6, $0xb8;
	[tilespmem:$0x1FCC0] =	vst v63  }
0xf4: {  	s12 =	simm.s32 @!p3 $0x14  }
0xf5: {  	_ =	swait.ge @!p3 [sflag:s12], $0x400  }
0xf6: {  	s14 =	simm.s32 @p1 $0x10E60;
	[sflag:s12] =	ssyncset.done @!p3 $0x0  }
0xf7: {  	s13 =	simm.s32 @p1 $0x10;
	[sflag:s12] =	ssyncadd.s32 @!p3 $0xFFFFFC00;
	s12 =	sadd.s32 $0x90, s11  }
0xf8: {  	[tilespmem:s14], [sflag:$0xA] =	stream.indirect.gather @p1 [hbm4b:s20+s13], $0x40, s12, s13, $0xb8;
	[tilespmem:$0x1FCC0] =	vst v63  }
0xf9: {  	s13 =	sshra.s32 @p1 s10, $0x2;
	v1 =	vld @p1 [tilespmem:s11+$0x4E20]  }
0xfa: {  	v2 =	vld @p1 [tilespmem:s13+$0x9C40];
	_ =	sdelay $0x4  }
0xfb: {  	v3 =	vsub.f32 @p1 $0.0e+00, v2  }
0xfc: {  	s13 =	simm.s32 @p1 $0x11260;
	v2 =	vmax.f32 @p1 v2, $0.0e+00  }
0xfd: {  	[tilespmem:v1+s13+$0x0] =	vst.idx.add.f32.msk @p1 $0xffff, v2;
	v2 =	vmax.f32 @p1 v3, $0.0e+00;
	s13 =	simm.s32 @p1 $0x13970  }
0xfe: {  	p3 =	seq.s32 s10, $0x13600;
	s14 =	simm.s32 @!p1 $0x10E60;
	[tilespmem:v1+s13+$0x0] =	vst.idx.add.f32.msk @p1 $0xffff, v2;
	s13 =	simm.s32 @!p1 $0x10  }
0xff: {  	[tilespmem:s14], [sflag:$0xA] =	stream.indirect.gather @!p1 [hbm4b:s21+s13], $0x40, s12, s13, $0xb8;
	[tilespmem:$0x1FCC0] =	vst v63  }
.Ltmp7:
0x100: {  	_ = 	snop;
	(pc) =	sbr.rel @!p3 .LBB2_7-.Ltmp7, $4  }
0x101: {  	_ =	swait.ge [sflag:s18], $0x400  }
0x102: {  	[sflag:s18] =	ssyncset.done $0x0  }
0x103: {  	s13 =	sadd.s32 $0x4E30, s11;
	s14 =	simm.s32 $0xEE60;
	[sflag:s18] =	ssyncadd.s32 $0xFFFFFC00  }
0x104: {  	[spmem:s19] =	stream.indirect.scatter.add.f32 [tilespmem:s14], [sflag:$0xC], $0x40, s13, s6, $0xb8;
	[tilespmem:$0x1FCC0] =	vst v63  }
.Ltmp8:
0x105: {  	(pc) =	sbr.rel @p0 .LBB2_12-.Ltmp8, $4  }
.Ltmp9:
0x106: {  	(pc) =	sbr.rel @!p0 .LBB2_11-.Ltmp9, $4  }
0x107: {  	_ = 	snop  }
0x108: {  	_ = 	snop  }
0x109: {  	_ = 	snop  }
0x10a: {  	_ = 	snop  }
.LBB2_7:
.Ltmp10:
0x10b: {  	(pc) =	sbr.rel @p0 .LBB2_9-.Ltmp10, $4  }
0x10c: {  	_ = 	snop  }
0x10d: {  	_ =	swait.ge [sflag:s2], $0x400  }
0x10e: {  	[sflag:s2] =	ssyncset.done $0x0  }
0x10f: {  	s12 =	sadd.s32 $0xA0, s11;
	s13 =	simm.s32 $0xEA60;
	[sflag:s2] =	ssyncadd.s32 $0xFFFFFC00  }
0x110: {  	[tilespmem:s13], [sflag:$0x1] =	stream.indirect.gather [hbm4b:s20+s6], $0x40, s12, s6, $0xb8;
	[tilespmem:$0x1FCC0] =	vst v63  }
.LBB2_11:
0x111: {  	v1 =	vld [tilespmem:s11+$0x4E30]  }
0x112: {  	v2 =	vld [tilespmem:s11+$0x9C50];
	_ =	sdelay $0x3  }
.Ltmp11:
0x113: {  	_ = 	snop;
	(pc) =	sbr.rel .LBB2_12-.Ltmp11, $4  }
0x114: {  	v3 =	vsub.f32 $0.0e+00, v2  }
0x115: {  	v2 =	vmax.f32 v2, $0.0e+00  }
0x116: {  	[tilespmem:v1+s22+$0x0] =	vst.idx.add.f32.msk $0xffff, v2;
	v2 =	vmax.f32 v3, $0.0e+00  }
0x117: {  	[tilespmem:v1+s24+$0x0] =	vst.idx.add.f32.msk $0xffff, v2  }
.LBB2_9:
0x118: {  	[tilespmem:s13], [sflag:$0x1] =	stream.indirect.gather [hbm4b:s21+s6], $0x40, s12, s6, $0xb8;
	[tilespmem:$0x1FCC0] =	vst v63  }
.LBB2_12:
.Ltmp12:
0x119: {  	(pc) =	sbr.rel @!p3 .LBB2_13-.Ltmp12, $4  }
0x11a: {  	_ =	swait.ge [sflag:s25], $0x400  }
0x11b: {  	[sflag:s25] =	ssyncset.done $0x0  }
0x11c: {  	s12 =	sadd.s32 $0x4E40, s11;
	s13 =	simm.s32 $0xF260;
	[sflag:s25] =	ssyncadd.s32 $0xFFFFFC00  }
0x11d: {  	[spmem:s19] =	stream.indirect.scatter.add.f32 [tilespmem:s13], [sflag:$0xD], $0x40, s12, s6, $0xb8;
	[tilespmem:$0x1FCC0] =	vst v63  }
.Ltmp13:
0x11e: {  	(pc) =	sbr.rel @p0 .LBB2_18-.Ltmp13, $4  }
.Ltmp14:
0x11f: {  	(pc) =	sbr.rel @!p0 .LBB2_17-.Ltmp14, $4  }
0x120: {  	_ = 	snop  }
0x121: {  	_ = 	snop  }
0x122: {  	_ = 	snop  }
0x123: {  	_ = 	snop  }
.LBB2_13:
.Ltmp15:
0x124: {  	(pc) =	sbr.rel @p0 .LBB2_15-.Ltmp15, $4  }
0x125: {  	_ = 	snop  }
0x126: {  	_ =	swait.ge [sflag:s3], $0x400  }
0x127: {  	[sflag:s3] =	ssyncset.done $0x0  }
0x128: {  	s12 =	sadd.s32 $0xB0, s11;
	s13 =	simm.s32 $0xEE60;
	[sflag:s3] =	ssyncadd.s32 $0xFFFFFC00  }
0x129: {  	[tilespmem:s13], [sflag:$0x2] =	stream.indirect.gather [hbm4b:s20+s6], $0x40, s12, s6, $0xb8;
	[tilespmem:$0x1FCC0] =	vst v63  }
.LBB2_17:
0x12a: {  	v1 =	vld [tilespmem:s11+$0x4E40]  }
0x12b: {  	v2 =	vld [tilespmem:s11+$0x9C60];
	_ =	sdelay $0x3  }
.Ltmp16:
0x12c: {  	_ = 	snop;
	(pc) =	sbr.rel .LBB2_18-.Ltmp16, $4  }
0x12d: {  	v3 =	vsub.f32 $0.0e+00, v2  }
0x12e: {  	v2 =	vmax.f32 v2, $0.0e+00  }
0x12f: {  	[tilespmem:v1+s22+$0x0] =	vst.idx.add.f32.msk $0xffff, v2;
	v2 =	vmax.f32 v3, $0.0e+00  }
0x130: {  	[tilespmem:v1+s24+$0x0] =	vst.idx.add.f32.msk $0xffff, v2  }
.LBB2_15:
0x131: {  	[tilespmem:s13], [sflag:$0x2] =	stream.indirect.gather [hbm4b:s21+s6], $0x40, s12, s6, $0xb8;
	[tilespmem:$0x1FCC0] =	vst v63  }
.LBB2_18:
.Ltmp17:
0x132: {  	(pc) =	sbr.rel @!p3 .LBB2_19-.Ltmp17, $4  }
0x133: {  	_ =	swait.ge [sflag:s26], $0x400  }
0x134: {  	[sflag:s26] =	ssyncset.done $0x0  }
0x135: {  	s12 =	sadd.s32 $0x4E50, s11;
	s13 =	simm.s32 $0xF660;
	[sflag:s26] =	ssyncadd.s32 $0xFFFFFC00  }
0x136: {  	[spmem:s19] =	stream.indirect.scatter.add.f32 [tilespmem:s13], [sflag:$0xE], $0x40, s12, s6, $0xb8;
	[tilespmem:$0x1FCC0] =	vst v63  }
.Ltmp18:
0x137: {  	(pc) =	sbr.rel @p0 .LBB2_24-.Ltmp18, $4  }
.Ltmp19:
0x138: {  	(pc) =	sbr.rel @!p0 .LBB2_23-.Ltmp19, $4  }
0x139: {  	_ = 	snop  }
0x13a: {  	_ = 	snop  }
0x13b: {  	_ = 	snop  }
0x13c: {  	_ = 	snop  }
.LBB2_19:
.Ltmp20:
0x13d: {  	(pc) =	sbr.rel @p0 .LBB2_21-.Ltmp20, $4  }
0x13e: {  	_ = 	snop  }
0x13f: {  	_ =	swait.ge [sflag:s4], $0x400  }
0x140: {  	[sflag:s4] =	ssyncset.done $0x0  }
0x141: {  	s12 =	sadd.s32 $0xC0, s11;
	s13 =	simm.s32 $0xF260;
	[sflag:s4] =	ssyncadd.s32 $0xFFFFFC00  }
0x142: {  	[tilespmem:s13], [sflag:$0x3] =	stream.indirect.gather [hbm4b:s20+s6], $0x40, s12, s6, $0xb8;
	[tilespmem:$0x1FCC0] =	vst v63  }
.LBB2_23:
0x143: {  	v1 =	vld [tilespmem:s11+$0x4E50]  }
0x144: {  	v2 =	vld [tilespmem:s11+$0x9C70];
	_ =	sdelay $0x3  }
.Ltmp21:
0x145: {  	_ = 	snop;
	(pc) =	sbr.rel .LBB2_24-.Ltmp21, $4  }
0x146: {  	v3 =	vsub.f32 $0.0e+00, v2  }
0x147: {  	v2 =	vmax.f32 v2, $0.0e+00  }
0x148: {  	[tilespmem:v1+s22+$0x0] =	vst.idx.add.f32.msk $0xffff, v2;
	v2 =	vmax.f32 v3, $0.0e+00  }
0x149: {  	[tilespmem:v1+s24+$0x0] =	vst.idx.add.f32.msk $0xffff, v2  }
.LBB2_21:
0x14a: {  	[tilespmem:s13], [sflag:$0x3] =	stream.indirect.gather [hbm4b:s21+s6], $0x40, s12, s6, $0xb8;
	[tilespmem:$0x1FCC0] =	vst v63  }
.LBB2_24:
.Ltmp22:
0x14b: {  	(pc) =	sbr.rel @!p3 .LBB2_25-.Ltmp22, $4  }
0x14c: {  	_ =	swait.ge [sflag:s28], $0x400  }
0x14d: {  	[sflag:s28] =	ssyncset.done $0x0  }
0x14e: {  	s12 =	sadd.s32 $0x4E60, s11;
	s13 =	simm.s32 $0xFA60;
	[sflag:s28] =	ssyncadd.s32 $0xFFFFFC00  }
0x14f: {  	[spmem:s19] =	stream.indirect.scatter.add.f32 [tilespmem:s13], [sflag:$0xF], $0x40, s12, s6, $0xb8;
	[tilespmem:$0x1FCC0] =	vst v63  }
.Ltmp23:
0x150: {  	(pc) =	sbr.rel @p0 .LBB2_30-.Ltmp23, $4  }
.Ltmp24:
0x151: {  	(pc) =	sbr.rel @!p0 .LBB2_29-.Ltmp24, $4  }
0x152: {  	_ = 	snop  }
0x153: {  	_ = 	snop  }
0x154: {  	_ = 	snop  }
0x155: {  	_ = 	snop  }
.LBB2_25:
.Ltmp25:
0x156: {  	(pc) =	sbr.rel @p0 .LBB2_27-.Ltmp25, $4  }
0x157: {  	_ = 	snop  }
0x158: {  	_ =	swait.ge [sflag:s1], $0x400  }
0x159: {  	[sflag:s1] =	ssyncset.done $0x0  }
0x15a: {  	s12 =	sadd.s32 $0xD0, s11;
	s13 =	simm.s32 $0xF660;
	[sflag:s1] =	ssyncadd.s32 $0xFFFFFC00  }
0x15b: {  	[tilespmem:s13], [sflag:$0x4] =	stream.indirect.gather [hbm4b:s20+s6], $0x40, s12, s6, $0xb8;
	[tilespmem:$0x1FCC0] =	vst v63  }
.LBB2_29:
0x15c: {  	v1 =	vld [tilespmem:s11+$0x4E60]  }
0x15d: {  	v2 =	vld [tilespmem:s11+$0x9C80];
	_ =	sdelay $0x3  }
.Ltmp26:
0x15e: {  	_ = 	snop;
	(pc) =	sbr.rel .LBB2_30-.Ltmp26, $4  }
0x15f: {  	v3 =	vsub.f32 $0.0e+00, v2  }
0x160: {  	v2 =	vmax.f32 v2, $0.0e+00  }
0x161: {  	[tilespmem:v1+s22+$0x0] =	vst.idx.add.f32.msk $0xffff, v2;
	v2 =	vmax.f32 v3, $0.0e+00  }
0x162: {  	[tilespmem:v1+s24+$0x0] =	vst.idx.add.f32.msk $0xffff, v2  }
.LBB2_27:
0x163: {  	[tilespmem:s13], [sflag:$0x4] =	stream.indirect.gather [hbm4b:s21+s6], $0x40, s12, s6, $0xb8;
	[tilespmem:$0x1FCC0] =	vst v63  }
.LBB2_30:
.Ltmp27:
0x164: {  	(pc) =	sbr.rel @!p3 .LBB2_31-.Ltmp27, $4  }
0x165: {  	_ =	swait.ge [sflag:s29], $0x400  }
0x166: {  	[sflag:s29] =	ssyncset.done $0x0  }
0x167: {  	s12 =	sadd.s32 $0x4E70, s11;
	s13 =	simm.s32 $0xFE60;
	[sflag:s29] =	ssyncadd.s32 $0xFFFFFC00  }
0x168: {  	[spmem:s19] =	stream.indirect.scatter.add.f32 [tilespmem:s13], [sflag:$0x10], $0x40, s12, s6, $0xb8;
	[tilespmem:$0x1FCC0] =	vst v63  }
.Ltmp28:
0x169: {  	(pc) =	sbr.rel @p0 .LBB2_36-.Ltmp28, $4  }
.Ltmp29:
0x16a: {  	(pc) =	sbr.rel @!p0 .LBB2_35-.Ltmp29, $4  }
0x16b: {  	_ = 	snop  }
0x16c: {  	_ = 	snop  }
0x16d: {  	_ = 	snop  }
0x16e: {  	_ = 	snop  }
.LBB2_31:
.Ltmp30:
0x16f: {  	(pc) =	sbr.rel @p0 .LBB2_33-.Ltmp30, $4  }
0x170: {  	_ = 	snop  }
0x171: {  	_ =	swait.ge [sflag:s23], $0x400  }
0x172: {  	[sflag:s23] =	ssyncset.done $0x0  }
0x173: {  	s12 =	sadd.s32 $0xE0, s11;
	s13 =	simm.s32 $0xFA60;
	[sflag:s23] =	ssyncadd.s32 $0xFFFFFC00  }
0x174: {  	[tilespmem:s13], [sflag:$0x5] =	stream.indirect.gather [hbm4b:s20+s6], $0x40, s12, s6, $0xb8;
	[tilespmem:$0x1FCC0] =	vst v63  }
.LBB2_35:
0x175: {  	v1 =	vld [tilespmem:s11+$0x4E70]  }
0x176: {  	v2 =	vld [tilespmem:s11+$0x9C90];
	_ =	sdelay $0x3  }
.Ltmp31:
0x177: {  	_ = 	snop;
	(pc) =	sbr.rel .LBB2_36-.Ltmp31, $4  }
0x178: {  	v3 =	vsub.f32 $0.0e+00, v2  }
0x179: {  	v2 =	vmax.f32 v2, $0.0e+00  }
0x17a: {  	[tilespmem:v1+s22+$0x0] =	vst.idx.add.f32.msk $0xffff, v2;
	v2 =	vmax.f32 v3, $0.0e+00  }
0x17b: {  	[tilespmem:v1+s24+$0x0] =	vst.idx.add.f32.msk $0xffff, v2  }
.LBB2_33:
0x17c: {  	[tilespmem:s13], [sflag:$0x5] =	stream.indirect.gather [hbm4b:s21+s6], $0x40, s12, s6, $0xb8;
	[tilespmem:$0x1FCC0] =	vst v63  }
.LBB2_36:
.Ltmp32:
0x17d: {  	(pc) =	sbr.rel @!p3 .LBB2_37-.Ltmp32, $4  }
0x17e: {  	_ =	swait.ge [sflag:s30], $0x400  }
0x17f: {  	[sflag:s30] =	ssyncset.done $0x0  }
0x180: {  	s12 =	sadd.s32 $0x4E80, s11;
	s13 =	simm.s32 $0x10260;
	[sflag:s30] =	ssyncadd.s32 $0xFFFFFC00  }
0x181: {  	[spmem:s19] =	stream.indirect.scatter.add.f32 [tilespmem:s13], [sflag:$0x11], $0x40, s12, s6, $0xb8;
	[tilespmem:$0x1FCC0] =	vst v63  }
.Ltmp33:
0x182: {  	(pc) =	sbr.rel @p0 .LBB2_42-.Ltmp33, $4  }
.Ltmp34:
0x183: {  	(pc) =	sbr.rel @!p0 .LBB2_41-.Ltmp34, $4  }
0x184: {  	_ = 	snop  }
0x185: {  	_ = 	snop  }
0x186: {  	_ = 	snop  }
0x187: {  	_ = 	snop  }
.LBB2_37:
.Ltmp35:
0x188: {  	(pc) =	sbr.rel @p0 .LBB2_39-.Ltmp35, $4  }
0x189: {  	_ = 	snop  }
0x18a: {  	_ =	swait.ge [sflag:s6], $0x400  }
0x18b: {  	[sflag:s6] =	ssyncset.done $0x0  }
0x18c: {  	s12 =	sadd.s32 $0xF0, s11;
	s13 =	simm.s32 $0xFE60;
	[sflag:s6] =	ssyncadd.s32 $0xFFFFFC00  }
0x18d: {  	[tilespmem:s13], [sflag:$0x6] =	stream.indirect.gather [hbm4b:s20+s6], $0x40, s12, s6, $0xb8;
	[tilespmem:$0x1FCC0] =	vst v63  }
.LBB2_41:
0x18e: {  	v1 =	vld [tilespmem:s11+$0x4E80]  }
0x18f: {  	v2 =	vld [tilespmem:s11+$0x9CA0];
	_ =	sdelay $0x3  }
.Ltmp36:
0x190: {  	_ = 	snop;
	(pc) =	sbr.rel .LBB2_42-.Ltmp36, $4  }
0x191: {  	v3 =	vsub.f32 $0.0e+00, v2  }
0x192: {  	v2 =	vmax.f32 v2, $0.0e+00  }
0x193: {  	[tilespmem:v1+s22+$0x0] =	vst.idx.add.f32.msk $0xffff, v2;
	v2 =	vmax.f32 v3, $0.0e+00  }
0x194: {  	[tilespmem:v1+s24+$0x0] =	vst.idx.add.f32.msk $0xffff, v2  }
.LBB2_39:
0x195: {  	[tilespmem:s13], [sflag:$0x6] =	stream.indirect.gather [hbm4b:s21+s6], $0x40, s12, s6, $0xb8;
	[tilespmem:$0x1FCC0] =	vst v63  }
.LBB2_42:
.Ltmp37:
0x196: {  	(pc) =	sbr.rel @!p3 .LBB2_43-.Ltmp37, $4  }
0x197: {  	_ =	swait.ge [sflag:s31], $0x400  }
0x198: {  	[sflag:s31] =	ssyncset.done $0x0  }
0x199: {  	s12 =	sadd.s32 $0x4E90, s11;
	s13 =	simm.s32 $0x10660;
	[sflag:s31] =	ssyncadd.s32 $0xFFFFFC00  }
0x19a: {  	[spmem:s19] =	stream.indirect.scatter.add.f32 [tilespmem:s13], [sflag:$0x12], $0x40, s12, s6, $0xb8;
	[tilespmem:$0x1FCC0] =	vst v63  }
.Ltmp38:
0x19b: {  	(pc) =	sbr.rel @p0 .LBB2_48-.Ltmp38, $4  }
.Ltmp39:
0x19c: {  	(pc) =	sbr.rel @!p0 .LBB2_47-.Ltmp39, $4  }
0x19d: {  	_ = 	snop  }
0x19e: {  	_ = 	snop  }
0x19f: {  	_ = 	snop  }
0x1a0: {  	_ = 	snop  }
.LBB2_43:
.Ltmp40:
0x1a1: {  	(pc) =	sbr.rel @p0 .LBB2_45-.Ltmp40, $4  }
0x1a2: {  	_ = 	snop  }
0x1a3: {  	_ =	swait.ge [sflag:s7], $0x400  }
0x1a4: {  	[sflag:s7] =	ssyncset.done $0x0  }
0x1a5: {  	s12 =	sadd.s32 $0x100, s11;
	s13 =	simm.s32 $0x10260;
	[sflag:s7] =	ssyncadd.s32 $0xFFFFFC00  }
0x1a6: {  	[tilespmem:s13], [sflag:$0x7] =	stream.indirect.gather [hbm4b:s20+s6], $0x40, s12, s6, $0xb8;
	[tilespmem:$0x1FCC0] =	vst v63  }
.LBB2_47:
0x1a7: {  	v1 =	vld [tilespmem:s11+$0x4E90]  }
0x1a8: {  	v2 =	vld [tilespmem:s11+$0x9CB0];
	_ =	sdelay $0x3  }
.Ltmp41:
0x1a9: {  	_ = 	snop;
	(pc) =	sbr.rel .LBB2_48-.Ltmp41, $4  }
0x1aa: {  	v3 =	vsub.f32 $0.0e+00, v2  }
0x1ab: {  	v2 =	vmax.f32 v2, $0.0e+00  }
0x1ac: {  	[tilespmem:v1+s22+$0x0] =	vst.idx.add.f32.msk $0xffff, v2;
	v2 =	vmax.f32 v3, $0.0e+00  }
0x1ad: {  	[tilespmem:v1+s24+$0x0] =	vst.idx.add.f32.msk $0xffff, v2  }
.LBB2_45:
0x1ae: {  	[tilespmem:s13], [sflag:$0x7] =	stream.indirect.gather [hbm4b:s21+s6], $0x40, s12, s6, $0xb8;
	[tilespmem:$0x1FCC0] =	vst v63  }
.LBB2_48:
.Ltmp42:
0x1af: {  	(pc) =	sbr.rel @!p3 .LBB2_49-.Ltmp42, $4  }
0x1b0: {  	_ =	swait.ge [sflag:s17], $0x400  }
0x1b1: {  	[sflag:s17] =	ssyncset.done $0x0  }
0x1b2: {  	s12 =	sadd.s32 $0x4EA0, s11;
	[sflag:s17] =	ssyncadd.s32 $0xFFFFFC00  }
0x1b3: {  	[spmem:s19] =	stream.indirect.scatter.add.f32 [tilespmem:s15], [sflag:$0x13], $0x40, s12, s6, $0xb8;
	[tilespmem:$0x1FCC0] =	vst v63  }
.Ltmp43:
0x1b4: {  	(pc) =	sbr.rel @p0 .LBB2_54-.Ltmp43, $4  }
.Ltmp44:
0x1b5: {  	(pc) =	sbr.rel @!p0 .LBB2_53-.Ltmp44, $4  }
0x1b6: {  	_ = 	snop  }
0x1b7: {  	_ = 	snop  }
0x1b8: {  	_ = 	snop  }
0x1b9: {  	_ = 	snop  }
.LBB2_49:
.Ltmp45:
0x1ba: {  	(pc) =	sbr.rel @p0 .LBB2_51-.Ltmp45, $4  }
0x1bb: {  	_ = 	snop  }
0x1bc: {  	_ =	swait.ge [sflag:s8], $0x400  }
0x1bd: {  	[sflag:s8] =	ssyncset.done $0x0  }
0x1be: {  	s12 =	sadd.s32 $0x110, s11;
	s13 =	simm.s32 $0x10660;
	[sflag:s8] =	ssyncadd.s32 $0xFFFFFC00  }
0x1bf: {  	[tilespmem:s13], [sflag:$0x8] =	stream.indirect.gather [hbm4b:s20+s6], $0x40, s12, s6, $0xb8;
	[tilespmem:$0x1FCC0] =	vst v63  }
.LBB2_53:
0x1c0: {  	v1 =	vld [tilespmem:s11+$0x4EA0]  }
0x1c1: {  	v2 =	vld [tilespmem:s11+$0x9CC0];
	_ =	sdelay $0x3  }
.Ltmp46:
0x1c2: {  	_ = 	snop;
	(pc) =	sbr.rel .LBB2_54-.Ltmp46, $4  }
0x1c3: {  	v3 =	vsub.f32 $0.0e+00, v2  }
0x1c4: {  	v2 =	vmax.f32 v2, $0.0e+00  }
0x1c5: {  	[tilespmem:v1+s22+$0x0] =	vst.idx.add.f32.msk $0xffff, v2;
	v2 =	vmax.f32 v3, $0.0e+00  }
0x1c6: {  	[tilespmem:v1+s24+$0x0] =	vst.idx.add.f32.msk $0xffff, v2  }
.LBB2_51:
0x1c7: {  	[tilespmem:s13], [sflag:$0x8] =	stream.indirect.gather [hbm4b:s21+s6], $0x40, s12, s6, $0xb8;
	[tilespmem:$0x1FCC0] =	vst v63  }
.LBB2_54:
.Ltmp47:
0x1c8: {  	(pc) =	sbr.rel @p3 .LBB2_58-.Ltmp47, $4  }
0x1c9: {  	_ =	swait.ge [sflag:s0], $0x400  }
0x1ca: {  	[sflag:s0] =	ssyncset.done $0x0  }
0x1cb: {  	s12 =	sadd.s32 $0x4EB0, s11;
	s13 =	simm.s32 $0x10E60;
	[sflag:s0] =	ssyncadd.s32 $0xFFFFFC00  }
0x1cc: {  	[spmem:s19] =	stream.indirect.scatter.add.f32 [tilespmem:s13], [sflag:$0x14], $0x40, s12, s6, $0xb8;
	[tilespmem:$0x1FCC0] =	vst v63  }
.Ltmp48:
0x1cd: {  	(pc) =	sbr.rel @p0 .LBB2_57-.Ltmp48, $4  }
0x1ce: {  	_ = 	snop  }
0x1cf: {  	_ =	swait.ge [sflag:s9], $0x400  }
0x1d0: {  	[sflag:s9] =	ssyncset.done $0x0  }
0x1d1: {  	s12 =	sadd.s32 $0x120, s11;
	[sflag:s9] =	ssyncadd.s32 $0xFFFFFC00  }
.Ltmp49:
0x1d2: {  	(pc) =	sbr.rel .LBB2_59-.Ltmp49, $2  }
0x1d3: {  	_ =	sdelay $0x2  }
0x1d4: {  	[tilespmem:s15], [sflag:$0x9] =	stream.indirect.gather [hbm4b:s20+s6], $0x40, s12, s6, $0xb8;
	[tilespmem:$0x1FCC0] =	vst v63  }
.LBB2_57:
.Ltmp50:
0x1d5: {  	(pc) =	sbr.rel .LBB2_60-.Ltmp50, $2  }
0x1d6: {  	_ =	sdelay $0x2  }
0x1d7: {  	[tilespmem:s15], [sflag:$0x9] =	stream.indirect.gather [hbm4b:s21+s6], $0x40, s12, s6, $0xb8;
	[tilespmem:$0x1FCC0] =	vst v63  }
.LBB2_62:
0x1d8: {  	_ =	sfence.sel $0x180000  }
0x1d9: {  	[bflag:$0x0] =	sbarrier.arrive $0xFFFF  }
0x1da: {  	_ =	strace $0x90000047  }
0x1db: {  	s0 =	stileid.u32;
	[bflag:$0x2] =	sbarrier.arrive $0xFFFF  }
0x1dc: {  	p0 =	sne.s32 s0, $0x0;
	s0 =	rddreg [dreg:$0x3]  }
0x1dd: {  	s0 =	sadd.s32 @!p0 $0x100000, s0  }
0x1de: {  	[sflag:s0] =	ssyncadd.tile.s32 @!p0 $0x1;
	_ =	shalt  }
.Lfunc_end2:
_tile_overlayer_lowered:
.L_overlay_start_2:
0x1df: {  	(tag) =	ssettag $0x2  }
0x1e0: {  	s0 =	rddreg [dreg:$0x0];
	s2 =	stileid.u32  }
0x1e1: {  	s1 =	rddreg [dreg:$0x1];
	p0 =	sne.s32 s2, $0x0  }
0x1e2: {  	s3 =	rddreg [dreg:$0x2];
	[bflag:$0x3] =	sbarrier.arrive $0xFFFF;
	s2 =	simm.s32 @!p0 $0x1C15  }
0x1e3: {  	[timem:s3], [sflag:s2] =	dma.local @!p0 [hbm:s0], s1  }
0x1e4: {  	s0 =	simm.s32 @!p0 $0x15  }
0x1e5: {  	_ =	swait.ge @!p0 [sflag:s0], s1  }
0x1e6: {  	s1 =	ssub.s32 @!p0 $0x0, s1;
	[sflag:s0] =	ssyncset.done @!p0 $0x0  }
0x1e7: {  	[sflag:s0] =	ssyncadd.s32 @!p0 s1  }
0x1e8: {  	[bflag:$0x3] =	sbarrier.arrive $0xFFFF  }
0x1e9: {  	_ =	shalt  }

</sc_bundles>
